<compile_context>
chip_gen: v7x
topology: tpu7x:2x2x1
jax: 0.10.2.dev20260603
libtpu: 0.0.44.dev20260713+nightly
codegen_flags: <defaults>
</compile_context>

<pallas_src>
import functools

import jax
import jax.numpy as jnp
from jax import lax
from jax.experimental import pallas as pl
from jax.experimental.pallas import tpu as pltpu
from jax.experimental.pallas import tpu_sc as plsc

N = 10000
E = 320000
EMB = 128
LAYERS = 5
G = 128

_NC, _NS = 2, 16
EDGES_PER_TILE = E // _NS
CHUNK = 80
NCHUNK = EDGES_PER_TILE // CHUNK
ROWS_PER_TILE = 640
TAIL_ROWS = N - 15 * ROWS_PER_TILE
N_PAD = _NS * ROWS_PER_TILE
ZROWS = 80

_sc_mesh = plsc.VectorSubcoreMesh(core_axis_name="c", subcore_axis_name="s")


@functools.partial(
    pl.kernel,
    out_type=jax.ShapeDtypeStruct((2 * N, EMB), jnp.float32),
    mesh=_sc_mesh,
    scratch_types=[
        pltpu.VMEM((CHUNK,), jnp.int32),
        pltpu.VMEM((CHUNK,), jnp.int32),
        pltpu.VMEM((CHUNK, EMB), jnp.float32),
        pltpu.VMEM((ZROWS, EMB), jnp.float32),
        pltpu.VMEM_SHARED((N_PAD, EMB), jnp.float32),
        pltpu.SemaphoreType.DMA,
    ],
)
def _sc_aggregate(h_hbm, src_hbm, dst_hbm, out_hbm, src_v, dst_v, rows_v, zbuf, agg_sh, sem):
    c = lax.axis_index("c")
    s = lax.axis_index("s")

    def _zrow(i, carry):
        for j in range(EMB // 16):
            zbuf[i, pl.ds(j * 16, 16)] = jnp.zeros((16,), jnp.float32)
        return carry

    lax.fori_loop(0, ZROWS, _zrow, 0)
    row0 = pl.multiple_of(s * ROWS_PER_TILE, 8)
    for b in range(ROWS_PER_TILE // ZROWS):
        pltpu.sync_copy(zbuf, agg_sh.at[pl.ds(row0 + b * ZROWS, ZROWS)])
    plsc.subcore_barrier()

    ebase = c * E + s * EDGES_PER_TILE

    def _body(k, carry):
        base = pl.multiple_of(ebase + k * CHUNK, 8)
        pltpu.sync_copy(src_hbm.at[pl.ds(base, CHUNK)], src_v)
        pltpu.sync_copy(dst_hbm.at[pl.ds(base, CHUNK)], dst_v)
        pltpu.async_copy(h_hbm.at[src_v], rows_v, sem).wait()
        pltpu.sync_copy(rows_v, agg_sh.at[dst_v], add=True)
        return carry

    lax.fori_loop(0, NCHUNK, _body, 0)
    plsc.subcore_barrier()

    @pl.when(s < _NS - 1)
    def _full_slice():
        pltpu.sync_copy(
            agg_sh.at[pl.ds(row0, ROWS_PER_TILE)],
            out_hbm.at[pl.ds(c * N + row0, ROWS_PER_TILE)],
        )

    @pl.when(s == _NS - 1)
    def _tail_slice():
        pltpu.sync_copy(
            agg_sh.at[pl.ds(row0, TAIL_ROWS)],
            out_hbm.at[pl.ds(c * N + row0, TAIL_ROWS)],
        )


ROWS_BLK = 2000
GRID = 2 * N // ROWS_BLK


def _mlp_mid_body(eps_ref, h_ref, agg_ref, W1_ref, b1_ref, W2_ref, b2_ref, out_ref):
    m = (1.0 + eps_ref[0, 0]) * h_ref[...] + agg_ref[...]
    t = jnp.maximum(jnp.dot(m, W1_ref[...], preferred_element_type=jnp.float32, precision=lax.Precision.HIGHEST) + b1_ref[...], 0.0)
    o = jnp.dot(t, W2_ref[...], preferred_element_type=jnp.float32, precision=lax.Precision.HIGHEST) + b2_ref[...]
    out_ref[...] = jnp.maximum(o, 0.0)


_mlp_mid = pl.pallas_call(
    _mlp_mid_body,
    grid=(GRID,),
    in_specs=[
        pl.BlockSpec(memory_space=pltpu.SMEM),
        pl.BlockSpec((ROWS_BLK, EMB), lambda i: (i, 0)),
        pl.BlockSpec((ROWS_BLK, EMB), lambda i: (i, 0)),
        pl.BlockSpec((EMB, 2 * EMB), lambda i: (0, 0)),
        pl.BlockSpec((1, 2 * EMB), lambda i: (0, 0)),
        pl.BlockSpec((2 * EMB, EMB), lambda i: (0, 0)),
        pl.BlockSpec((1, EMB), lambda i: (0, 0)),
    ],
    out_specs=pl.BlockSpec((ROWS_BLK, EMB), lambda i: (i, 0)),
    out_shape=jax.ShapeDtypeStruct((2 * N, EMB), jnp.float32),
)


def _mlp_last_body(eps_ref, h_ref, agg_ref, W1_ref, b1_ref, W2_ref, b2_ref,
                   batch_ref, pooled_ref, cnt_ref):
    m = (1.0 + eps_ref[0, 0]) * h_ref[...] + agg_ref[...]
    t = jnp.maximum(jnp.dot(m, W1_ref[...], preferred_element_type=jnp.float32, precision=lax.Precision.HIGHEST) + b1_ref[...], 0.0)
    o = jnp.dot(t, W2_ref[...], preferred_element_type=jnp.float32, precision=lax.Precision.HIGHEST) + b2_ref[...]
    seg = lax.broadcasted_iota(jnp.int32, (2 * G, ROWS_BLK), 0)
    onehotT = (seg == batch_ref[0]).astype(jnp.float32)
    pooled_c = jnp.dot(onehotT, o, preferred_element_type=jnp.float32, precision=lax.Precision.HIGHEST)
    cnt_c = jnp.dot(onehotT, jnp.ones((ROWS_BLK, EMB), jnp.float32),
                    preferred_element_type=jnp.float32, precision=lax.Precision.HIGHEST)

    @pl.when(pl.program_id(0) == 0)
    def _init():
        pooled_ref[...] = jnp.zeros_like(pooled_ref)
        cnt_ref[...] = jnp.zeros_like(cnt_ref)

    pooled_ref[...] += pooled_c
    cnt_ref[...] += cnt_c


_mlp_last = pl.pallas_call(
    _mlp_last_body,
    grid=(GRID,),
    in_specs=[
        pl.BlockSpec(memory_space=pltpu.SMEM),
        pl.BlockSpec((ROWS_BLK, EMB), lambda i: (i, 0)),
        pl.BlockSpec((ROWS_BLK, EMB), lambda i: (i, 0)),
        pl.BlockSpec((EMB, 2 * EMB), lambda i: (0, 0)),
        pl.BlockSpec((1, 2 * EMB), lambda i: (0, 0)),
        pl.BlockSpec((2 * EMB, EMB), lambda i: (0, 0)),
        pl.BlockSpec((1, EMB), lambda i: (0, 0)),
        pl.BlockSpec((1, 1, ROWS_BLK), lambda i: (i, 0, 0)),
    ],
    out_specs=[
        pl.BlockSpec((2 * G, EMB), lambda i: (0, 0)),
        pl.BlockSpec((2 * G, EMB), lambda i: (0, 0)),
    ],
    out_shape=[
        jax.ShapeDtypeStruct((2 * G, EMB), jnp.float32),
        jax.ShapeDtypeStruct((2 * G, EMB), jnp.float32),
    ],
)


def _head_body(pooled_ref, cnt_ref, W1_ref, b1_ref, W2_ref, b2_ref, W3_ref, b3_ref, out_ref):
    pooled = pooled_ref[...] / jnp.maximum(cnt_ref[...], 1.0)
    hcat = jnp.concatenate([pooled[:G, :], pooled[G:, :]], axis=1)
    t = jnp.maximum(jnp.dot(hcat, W1_ref[...], preferred_element_type=jnp.float32, precision=lax.Precision.HIGHEST) + b1_ref[...], 0.0)
    t = jnp.maximum(jnp.dot(t, W2_ref[...], preferred_element_type=jnp.float32, precision=lax.Precision.HIGHEST) + b2_ref[...], 0.0)
    out_ref[...] = jnp.dot(t, W3_ref[...], preferred_element_type=jnp.float32, precision=lax.Precision.HIGHEST) + b3_ref[...]


_head = pl.pallas_call(
    _head_body,
    out_shape=jax.ShapeDtypeStruct((G, 1), jnp.float32),
)


def kernel(x1, x2, edge_index1, edge_index2, batch1, batch2, gin_W1, gin_b1,
           gin_W2, gin_b2, gin_eps, fc1_W, fc1_b, fc2_W, fc2_b, fc3_W, fc3_b):
    h = jnp.concatenate([x1, x2], axis=0)
    src = jnp.concatenate(
        [edge_index1[0], edge_index2[0] + N], axis=0).astype(jnp.int32)
    dst = jnp.concatenate(
        [edge_index1[1], edge_index2[1]], axis=0).astype(jnp.int32)
    batch = jnp.concatenate(
        [batch1, batch2 + G], axis=0).astype(jnp.int32).reshape(GRID, 1, ROWS_BLK)

    pooled = cnt = None
    for l in range(LAYERS):
        agg = _sc_aggregate(h, src, dst)
        eps = gin_eps[l].reshape(1, 1)
        if l < LAYERS - 1:
            h = _mlp_mid(eps, h, agg, gin_W1[l], gin_b1[l].reshape(1, -1),
                         gin_W2[l], gin_b2[l].reshape(1, -1))
        else:
            pooled, cnt = _mlp_last(eps, h, agg, gin_W1[l], gin_b1[l].reshape(1, -1),
                                    gin_W2[l], gin_b2[l].reshape(1, -1), batch)
    return _head(pooled, cnt, fc1_W, fc1_b.reshape(1, -1), fc2_W,
                 fc2_b.reshape(1, -1), fc3_W, fc3_b.reshape(1, 1))

# --- scband reference (transcript-rebuilt; emitter-appended) ---
"""Pipeline reference for scband-model001-30640296689665 (READ-ONLY COPY).

The authoritative reference and input builder live on the scoring server;
editing this copy changes nothing except your own understanding.
"""

import jax, jax.numpy as jnp
import numpy as np

NUM_LAYER = 5
EMB = 128
N_NODES = 10000
N_EDGES = 320000
NUM_GRAPHS = 128

def setup_inputs(seed: int = 0):
    key = jax.random.key(seed)
    ks = jax.random.split(key, 16)
    s = 0.05
    inp = {}
    inp["x1"] = jax.random.normal(ks[0], (N_NODES, EMB), dtype=jnp.float32)
    inp["x2"] = jax.random.normal(ks[1], (N_NODES, EMB), dtype=jnp.float32)
    inp["edge_index1"] = jax.random.randint(ks[2], (2, N_EDGES), 0, N_NODES)
    inp["edge_index2"] = jax.random.randint(ks[3], (2, N_EDGES), 0, N_NODES)
    inp["batch1"] = jnp.sort(jax.random.randint(ks[4], (N_NODES,), 0, NUM_GRAPHS))
    inp["batch2"] = jnp.sort(jax.random.randint(ks[5], (N_NODES,), 0, NUM_GRAPHS))
    inp["gin_W1"] = jax.random.normal(ks[6], (NUM_LAYER, EMB, 2 * EMB), dtype=jnp.float32) * s
    inp["gin_b1"] = jnp.zeros((NUM_LAYER, 2 * EMB), dtype=jnp.float32)
    inp["gin_W2"] = jax.random.normal(ks[7], (NUM_LAYER, 2 * EMB, EMB), dtype=jnp.float32) * s
    inp["gin_b2"] = jnp.zeros((NUM_LAYER, EMB), dtype=jnp.float32)
    inp["gin_eps"] = jnp.zeros((NUM_LAYER,), dtype=jnp.float32)
    inp["fc1_W"] = jax.random.normal(ks[8], (2 * EMB, 128), dtype=jnp.float32) * s
    inp["fc1_b"] = jnp.zeros((128,), dtype=jnp.float32)
    inp["fc2_W"] = jax.random.normal(ks[9], (128, 64), dtype=jnp.float32) * s
    inp["fc2_b"] = jnp.zeros((64,), dtype=jnp.float32)
    inp["fc3_W"] = jax.random.normal(ks[10], (64, 1), dtype=jnp.float32) * s
    inp["fc3_b"] = jnp.zeros((1,), dtype=jnp.float32)
    return inp

def _gin(x, edge_index, batch, W1, b1, W2, b2, eps):
    # GIN message passing: h <- MLP((1+eps)*h + sum_{j in N(i)} h_j), then graph mean-pool
    h = x
    src = edge_index[0]
    dst = edge_index[1]
    for l in range(NUM_LAYER):
        agg = jnp.zeros_like(h).at[dst].add(h[src])
        m = (1.0 + eps[l]) * h + agg
        m = jnp.maximum(m @ W1[l] + b1[l], 0.0) @ W2[l] + b2[l]
        h = jnp.maximum(m, 0.0) if l < NUM_LAYER - 1 else m
    counts = jax.ops.segment_sum(jnp.ones((h.shape[0],), dtype=h.dtype), batch, num_segments=NUM_GRAPHS)
    pooled = jax.ops.segment_sum(h, batch, num_segments=NUM_GRAPHS) / jnp.clip(counts, 1.0)[:, None]
    return pooled

def reference(x1, x2, edge_index1, edge_index2, batch1, batch2, gin_W1, gin_b1, gin_W2, gin_b2, gin_eps, fc1_W, fc1_b, fc2_W, fc2_b, fc3_W, fc3_b):
    # Siamese GIN over two graphs (shared weights), concat pooled embeddings, MLP head -> scalar per graph-pair
    h1 = _gin(x1, edge_index1, batch1, gin_W1, gin_b1, gin_W2, gin_b2, gin_eps)
    h2 = _gin(x2, edge_index2, batch2, gin_W1, gin_b1, gin_W2, gin_b2, gin_eps)
    h = jnp.concatenate([h1, h2], axis=1)
    h = jnp.maximum(h @ fc1_W + fc1_b, 0.0)
    h = jnp.maximum(h @ fc2_W + fc2_b, 0.0)
    return h @ fc3_W + fc3_b

if __name__ == "__main__":
    import jax
    _d = setup_inputs()
    print(jax.jit(kernel)(*tuple(_d.values())))

</pallas_src>

<mosaic_0001>
#map = affine_map<(d0, d1) -> (0, 0)>
#map1 = affine_map<(d0, d1) -> (0)>
module attributes {stable_mosaic.version = 14 : i64} {
  func.func @_sc_aggregate(%arg0: i32, %arg1: i32, %arg2: memref<20000x128xf32, #tpu.memory_space<hbm>>, %arg3: memref<640000xi32, #tpu.memory_space<hbm>>, %arg4: memref<640000xi32, #tpu.memory_space<hbm>>, %arg5: memref<20000x128xf32, #tpu.memory_space<hbm>>, %arg6: memref<80xi32, #tpu.memory_space<vmem>>, %arg7: memref<80xi32, #tpu.memory_space<vmem>>, %arg8: memref<80x128xf32, #tpu.memory_space<vmem>>, %arg9: memref<80x128xf32, #tpu.memory_space<vmem>>, %arg10: memref<10240x128xf32, #tpu.memory_space<vmem_shared>>, %arg11: memref<!tpu.dma_semaphore, #tpu.memory_space<semaphore_mem>>) attributes {dimension_semantics = [#tpu.dimension_semantics<core_parallel>, #tpu.dimension_semantics<subcore_parallel>], iteration_bounds = array<i64: 2, 16>, scalar_prefetch = 0 : i64, scratch_operands = 6 : i64, tpu.core_type = #tpu.core_type<sc_vector_subcore>, window_params = [{transform_indices = #map}, {transform_indices = #map1}, {transform_indices = #map1}, {transform_indices = #map}]} {
    %scan3A = arith.constant 0 : i32
    %scan3A_0 = arith.constant 0 : i32
    %scan3A_1 = arith.constant 80 : i32
    %scan3A_2 = arith.addi %scan3A_0, %scan3A_1 : i32
    %scan3A_3 = arith.constant 1 : i32
    scf.for %scan3A_39 = %scan3A_0 to %scan3A_2 step %scan3A_3  : i32 {
      %broadcast_in_dim3A = arith.constant 0.000000e+00 : f32
      %broadcast_in_dim3A_40 = vector.broadcast %broadcast_in_dim3A : f32 to vector<16xf32>
      %swap3A = arith.index_cast %scan3A_39 : i32 to index
      %swap3A_41 = arith.constant 0 : index
      %swap3A_42 = tpu.vector_load %arg9[%swap3A, %swap3A_41] {strides = array<i32>} : memref<80x128xf32, #tpu.memory_space<vmem>>, vector<1x16xf32>,
      %swap3A_43 = vector.shape_cast %swap3A_42 : vector<1x16xf32> to vector<16xf32>
      %swap3A_44 = vector.shape_cast %broadcast_in_dim3A_40 : vector<16xf32> to vector<1x16xf32>
      tpu.vector_store %arg9[%swap3A, %swap3A_41], %swap3A_44 {strides = array<i32>} : memref<80x128xf32, #tpu.memory_space<vmem>>, vector<1x16xf32>,
      %broadcast_in_dim3A_45 = arith.constant 0.000000e+00 : f32
      %broadcast_in_dim3A_46 = vector.broadcast %broadcast_in_dim3A_45 : f32 to vector<16xf32>
      %swap3A_47 = arith.index_cast %scan3A_39 : i32 to index
      %swap3A_48 = arith.constant 16 : index
      %swap3A_49 = tpu.vector_load %arg9[%swap3A_47, %swap3A_48] {strides = array<i32>} : memref<80x128xf32, #tpu.memory_space<vmem>>, vector<1x16xf32>,
      %swap3A_50 = vector.shape_cast %swap3A_49 : vector<1x16xf32> to vector<16xf32>
      %swap3A_51 = vector.shape_cast %broadcast_in_dim3A_46 : vector<16xf32> to vector<1x16xf32>
      tpu.vector_store %arg9[%swap3A_47, %swap3A_48], %swap3A_51 {strides = array<i32>} : memref<80x128xf32, #tpu.memory_space<vmem>>, vector<1x16xf32>,
      %broadcast_in_dim3A_52 = arith.constant 0.000000e+00 : f32
      %broadcast_in_dim3A_53 = vector.broadcast %broadcast_in_dim3A_52 : f32 to vector<16xf32>
      %swap3A_54 = arith.index_cast %scan3A_39 : i32 to index
      %swap3A_55 = arith.constant 32 : index
      %swap3A_56 = tpu.vector_load %arg9[%swap3A_54, %swap3A_55] {strides = array<i32>} : memref<80x128xf32, #tpu.memory_space<vmem>>, vector<1x16xf32>,
      %swap3A_57 = vector.shape_cast %swap3A_56 : vector<1x16xf32> to vector<16xf32>
      %swap3A_58 = vector.shape_cast %broadcast_in_dim3A_53 : vector<16xf32> to vector<1x16xf32>
      tpu.vector_store %arg9[%swap3A_54, %swap3A_55], %swap3A_58 {strides = array<i32>} : memref<80x128xf32, #tpu.memory_space<vmem>>, vector<1x16xf32>,
      %broadcast_in_dim3A_59 = arith.constant 0.000000e+00 : f32
      %broadcast_in_dim3A_60 = vector.broadcast %broadcast_in_dim3A_59 : f32 to vector<16xf32>
      %swap3A_61 = arith.index_cast %scan3A_39 : i32 to index
      %swap3A_62 = arith.constant 48 : index
      %swap3A_63 = tpu.vector_load %arg9[%swap3A_61, %swap3A_62] {strides = array<i32>} : memref<80x128xf32, #tpu.memory_space<vmem>>, vector<1x16xf32>,
      %swap3A_64 = vector.shape_cast %swap3A_63 : vector<1x16xf32> to vector<16xf32>
      %swap3A_65 = vector.shape_cast %broadcast_in_dim3A_60 : vector<16xf32> to vector<1x16xf32>
      tpu.vector_store %arg9[%swap3A_61, %swap3A_62], %swap3A_65 {strides = array<i32>} : memref<80x128xf32, #tpu.memory_space<vmem>>, vector<1x16xf32>,
      %broadcast_in_dim3A_66 = arith.constant 0.000000e+00 : f32
      %broadcast_in_dim3A_67 = vector.broadcast %broadcast_in_dim3A_66 : f32 to vector<16xf32>
      %swap3A_68 = arith.index_cast %scan3A_39 : i32 to index
      %swap3A_69 = arith.constant 64 : index
      %swap3A_70 = tpu.vector_load %arg9[%swap3A_68, %swap3A_69] {strides = array<i32>} : memref<80x128xf32, #tpu.memory_space<vmem>>, vector<1x16xf32>,
      %swap3A_71 = vector.shape_cast %swap3A_70 : vector<1x16xf32> to vector<16xf32>
      %swap3A_72 = vector.shape_cast %broadcast_in_dim3A_67 : vector<16xf32> to vector<1x16xf32>
      tpu.vector_store %arg9[%swap3A_68, %swap3A_69], %swap3A_72 {strides = array<i32>} : memref<80x128xf32, #tpu.memory_space<vmem>>, vector<1x16xf32>,
      %broadcast_in_dim3A_73 = arith.constant 0.000000e+00 : f32
      %broadcast_in_dim3A_74 = vector.broadcast %broadcast_in_dim3A_73 : f32 to vector<16xf32>
      %swap3A_75 = arith.index_cast %scan3A_39 : i32 to index
      %swap3A_76 = arith.constant 80 : index
      %swap3A_77 = tpu.vector_load %arg9[%swap3A_75, %swap3A_76] {strides = array<i32>} : memref<80x128xf32, #tpu.memory_space<vmem>>, vector<1x16xf32>,
      %swap3A_78 = vector.shape_cast %swap3A_77 : vector<1x16xf32> to vector<16xf32>
      %swap3A_79 = vector.shape_cast %broadcast_in_dim3A_74 : vector<16xf32> to vector<1x16xf32>
      tpu.vector_store %arg9[%swap3A_75, %swap3A_76], %swap3A_79 {strides = array<i32>} : memref<80x128xf32, #tpu.memory_space<vmem>>, vector<1x16xf32>,
      %broadcast_in_dim3A_80 = arith.constant 0.000000e+00 : f32
      %broadcast_in_dim3A_81 = vector.broadcast %broadcast_in_dim3A_80 : f32 to vector<16xf32>
      %swap3A_82 = arith.index_cast %scan3A_39 : i32 to index
      %swap3A_83 = arith.constant 96 : index
      %swap3A_84 = tpu.vector_load %arg9[%swap3A_82, %swap3A_83] {strides = array<i32>} : memref<80x128xf32, #tpu.memory_space<vmem>>, vector<1x16xf32>,
      %swap3A_85 = vector.shape_cast %swap3A_84 : vector<1x16xf32> to vector<16xf32>
      %swap3A_86 = vector.shape_cast %broadcast_in_dim3A_81 : vector<16xf32> to vector<1x16xf32>
      tpu.vector_store %arg9[%swap3A_82, %swap3A_83], %swap3A_86 {strides = array<i32>} : memref<80x128xf32, #tpu.memory_space<vmem>>, vector<1x16xf32>,
      %broadcast_in_dim3A_87 = arith.constant 0.000000e+00 : f32
      %broadcast_in_dim3A_88 = vector.broadcast %broadcast_in_dim3A_87 : f32 to vector<16xf32>
      %swap3A_89 = arith.index_cast %scan3A_39 : i32 to index
      %swap3A_90 = arith.constant 112 : index
      %swap3A_91 = tpu.vector_load %arg9[%swap3A_89, %swap3A_90] {strides = array<i32>} : memref<80x128xf32, #tpu.memory_space<vmem>>, vector<1x16xf32>,
      %swap3A_92 = vector.shape_cast %swap3A_91 : vector<1x16xf32> to vector<16xf32>
      %swap3A_93 = vector.shape_cast %broadcast_in_dim3A_88 : vector<16xf32> to vector<1x16xf32>
      tpu.vector_store %arg9[%swap3A_89, %swap3A_90], %swap3A_93 {strides = array<i32>} : memref<80x128xf32, #tpu.memory_space<vmem>>, vector<1x16xf32>,
    }
    %scan3A_4 = arith.constant 80 : i32
    %mul3A = arith.constant 640 : i32
    %mul3A_5 = arith.muli %arg1, %mul3A : i32
    %multiple_of3A = tpu.assume_multiple %mul3A_5, 8 : i32
    %add3A = arith.constant 0 : i32
    %add3A_6 = arith.addi %multiple_of3A, %add3A : i32
    "tpu.region"() ({
      %run_scoped3A = tpu.sem_alloc : memref<!tpu.dma_semaphore, #tpu.memory_space<semaphore_mem>>
      %dma_start3A = arith.constant 0 : i32
      %dma_start3A_39 = tpu.memref_slice %arg10[%add3A_6, %dma_start3A] : memref<10240x128xf32, #tpu.memory_space<vmem_shared>> -> memref<80x128xf32, #tpu.memory_space<vmem_shared>>
      %dma_start3A_40 = arith.constant 0 : i32
      %dma_start3A_41 = tpu.memref_slice %arg10[%add3A_6, %dma_start3A_40] : memref<10240x128xf32, #tpu.memory_space<vmem_shared>> -> memref<80x128xf32, #tpu.memory_space<vmem_shared>>
      tpu.enqueue_dma source(%arg9 : memref<80x128xf32, #tpu.memory_space<vmem>>) target(%dma_start3A_41 : memref<80x128xf32, #tpu.memory_space<vmem_shared>>) target_semaphore(%run_scoped3A : memref<!tpu.dma_semaphore, #tpu.memory_space<semaphore_mem>>)
      %dma_wait3A = arith.constant 0 : i32
      %dma_wait3A_42 = tpu.memref_slice %arg10[%add3A_6, %dma_wait3A] : memref<10240x128xf32, #tpu.memory_space<vmem_shared>> -> memref<80x128xf32, #tpu.memory_space<vmem_shared>>
      %dma_wait3A_43 = arith.constant 0 : i32
      %dma_wait3A_44 = tpu.memref_slice %arg10[%add3A_6, %dma_wait3A_43] : memref<10240x128xf32, #tpu.memory_space<vmem_shared>> -> memref<80x128xf32, #tpu.memory_space<vmem_shared>>
      tpu.wait_dma2 semaphore(%run_scoped3A : memref<!tpu.dma_semaphore, #tpu.memory_space<semaphore_mem>>) src(%arg9 : memref<80x128xf32, #tpu.memory_space<vmem>>) dst(%dma_wait3A_44 : memref<80x128xf32, #tpu.memory_space<vmem_shared>>)
      tpu.yield
    }) : () -> ()
    %add3A_7 = arith.constant 80 : i32
    %add3A_8 = arith.addi %multiple_of3A, %add3A_7 : i32
    "tpu.region"() ({
      %run_scoped3A = tpu.sem_alloc : memref<!tpu.dma_semaphore, #tpu.memory_space<semaphore_mem>>
      %dma_start3A = arith.constant 0 : i32
      %dma_start3A_39 = tpu.memref_slice %arg10[%add3A_8, %dma_start3A] : memref<10240x128xf32, #tpu.memory_space<vmem_shared>> -> memref<80x128xf32, #tpu.memory_space<vmem_shared>>
      %dma_start3A_40 = arith.constant 0 : i32
      %dma_start3A_41 = tpu.memref_slice %arg10[%add3A_8, %dma_start3A_40] : memref<10240x128xf32, #tpu.memory_space<vmem_shared>> -> memref<80x128xf32, #tpu.memory_space<vmem_shared>>
      tpu.enqueue_dma source(%arg9 : memref<80x128xf32, #tpu.memory_space<vmem>>) target(%dma_start3A_41 : memref<80x128xf32, #tpu.memory_space<vmem_shared>>) target_semaphore(%run_scoped3A : memref<!tpu.dma_semaphore, #tpu.memory_space<semaphore_mem>>)
      %dma_wait3A = arith.constant 0 : i32
      %dma_wait3A_42 = tpu.memref_slice %arg10[%add3A_8, %dma_wait3A] : memref<10240x128xf32, #tpu.memory_space<vmem_shared>> -> memref<80x128xf32, #tpu.memory_space<vmem_shared>>
      %dma_wait3A_43 = arith.constant 0 : i32
      %dma_wait3A_44 = tpu.memref_slice %arg10[%add3A_8, %dma_wait3A_43] : memref<10240x128xf32, #tpu.memory_space<vmem_shared>> -> memref<80x128xf32, #tpu.memory_space<vmem_shared>>
      tpu.wait_dma2 semaphore(%run_scoped3A : memref<!tpu.dma_semaphore, #tpu.memory_space<semaphore_mem>>) src(%arg9 : memref<80x128xf32, #tpu.memory_space<vmem>>) dst(%dma_wait3A_44 : memref<80x128xf32, #tpu.memory_space<vmem_shared>>)
      tpu.yield
    }) : () -> ()
    %add3A_9 = arith.constant 160 : i32
    %add3A_10 = arith.addi %multiple_of3A, %add3A_9 : i32
    "tpu.region"() ({
      %run_scoped3A = tpu.sem_alloc : memref<!tpu.dma_semaphore, #tpu.memory_space<semaphore_mem>>
      %dma_start3A = arith.constant 0 : i32
      %dma_start3A_39 = tpu.memref_slice %arg10[%add3A_10, %dma_start3A] : memref<10240x128xf32, #tpu.memory_space<vmem_shared>> -> memref<80x128xf32, #tpu.memory_space<vmem_shared>>
      %dma_start3A_40 = arith.constant 0 : i32
      %dma_start3A_41 = tpu.memref_slice %arg10[%add3A_10, %dma_start3A_40] : memref<10240x128xf32, #tpu.memory_space<vmem_shared>> -> memref<80x128xf32, #tpu.memory_space<vmem_shared>>
      tpu.enqueue_dma source(%arg9 : memref<80x128xf32, #tpu.memory_space<vmem>>) target(%dma_start3A_41 : memref<80x128xf32, #tpu.memory_space<vmem_shared>>) target_semaphore(%run_scoped3A : memref<!tpu.dma_semaphore, #tpu.memory_space<semaphore_mem>>)
      %dma_wait3A = arith.constant 0 : i32
      %dma_wait3A_42 = tpu.memref_slice %arg10[%add3A_10, %dma_wait3A] : memref<10240x128xf32, #tpu.memory_space<vmem_shared>> -> memref<80x128xf32, #tpu.memory_space<vmem_shared>>
      %dma_wait3A_43 = arith.constant 0 : i32
      %dma_wait3A_44 = tpu.memref_slice %arg10[%add3A_10, %dma_wait3A_43] : memref<10240x128xf32, #tpu.memory_space<vmem_shared>> -> memref<80x128xf32, #tpu.memory_space<vmem_shared>>
      tpu.wait_dma2 semaphore(%run_scoped3A : memref<!tpu.dma_semaphore, #tpu.memory_space<semaphore_mem>>) src(%arg9 : memref<80x128xf32, #tpu.memory_space<vmem>>) dst(%dma_wait3A_44 : memref<80x128xf32, #tpu.memory_space<vmem_shared>>)
      tpu.yield
    }) : () -> ()
    %add3A_11 = arith.constant 240 : i32
    %add3A_12 = arith.addi %multiple_of3A, %add3A_11 : i32
    "tpu.region"() ({
      %run_scoped3A = tpu.sem_alloc : memref<!tpu.dma_semaphore, #tpu.memory_space<semaphore_mem>>
      %dma_start3A = arith.constant 0 : i32
      %dma_start3A_39 = tpu.memref_slice %arg10[%add3A_12, %dma_start3A] : memref<10240x128xf32, #tpu.memory_space<vmem_shared>> -> memref<80x128xf32, #tpu.memory_space<vmem_shared>>
      %dma_start3A_40 = arith.constant 0 : i32
      %dma_start3A_41 = tpu.memref_slice %arg10[%add3A_12, %dma_start3A_40] : memref<10240x128xf32, #tpu.memory_space<vmem_shared>> -> memref<80x128xf32, #tpu.memory_space<vmem_shared>>
      tpu.enqueue_dma source(%arg9 : memref<80x128xf32, #tpu.memory_space<vmem>>) target(%dma_start3A_41 : memref<80x128xf32, #tpu.memory_space<vmem_shared>>) target_semaphore(%run_scoped3A : memref<!tpu.dma_semaphore, #tpu.memory_space<semaphore_mem>>)
      %dma_wait3A = arith.constant 0 : i32
      %dma_wait3A_42 = tpu.memref_slice %arg10[%add3A_12, %dma_wait3A] : memref<10240x128xf32, #tpu.memory_space<vmem_shared>> -> memref<80x128xf32, #tpu.memory_space<vmem_shared>>
      %dma_wait3A_43 = arith.constant 0 : i32
      %dma_wait3A_44 = tpu.memref_slice %arg10[%add3A_12, %dma_wait3A_43] : memref<10240x128xf32, #tpu.memory_space<vmem_shared>> -> memref<80x128xf32, #tpu.memory_space<vmem_shared>>
      tpu.wait_dma2 semaphore(%run_scoped3A : memref<!tpu.dma_semaphore, #tpu.memory_space<semaphore_mem>>) src(%arg9 : memref<80x128xf32, #tpu.memory_space<vmem>>) dst(%dma_wait3A_44 : memref<80x128xf32, #tpu.memory_space<vmem_shared>>)
      tpu.yield
    }) : () -> ()
    %add3A_13 = arith.constant 320 : i32
    %add3A_14 = arith.addi %multiple_of3A, %add3A_13 : i32
    "tpu.region"() ({
      %run_scoped3A = tpu.sem_alloc : memref<!tpu.dma_semaphore, #tpu.memory_space<semaphore_mem>>
      %dma_start3A = arith.constant 0 : i32
      %dma_start3A_39 = tpu.memref_slice %arg10[%add3A_14, %dma_start3A] : memref<10240x128xf32, #tpu.memory_space<vmem_shared>> -> memref<80x128xf32, #tpu.memory_space<vmem_shared>>
      %dma_start3A_40 = arith.constant 0 : i32
      %dma_start3A_41 = tpu.memref_slice %arg10[%add3A_14, %dma_start3A_40] : memref<10240x128xf32, #tpu.memory_space<vmem_shared>> -> memref<80x128xf32, #tpu.memory_space<vmem_shared>>
      tpu.enqueue_dma source(%arg9 : memref<80x128xf32, #tpu.memory_space<vmem>>) target(%dma_start3A_41 : memref<80x128xf32, #tpu.memory_space<vmem_shared>>) target_semaphore(%run_scoped3A : memref<!tpu.dma_semaphore, #tpu.memory_space<semaphore_mem>>)
      %dma_wait3A = arith.constant 0 : i32
      %dma_wait3A_42 = tpu.memref_slice %arg10[%add3A_14, %dma_wait3A] : memref<10240x128xf32, #tpu.memory_space<vmem_shared>> -> memref<80x128xf32, #tpu.memory_space<vmem_shared>>
      %dma_wait3A_43 = arith.constant 0 : i32
      %dma_wait3A_44 = tpu.memref_slice %arg10[%add3A_14, %dma_wait3A_43] : memref<10240x128xf32, #tpu.memory_space<vmem_shared>> -> memref<80x128xf32, #tpu.memory_space<vmem_shared>>
      tpu.wait_dma2 semaphore(%run_scoped3A : memref<!tpu.dma_semaphore, #tpu.memory_space<semaphore_mem>>) src(%arg9 : memref<80x128xf32, #tpu.memory_space<vmem>>) dst(%dma_wait3A_44 : memref<80x128xf32, #tpu.memory_space<vmem_shared>>)
      tpu.yield
    }) : () -> ()
    %add3A_15 = arith.constant 400 : i32
    %add3A_16 = arith.addi %multiple_of3A, %add3A_15 : i32
    "tpu.region"() ({
      %run_scoped3A = tpu.sem_alloc : memref<!tpu.dma_semaphore, #tpu.memory_space<semaphore_mem>>
      %dma_start3A = arith.constant 0 : i32
      %dma_start3A_39 = tpu.memref_slice %arg10[%add3A_16, %dma_start3A] : memref<10240x128xf32, #tpu.memory_space<vmem_shared>> -> memref<80x128xf32, #tpu.memory_space<vmem_shared>>
      %dma_start3A_40 = arith.constant 0 : i32
      %dma_start3A_41 = tpu.memref_slice %arg10[%add3A_16, %dma_start3A_40] : memref<10240x128xf32, #tpu.memory_space<vmem_shared>> -> memref<80x128xf32, #tpu.memory_space<vmem_shared>>
      tpu.enqueue_dma source(%arg9 : memref<80x128xf32, #tpu.memory_space<vmem>>) target(%dma_start3A_41 : memref<80x128xf32, #tpu.memory_space<vmem_shared>>) target_semaphore(%run_scoped3A : memref<!tpu.dma_semaphore, #tpu.memory_space<semaphore_mem>>)
      %dma_wait3A = arith.constant 0 : i32
      %dma_wait3A_42 = tpu.memref_slice %arg10[%add3A_16, %dma_wait3A] : memref<10240x128xf32, #tpu.memory_space<vmem_shared>> -> memref<80x128xf32, #tpu.memory_space<vmem_shared>>
      %dma_wait3A_43 = arith.constant 0 : i32
      %dma_wait3A_44 = tpu.memref_slice %arg10[%add3A_16, %dma_wait3A_43] : memref<10240x128xf32, #tpu.memory_space<vmem_shared>> -> memref<80x128xf32, #tpu.memory_space<vmem_shared>>
      tpu.wait_dma2 semaphore(%run_scoped3A : memref<!tpu.dma_semaphore, #tpu.memory_space<semaphore_mem>>) src(%arg9 : memref<80x128xf32, #tpu.memory_space<vmem>>) dst(%dma_wait3A_44 : memref<80x128xf32, #tpu.memory_space<vmem_shared>>)
      tpu.yield
    }) : () -> ()
    %add3A_17 = arith.constant 480 : i32
    %add3A_18 = arith.addi %multiple_of3A, %add3A_17 : i32
    "tpu.region"() ({
      %run_scoped3A = tpu.sem_alloc : memref<!tpu.dma_semaphore, #tpu.memory_space<semaphore_mem>>
      %dma_start3A = arith.constant 0 : i32
      %dma_start3A_39 = tpu.memref_slice %arg10[%add3A_18, %dma_start3A] : memref<10240x128xf32, #tpu.memory_space<vmem_shared>> -> memref<80x128xf32, #tpu.memory_space<vmem_shared>>
      %dma_start3A_40 = arith.constant 0 : i32
      %dma_start3A_41 = tpu.memref_slice %arg10[%add3A_18, %dma_start3A_40] : memref<10240x128xf32, #tpu.memory_space<vmem_shared>> -> memref<80x128xf32, #tpu.memory_space<vmem_shared>>
      tpu.enqueue_dma source(%arg9 : memref<80x128xf32, #tpu.memory_space<vmem>>) target(%dma_start3A_41 : memref<80x128xf32, #tpu.memory_space<vmem_shared>>) target_semaphore(%run_scoped3A : memref<!tpu.dma_semaphore, #tpu.memory_space<semaphore_mem>>)
      %dma_wait3A = arith.constant 0 : i32
      %dma_wait3A_42 = tpu.memref_slice %arg10[%add3A_18, %dma_wait3A] : memref<10240x128xf32, #tpu.memory_space<vmem_shared>> -> memref<80x128xf32, #tpu.memory_space<vmem_shared>>
      %dma_wait3A_43 = arith.constant 0 : i32
      %dma_wait3A_44 = tpu.memref_slice %arg10[%add3A_18, %dma_wait3A_43] : memref<10240x128xf32, #tpu.memory_space<vmem_shared>> -> memref<80x128xf32, #tpu.memory_space<vmem_shared>>
      tpu.wait_dma2 semaphore(%run_scoped3A : memref<!tpu.dma_semaphore, #tpu.memory_space<semaphore_mem>>) src(%arg9 : memref<80x128xf32, #tpu.memory_space<vmem>>) dst(%dma_wait3A_44 : memref<80x128xf32, #tpu.memory_space<vmem_shared>>)
      tpu.yield
    }) : () -> ()
    %add3A_19 = arith.constant 560 : i32
    %add3A_20 = arith.addi %multiple_of3A, %add3A_19 : i32
    "tpu.region"() ({
      %run_scoped3A = tpu.sem_alloc : memref<!tpu.dma_semaphore, #tpu.memory_space<semaphore_mem>>
      %dma_start3A = arith.constant 0 : i32
      %dma_start3A_39 = tpu.memref_slice %arg10[%add3A_20, %dma_start3A] : memref<10240x128xf32, #tpu.memory_space<vmem_shared>> -> memref<80x128xf32, #tpu.memory_space<vmem_shared>>
      %dma_start3A_40 = arith.constant 0 : i32
      %dma_start3A_41 = tpu.memref_slice %arg10[%add3A_20, %dma_start3A_40] : memref<10240x128xf32, #tpu.memory_space<vmem_shared>> -> memref<80x128xf32, #tpu.memory_space<vmem_shared>>
      tpu.enqueue_dma source(%arg9 : memref<80x128xf32, #tpu.memory_space<vmem>>) target(%dma_start3A_41 : memref<80x128xf32, #tpu.memory_space<vmem_shared>>) target_semaphore(%run_scoped3A : memref<!tpu.dma_semaphore, #tpu.memory_space<semaphore_mem>>)
      %dma_wait3A = arith.constant 0 : i32
      %dma_wait3A_42 = tpu.memref_slice %arg10[%add3A_20, %dma_wait3A] : memref<10240x128xf32, #tpu.memory_space<vmem_shared>> -> memref<80x128xf32, #tpu.memory_space<vmem_shared>>
      %dma_wait3A_43 = arith.constant 0 : i32
      %dma_wait3A_44 = tpu.memref_slice %arg10[%add3A_20, %dma_wait3A_43] : memref<10240x128xf32, #tpu.memory_space<vmem_shared>> -> memref<80x128xf32, #tpu.memory_space<vmem_shared>>
      tpu.wait_dma2 semaphore(%run_scoped3A : memref<!tpu.dma_semaphore, #tpu.memory_space<semaphore_mem>>) src(%arg9 : memref<80x128xf32, #tpu.memory_space<vmem>>) dst(%dma_wait3A_44 : memref<80x128xf32, #tpu.memory_space<vmem_shared>>)
      tpu.yield
    }) : () -> ()
    %barrier3A = arith.constant 0 : index
    tpu.barrier barrier_id(%barrier3A)
    %mul3A_21 = arith.constant 320000 : i32
    %mul3A_22 = arith.muli %arg0, %mul3A_21 : i32
    %mul3A_23 = arith.constant 20000 : i32
    %mul3A_24 = arith.muli %arg1, %mul3A_23 : i32
    %add3A_25 = arith.addi %mul3A_22, %mul3A_24 : i32
    %scan3A_26 = arith.constant 0 : i32
    %scan3A_27 = arith.constant 0 : i32
    %scan3A_28 = arith.constant 250 : i32
    %scan3A_29 = arith.addi %scan3A_27, %scan3A_28 : i32
    %scan3A_30 = arith.constant 1 : i32
    scf.for %scan3A_39 = %scan3A_27 to %scan3A_29 step %scan3A_30  : i32 {
      %mul3A_40 = arith.constant 80 : i32
      %mul3A_41 = arith.muli %scan3A_39, %mul3A_40 : i32
      %add3A_42 = arith.addi %add3A_25, %mul3A_41 : i32
      %multiple_of3A_43 = tpu.assume_multiple %add3A_42, 8 : i32
      "tpu.region"() ({
        %run_scoped3A = tpu.sem_alloc : memref<!tpu.dma_semaphore, #tpu.memory_space<semaphore_mem>>
        %dma_start3A_48 = tpu.memref_slice %arg3[%multiple_of3A_43] : memref<640000xi32, #tpu.memory_space<hbm>> -> memref<80xi32, #tpu.memory_space<hbm>>
        %dma_start3A_49 = tpu.memref_slice %arg3[%multiple_of3A_43] : memref<640000xi32, #tpu.memory_space<hbm>> -> memref<80xi32, #tpu.memory_space<hbm>>
        tpu.enqueue_dma source(%dma_start3A_49 : memref<80xi32, #tpu.memory_space<hbm>>) target(%arg6 : memref<80xi32, #tpu.memory_space<vmem>>) target_semaphore(%run_scoped3A : memref<!tpu.dma_semaphore, #tpu.memory_space<semaphore_mem>>)
        %dma_wait3A_50 = tpu.memref_slice %arg3[%multiple_of3A_43] : memref<640000xi32, #tpu.memory_space<hbm>> -> memref<80xi32, #tpu.memory_space<hbm>>
        %dma_wait3A_51 = tpu.memref_slice %arg3[%multiple_of3A_43] : memref<640000xi32, #tpu.memory_space<hbm>> -> memref<80xi32, #tpu.memory_space<hbm>>
        tpu.wait_dma2 semaphore(%run_scoped3A : memref<!tpu.dma_semaphore, #tpu.memory_space<semaphore_mem>>) src(%dma_wait3A_51 : memref<80xi32, #tpu.memory_space<hbm>>) dst(%arg6 : memref<80xi32, #tpu.memory_space<vmem>>)
        tpu.yield
      }) : () -> ()
      "tpu.region"() ({
        %run_scoped3A = tpu.sem_alloc : memref<!tpu.dma_semaphore, #tpu.memory_space<semaphore_mem>>
        %dma_start3A_48 = tpu.memref_slice %arg4[%multiple_of3A_43] : memref<640000xi32, #tpu.memory_space<hbm>> -> memref<80xi32, #tpu.memory_space<hbm>>
        %dma_start3A_49 = tpu.memref_slice %arg4[%multiple_of3A_43] : memref<640000xi32, #tpu.memory_space<hbm>> -> memref<80xi32, #tpu.memory_space<hbm>>
        tpu.enqueue_dma source(%dma_start3A_49 : memref<80xi32, #tpu.memory_space<hbm>>) target(%arg7 : memref<80xi32, #tpu.memory_space<vmem>>) target_semaphore(%run_scoped3A : memref<!tpu.dma_semaphore, #tpu.memory_space<semaphore_mem>>)
        %dma_wait3A_50 = tpu.memref_slice %arg4[%multiple_of3A_43] : memref<640000xi32, #tpu.memory_space<hbm>> -> memref<80xi32, #tpu.memory_space<hbm>>
        %dma_wait3A_51 = tpu.memref_slice %arg4[%multiple_of3A_43] : memref<640000xi32, #tpu.memory_space<hbm>> -> memref<80xi32, #tpu.memory_space<hbm>>
        tpu.wait_dma2 semaphore(%run_scoped3A : memref<!tpu.dma_semaphore, #tpu.memory_space<semaphore_mem>>) src(%dma_wait3A_51 : memref<80xi32, #tpu.memory_space<hbm>>) dst(%arg7 : memref<80xi32, #tpu.memory_space<vmem>>)
        tpu.yield
      }) : () -> ()
      %dma_start3A = arith.constant 0 : i32
      %dma_start3A_44 = arith.constant 0 : i32
      %dma_start3A_45 = tpu.memref_slice %arg2[%dma_start3A, %dma_start3A_44] : memref<20000x128xf32, #tpu.memory_space<hbm>> -> memref<20000x128xf32, #tpu.memory_space<hbm>>
      tpu.enqueue_indirect_dma source(%dma_start3A_45 : memref<20000x128xf32, #tpu.memory_space<hbm>>) target(%arg8 : memref<80x128xf32, #tpu.memory_space<vmem>>) offsets(%arg6 : memref<80xi32, #tpu.memory_space<vmem>>) semaphore(%arg11 : memref<!tpu.dma_semaphore, #tpu.memory_space<semaphore_mem>>)
      %dma_wait3A = arith.constant 0 : i32
      %dma_wait3A_46 = arith.constant 0 : i32
      %dma_wait3A_47 = tpu.memref_slice %arg2[%dma_wait3A, %dma_wait3A_46] : memref<20000x128xf32, #tpu.memory_space<hbm>> -> memref<20000x128xf32, #tpu.memory_space<hbm>>
      tpu.wait_indirect_dma semaphore(%arg11 : memref<!tpu.dma_semaphore, #tpu.memory_space<semaphore_mem>>) src(%dma_wait3A_47 : memref<20000x128xf32, #tpu.memory_space<hbm>>) dst(%arg8 : memref<80x128xf32, #tpu.memory_space<vmem>>)
      "tpu.region"() ({
        %run_scoped3A = tpu.sem_alloc : memref<!tpu.dma_semaphore, #tpu.memory_space<semaphore_mem>>
        %dma_start3A_48 = arith.constant 0 : i32
        %dma_start3A_49 = arith.constant 0 : i32
        %dma_start3A_50 = tpu.memref_slice %arg10[%dma_start3A_48, %dma_start3A_49] : memref<10240x128xf32, #tpu.memory_space<vmem_shared>> -> memref<10240x128xf32, #tpu.memory_space<vmem_shared>>
        tpu.enqueue_indirect_dma source(%arg8 : memref<80x128xf32, #tpu.memory_space<vmem>>) target(%dma_start3A_50 : memref<10240x128xf32, #tpu.memory_space<vmem_shared>>) offsets(%arg7 : memref<80xi32, #tpu.memory_space<vmem>>) semaphore(%run_scoped3A : memref<!tpu.dma_semaphore, #tpu.memory_space<semaphore_mem>>) {add = true}
        %dma_wait3A_51 = arith.constant 0 : i32
        %dma_wait3A_52 = arith.constant 0 : i32
        %dma_wait3A_53 = tpu.memref_slice %arg10[%dma_wait3A_51, %dma_wait3A_52] : memref<10240x128xf32, #tpu.memory_space<vmem_shared>> -> memref<10240x128xf32, #tpu.memory_space<vmem_shared>>
        tpu.wait_indirect_dma semaphore(%run_scoped3A : memref<!tpu.dma_semaphore, #tpu.memory_space<semaphore_mem>>) src(%arg8 : memref<80x128xf32, #tpu.memory_space<vmem>>) dst(%dma_wait3A_53 : memref<10240x128xf32, #tpu.memory_space<vmem_shared>>)
        tpu.yield
      }) : () -> ()
    }
    %scan3A_31 = arith.constant 250 : i32
    %barrier3A_32 = arith.constant 0 : index
    tpu.barrier barrier_id(%barrier3A_32)
    %lt3A = arith.constant 15 : i32
    %lt3A_33 = arith.cmpi slt, %arg1, %lt3A : i32
    %convert_element_type3A = arith.extui %lt3A_33 : i1 to i32
    %cond3A = arith.constant 0 : i32
    %cond3A_34 = arith.cmpi ne, %convert_element_type3A, %cond3A : i32
    scf.if %cond3A_34 {
      %mul3A_39 = arith.constant 10000 : i32
      %mul3A_40 = arith.muli %arg0, %mul3A_39 : i32
      %add3A_41 = arith.addi %mul3A_40, %multiple_of3A : i32
      "tpu.region"() ({
        %run_scoped3A = tpu.sem_alloc : memref<!tpu.dma_semaphore, #tpu.memory_space<semaphore_mem>>
        %dma_start3A = arith.constant 0 : i32
        %dma_start3A_42 = tpu.memref_slice %arg5[%add3A_41, %dma_start3A] : memref<20000x128xf32, #tpu.memory_space<hbm>> -> memref<640x128xf32, #tpu.memory_space<hbm>>
        %dma_start3A_43 = arith.constant 0 : i32
        %dma_start3A_44 = tpu.memref_slice %arg10[%multiple_of3A, %dma_start3A_43] : memref<10240x128xf32, #tpu.memory_space<vmem_shared>> -> memref<640x128xf32, #tpu.memory_space<vmem_shared>>
        tpu.enqueue_dma source(%dma_start3A_44 : memref<640x128xf32, #tpu.memory_space<vmem_shared>>) target(%dma_start3A_42 : memref<640x128xf32, #tpu.memory_space<hbm>>) target_semaphore(%run_scoped3A : memref<!tpu.dma_semaphore, #tpu.memory_space<semaphore_mem>>)
        %dma_wait3A = arith.constant 0 : i32
        %dma_wait3A_45 = tpu.memref_slice %arg5[%add3A_41, %dma_wait3A] : memref<20000x128xf32, #tpu.memory_space<hbm>> -> memref<640x128xf32, #tpu.memory_space<hbm>>
        %dma_wait3A_46 = arith.constant 0 : i32
        %dma_wait3A_47 = tpu.memref_slice %arg10[%multiple_of3A, %dma_wait3A_46] : memref<10240x128xf32, #tpu.memory_space<vmem_shared>> -> memref<640x128xf32, #tpu.memory_space<vmem_shared>>
        tpu.wait_dma2 semaphore(%run_scoped3A : memref<!tpu.dma_semaphore, #tpu.memory_space<semaphore_mem>>) src(%dma_wait3A_47 : memref<640x128xf32, #tpu.memory_space<vmem_shared>>) dst(%dma_wait3A_45 : memref<640x128xf32, #tpu.memory_space<hbm>>)
        tpu.yield
      }) : () -> ()
    } else {
    }
    %eq3A = arith.constant 15 : i32
    %eq3A_35 = arith.cmpi eq, %arg1, %eq3A : i32
    %convert_element_type3A_36 = arith.extui %eq3A_35 : i1 to i32
    %cond3A_37 = arith.constant 0 : i32
    %cond3A_38 = arith.cmpi ne, %convert_element_type3A_36, %cond3A_37 : i32
    scf.if %cond3A_38 {
      %mul3A_39 = arith.constant 10000 : i32
      %mul3A_40 = arith.muli %arg0, %mul3A_39 : i32
      %add3A_41 = arith.addi %mul3A_40, %multiple_of3A : i32
      "tpu.region"() ({
        %run_scoped3A = tpu.sem_alloc : memref<!tpu.dma_semaphore, #tpu.memory_space<semaphore_mem>>
        %dma_start3A = arith.constant 0 : i32
        %dma_start3A_42 = tpu.memref_slice %arg5[%add3A_41, %dma_start3A] : memref<20000x128xf32, #tpu.memory_space<hbm>> -> memref<400x128xf32, #tpu.memory_space<hbm>>
        %dma_start3A_43 = arith.constant 0 : i32
        %dma_start3A_44 = tpu.memref_slice %arg10[%multiple_of3A, %dma_start3A_43] : memref<10240x128xf32, #tpu.memory_space<vmem_shared>> -> memref<400x128xf32, #tpu.memory_space<vmem_shared>>
        tpu.enqueue_dma source(%dma_start3A_44 : memref<400x128xf32, #tpu.memory_space<vmem_shared>>) target(%dma_start3A_42 : memref<400x128xf32, #tpu.memory_space<hbm>>) target_semaphore(%run_scoped3A : memref<!tpu.dma_semaphore, #tpu.memory_space<semaphore_mem>>)
        %dma_wait3A = arith.constant 0 : i32
        %dma_wait3A_45 = tpu.memref_slice %arg5[%add3A_41, %dma_wait3A] : memref<20000x128xf32, #tpu.memory_space<hbm>> -> memref<400x128xf32, #tpu.memory_space<hbm>>
        %dma_wait3A_46 = arith.constant 0 : i32
        %dma_wait3A_47 = tpu.memref_slice %arg10[%multiple_of3A, %dma_wait3A_46] : memref<10240x128xf32, #tpu.memory_space<vmem_shared>> -> memref<400x128xf32, #tpu.memory_space<vmem_shared>>
        tpu.wait_dma2 semaphore(%run_scoped3A : memref<!tpu.dma_semaphore, #tpu.memory_space<semaphore_mem>>) src(%dma_wait3A_47 : memref<400x128xf32, #tpu.memory_space<vmem_shared>>) dst(%dma_wait3A_45 : memref<400x128xf32, #tpu.memory_space<hbm>>)
        tpu.yield
      }) : () -> ()
    } else {
    }
    return
  }
}

#map = affine_map<(d0, d1) -> (0, 0)>
#map1 = affine_map<(d0, d1) -> (0)>
module attributes {stable_mosaic.version = 14 : i64} {
  func.func @_sc_aggregate(%arg0: i32, %arg1: i32, %arg2: memref<20000x128xf32, #tpu.memory_space<hbm>>, %arg3: memref<640000xi32, #tpu.memory_space<hbm>>, %arg4: memref<640000xi32, #tpu.memory_space<hbm>>, %arg5: memref<20000x128xf32, #tpu.memory_space<hbm>>, %arg6: memref<80xi32, #tpu.memory_space<vmem>>, %arg7: memref<80xi32, #tpu.memory_space<vmem>>, %arg8: memref<80x128xf32, #tpu.memory_space<vmem>>, %arg9: memref<80x128xf32, #tpu.memory_space<vmem>>, %arg10: memref<10240x128xf32, #tpu.memory_space<vmem_shared>>, %arg11: memref<!tpu.dma_semaphore, #tpu.memory_space<semaphore_mem>>) attributes {dimension_semantics = [#tpu.dimension_semantics<core_parallel>, #tpu.dimension_semantics<subcore_parallel>], iteration_bounds = array<i64: 2, 16>, scalar_prefetch = 0 : i64, scratch_operands = 6 : i64, tpu.core_type = #tpu.core_type<sc_vector_subcore>, window_params = [{transform_indices = #map}, {transform_indices = #map1}, {transform_indices = #map1}, {transform_indices = #map}]} {
    %scan3A = arith.constant 0 : i32
    %scan3A_0 = arith.constant 0 : i32
    %scan3A_1 = arith.constant 80 : i32
    %scan3A_2 = arith.addi %scan3A_0, %scan3A_1 : i32
    %scan3A_3 = arith.constant 1 : i32
    scf.for %scan3A_39 = %scan3A_0 to %scan3A_2 step %scan3A_3  : i32 {
      %broadcast_in_dim3A = arith.constant 0.000000e+00 : f32
      %broadcast_in_dim3A_40 = vector.broadcast %broadcast_in_dim3A : f32 to vector<16xf32>
      %swap3A = arith.index_cast %scan3A_39 : i32 to index
      %swap3A_41 = arith.constant 0 : index
      %swap3A_42 = tpu.vector_load %arg9[%swap3A, %swap3A_41] {strides = array<i32>} : memref<80x128xf32, #tpu.memory_space<vmem>>, vector<1x16xf32>,
      %swap3A_43 = vector.shape_cast %swap3A_42 : vector<1x16xf32> to vector<16xf32>
      %swap3A_44 = vector.shape_cast %broadcast_in_dim3A_40 : vector<16xf32> to vector<1x16xf32>
      tpu.vector_store %arg9[%swap3A, %swap3A_41], %swap3A_44 {strides = array<i32>} : memref<80x128xf32, #tpu.memory_space<vmem>>, vector<1x16xf32>,
      %broadcast_in_dim3A_45 = arith.constant 0.000000e+00 : f32
      %broadcast_in_dim3A_46 = vector.broadcast %broadcast_in_dim3A_45 : f32 to vector<16xf32>
      %swap3A_47 = arith.index_cast %scan3A_39 : i32 to index
      %swap3A_48 = arith.constant 16 : index
      %swap3A_49 = tpu.vector_load %arg9[%swap3A_47, %swap3A_48] {strides = array<i32>} : memref<80x128xf32, #tpu.memory_space<vmem>>, vector<1x16xf32>,
      %swap3A_50 = vector.shape_cast %swap3A_49 : vector<1x16xf32> to vector<16xf32>
      %swap3A_51 = vector.shape_cast %broadcast_in_dim3A_46 : vector<16xf32> to vector<1x16xf32>
      tpu.vector_store %arg9[%swap3A_47, %swap3A_48], %swap3A_51 {strides = array<i32>} : memref<80x128xf32, #tpu.memory_space<vmem>>, vector<1x16xf32>,
      %broadcast_in_dim3A_52 = arith.constant 0.000000e+00 : f32
      %broadcast_in_dim3A_53 = vector.broadcast %broadcast_in_dim3A_52 : f32 to vector<16xf32>
      %swap3A_54 = arith.index_cast %scan3A_39 : i32 to index
      %swap3A_55 = arith.constant 32 : index
      %swap3A_56 = tpu.vector_load %arg9[%swap3A_54, %swap3A_55] {strides = array<i32>} : memref<80x128xf32, #tpu.memory_space<vmem>>, vector<1x16xf32>,
      %swap3A_57 = vector.shape_cast %swap3A_56 : vector<1x16xf32> to vector<16xf32>
      %swap3A_58 = vector.shape_cast %broadcast_in_dim3A_53 : vector<16xf32> to vector<1x16xf32>
      tpu.vector_store %arg9[%swap3A_54, %swap3A_55], %swap3A_58 {strides = array<i32>} : memref<80x128xf32, #tpu.memory_space<vmem>>, vector<1x16xf32>,
      %broadcast_in_dim3A_59 = arith.constant 0.000000e+00 : f32
      %broadcast_in_dim3A_60 = vector.broadcast %broadcast_in_dim3A_59 : f32 to vector<16xf32>
      %swap3A_61 = arith.index_cast %scan3A_39 : i32 to index
      %swap3A_62 = arith.constant 48 : index
      %swap3A_63 = tpu.vector_load %arg9[%swap3A_61, %swap3A_62] {strides = array<i32>} : memref<80x128xf32, #tpu.memory_space<vmem>>, vector<1x16xf32>,
      %swap3A_64 = vector.shape_cast %swap3A_63 : vector<1x16xf32> to vector<16xf32>
      %swap3A_65 = vector.shape_cast %broadcast_in_dim3A_60 : vector<16xf32> to vector<1x16xf32>
      tpu.vector_store %arg9[%swap3A_61, %swap3A_62], %swap3A_65 {strides = array<i32>} : memref<80x128xf32, #tpu.memory_space<vmem>>, vector<1x16xf32>,
      %broadcast_in_dim3A_66 = arith.constant 0.000000e+00 : f32
      %broadcast_in_dim3A_67 = vector.broadcast %broadcast_in_dim3A_66 : f32 to vector<16xf32>
      %swap3A_68 = arith.index_cast %scan3A_39 : i32 to index
      %swap3A_69 = arith.constant 64 : index
      %swap3A_70 = tpu.vector_load %arg9[%swap3A_68, %swap3A_69] {strides = array<i32>} : memref<80x128xf32, #tpu.memory_space<vmem>>, vector<1x16xf32>,
      %swap3A_71 = vector.shape_cast %swap3A_70 : vector<1x16xf32> to vector<16xf32>
      %swap3A_72 = vector.shape_cast %broadcast_in_dim3A_67 : vector<16xf32> to vector<1x16xf32>
      tpu.vector_store %arg9[%swap3A_68, %swap3A_69], %swap3A_72 {strides = array<i32>} : memref<80x128xf32, #tpu.memory_space<vmem>>, vector<1x16xf32>,
      %broadcast_in_dim3A_73 = arith.constant 0.000000e+00 : f32
      %broadcast_in_dim3A_74 = vector.broadcast %broadcast_in_dim3A_73 : f32 to vector<16xf32>
      %swap3A_75 = arith.index_cast %scan3A_39 : i32 to index
      %swap3A_76 = arith.constant 80 : index
      %swap3A_77 = tpu.vector_load %arg9[%swap3A_75, %swap3A_76] {strides = array<i32>} : memref<80x128xf32, #tpu.memory_space<vmem>>, vector<1x16xf32>,
      %swap3A_78 = vector.shape_cast %swap3A_77 : vector<1x16xf32> to vector<16xf32>
      %swap3A_79 = vector.shape_cast %broadcast_in_dim3A_74 : vector<16xf32> to vector<1x16xf32>
      tpu.vector_store %arg9[%swap3A_75, %swap3A_76], %swap3A_79 {strides = array<i32>} : memref<80x128xf32, #tpu.memory_space<vmem>>, vector<1x16xf32>,
      %broadcast_in_dim3A_80 = arith.constant 0.000000e+00 : f32
      %broadcast_in_dim3A_81 = vector.broadcast %broadcast_in_dim3A_80 : f32 to vector<16xf32>
      %swap3A_82 = arith.index_cast %scan3A_39 : i32 to index
      %swap3A_83 = arith.constant 96 : index
      %swap3A_84 = tpu.vector_load %arg9[%swap3A_82, %swap3A_83] {strides = array<i32>} : memref<80x128xf32, #tpu.memory_space<vmem>>, vector<1x16xf32>,
      %swap3A_85 = vector.shape_cast %swap3A_84 : vector<1x16xf32> to vector<16xf32>
      %swap3A_86 = vector.shape_cast %broadcast_in_dim3A_81 : vector<16xf32> to vector<1x16xf32>
      tpu.vector_store %arg9[%swap3A_82, %swap3A_83], %swap3A_86 {strides = array<i32>} : memref<80x128xf32, #tpu.memory_space<vmem>>, vector<1x16xf32>,
      %broadcast_in_dim3A_87 = arith.constant 0.000000e+00 : f32
      %broadcast_in_dim3A_88 = vector.broadcast %broadcast_in_dim3A_87 : f32 to vector<16xf32>
      %swap3A_89 = arith.index_cast %scan3A_39 : i32 to index
      %swap3A_90 = arith.constant 112 : index
      %swap3A_91 = tpu.vector_load %arg9[%swap3A_89, %swap3A_90] {strides = array<i32>} : memref<80x128xf32, #tpu.memory_space<vmem>>, vector<1x16xf32>,
      %swap3A_92 = vector.shape_cast %swap3A_91 : vector<1x16xf32> to vector<16xf32>
      %swap3A_93 = vector.shape_cast %broadcast_in_dim3A_88 : vector<16xf32> to vector<1x16xf32>
      tpu.vector_store %arg9[%swap3A_89, %swap3A_90], %swap3A_93 {strides = array<i32>} : memref<80x128xf32, #tpu.memory_space<vmem>>, vector<1x16xf32>,
    }
    %scan3A_4 = arith.constant 80 : i32
    %mul3A = arith.constant 640 : i32
    %mul3A_5 = arith.muli %arg1, %mul3A : i32
    %multiple_of3A = tpu.assume_multiple %mul3A_5, 8 : i32
    %add3A = arith.constant 0 : i32
    %add3A_6 = arith.addi %multiple_of3A, %add3A : i32
    "tpu.region"() ({
      %run_scoped3A = tpu.sem_alloc : memref<!tpu.dma_semaphore, #tpu.memory_space<semaphore_mem>>
      %dma_start3A = arith.constant 0 : i32
      %dma_start3A_39 = tpu.memref_slice %arg10[%add3A_6, %dma_start3A] : memref<10240x128xf32, #tpu.memory_space<vmem_shared>> -> memref<80x128xf32, #tpu.memory_space<vmem_shared>>
      %dma_start3A_40 = arith.constant 0 : i32
      %dma_start3A_41 = tpu.memref_slice %arg10[%add3A_6, %dma_start3A_40] : memref<10240x128xf32, #tpu.memory_space<vmem_shared>> -> memref<80x128xf32, #tpu.memory_space<vmem_shared>>
      tpu.enqueue_dma source(%arg9 : memref<80x128xf32, #tpu.memory_space<vmem>>) target(%dma_start3A_41 : memref<80x128xf32, #tpu.memory_space<vmem_shared>>) target_semaphore(%run_scoped3A : memref<!tpu.dma_semaphore, #tpu.memory_space<semaphore_mem>>)
      %dma_wait3A = arith.constant 0 : i32
      %dma_wait3A_42 = tpu.memref_slice %arg10[%add3A_6, %dma_wait3A] : memref<10240x128xf32, #tpu.memory_space<vmem_shared>> -> memref<80x128xf32, #tpu.memory_space<vmem_shared>>
      %dma_wait3A_43 = arith.constant 0 : i32
      %dma_wait3A_44 = tpu.memref_slice %arg10[%add3A_6, %dma_wait3A_43] : memref<10240x128xf32, #tpu.memory_space<vmem_shared>> -> memref<80x128xf32, #tpu.memory_space<vmem_shared>>
      tpu.wait_dma2 semaphore(%run_scoped3A : memref<!tpu.dma_semaphore, #tpu.memory_space<semaphore_mem>>) src(%arg9 : memref<80x128xf32, #tpu.memory_space<vmem>>) dst(%dma_wait3A_44 : memref<80x128xf32, #tpu.memory_space<vmem_shared>>)
      tpu.yield
    }) : () -> ()
    %add3A_7 = arith.constant 80 : i32
    %add3A_8 = arith.addi %multiple_of3A, %add3A_7 : i32
    "tpu.region"() ({
      %run_scoped3A = tpu.sem_alloc : memref<!tpu.dma_semaphore, #tpu.memory_space<semaphore_mem>>
      %dma_start3A = arith.constant 0 : i32
      %dma_start3A_39 = tpu.memref_slice %arg10[%add3A_8, %dma_start3A] : memref<10240x128xf32, #tpu.memory_space<vmem_shared>> -> memref<80x128xf32, #tpu.memory_space<vmem_shared>>
      %dma_start3A_40 = arith.constant 0 : i32
      %dma_start3A_41 = tpu.memref_slice %arg10[%add3A_8, %dma_start3A_40] : memref<10240x128xf32, #tpu.memory_space<vmem_shared>> -> memref<80x128xf32, #tpu.memory_space<vmem_shared>>
      tpu.enqueue_dma source(%arg9 : memref<80x128xf32, #tpu.memory_space<vmem>>) target(%dma_start3A_41 : memref<80x128xf32, #tpu.memory_space<vmem_shared>>) target_semaphore(%run_scoped3A : memref<!tpu.dma_semaphore, #tpu.memory_space<semaphore_mem>>)
      %dma_wait3A = arith.constant 0 : i32
      %dma_wait3A_42 = tpu.memref_slice %arg10[%add3A_8, %dma_wait3A] : memref<10240x128xf32, #tpu.memory_space<vmem_shared>> -> memref<80x128xf32, #tpu.memory_space<vmem_shared>>
      %dma_wait3A_43 = arith.constant 0 : i32
      %dma_wait3A_44 = tpu.memref_slice %arg10[%add3A_8, %dma_wait3A_43] : memref<10240x128xf32, #tpu.memory_space<vmem_shared>> -> memref<80x128xf32, #tpu.memory_space<vmem_shared>>
      tpu.wait_dma2 semaphore(%run_scoped3A : memref<!tpu.dma_semaphore, #tpu.memory_space<semaphore_mem>>) src(%arg9 : memref<80x128xf32, #tpu.memory_space<vmem>>) dst(%dma_wait3A_44 : memref<80x128xf32, #tpu.memory_space<vmem_shared>>)
      tpu.yield
    }) : () -> ()
    %add3A_9 = arith.constant 160 : i32
    %add3A_10 = arith.addi %multiple_of3A, %add3A_9 : i32
    "tpu.region"() ({
      %run_scoped3A = tpu.sem_alloc : memref<!tpu.dma_semaphore, #tpu.memory_space<semaphore_mem>>
      %dma_start3A = arith.constant 0 : i32
      %dma_start3A_39 = tpu.memref_slice %arg10[%add3A_10, %dma_start3A] : memref<10240x128xf32, #tpu.memory_space<vmem_shared>> -> memref<80x128xf32, #tpu.memory_space<vmem_shared>>
      %dma_start3A_40 = arith.constant 0 : i32
      %dma_start3A_41 = tpu.memref_slice %arg10[%add3A_10, %dma_start3A_40] : memref<10240x128xf32, #tpu.memory_space<vmem_shared>> -> memref<80x128xf32, #tpu.memory_space<vmem_shared>>
      tpu.enqueue_dma source(%arg9 : memref<80x128xf32, #tpu.memory_space<vmem>>) target(%dma_start3A_41 : memref<80x128xf32, #tpu.memory_space<vmem_shared>>) target_semaphore(%run_scoped3A : memref<!tpu.dma_semaphore, #tpu.memory_space<semaphore_mem>>)
      %dma_wait3A = arith.constant 0 : i32
      %dma_wait3A_42 = tpu.memref_slice %arg10[%add3A_10, %dma_wait3A] : memref<10240x128xf32, #tpu.memory_space<vmem_shared>> -> memref<80x128xf32, #tpu.memory_space<vmem_shared>>
      %dma_wait3A_43 = arith.constant 0 : i32
      %dma_wait3A_44 = tpu.memref_slice %arg10[%add3A_10, %dma_wait3A_43] : memref<10240x128xf32, #tpu.memory_space<vmem_shared>> -> memref<80x128xf32, #tpu.memory_space<vmem_shared>>
      tpu.wait_dma2 semaphore(%run_scoped3A : memref<!tpu.dma_semaphore, #tpu.memory_space<semaphore_mem>>) src(%arg9 : memref<80x128xf32, #tpu.memory_space<vmem>>) dst(%dma_wait3A_44 : memref<80x128xf32, #tpu.memory_space<vmem_shared>>)
      tpu.yield
    }) : () -> ()
    %add3A_11 = arith.constant 240 : i32
    %add3A_12 = arith.addi %multiple_of3A, %add3A_11 : i32
    "tpu.region"() ({
      %run_scoped3A = tpu.sem_alloc : memref<!tpu.dma_semaphore, #tpu.memory_space<semaphore_mem>>
      %dma_start3A = arith.constant 0 : i32
      %dma_start3A_39 = tpu.memref_slice %arg10[%add3A_12, %dma_start3A] : memref<10240x128xf32, #tpu.memory_space<vmem_shared>> -> memref<80x128xf32, #tpu.memory_space<vmem_shared>>
      %dma_start3A_40 = arith.constant 0 : i32
      %dma_start3A_41 = tpu.memref_slice %arg10[%add3A_12, %dma_start3A_40] : memref<10240x128xf32, #tpu.memory_space<vmem_shared>> -> memref<80x128xf32, #tpu.memory_space<vmem_shared>>
      tpu.enqueue_dma source(%arg9 : memref<80x128xf32, #tpu.memory_space<vmem>>) target(%dma_start3A_41 : memref<80x128xf32, #tpu.memory_space<vmem_shared>>) target_semaphore(%run_scoped3A : memref<!tpu.dma_semaphore, #tpu.memory_space<semaphore_mem>>)
      %dma_wait3A = arith.constant 0 : i32
      %dma_wait3A_42 = tpu.memref_slice %arg10[%add3A_12, %dma_wait3A] : memref<10240x128xf32, #tpu.memory_space<vmem_shared>> -> memref<80x128xf32, #tpu.memory_space<vmem_shared>>
      %dma_wait3A_43 = arith.constant 0 : i32
      %dma_wait3A_44 = tpu.memref_slice %arg10[%add3A_12, %dma_wait3A_43] : memref<10240x128xf32, #tpu.memory_space<vmem_shared>> -> memref<80x128xf32, #tpu.memory_space<vmem_shared>>
      tpu.wait_dma2 semaphore(%run_scoped3A : memref<!tpu.dma_semaphore, #tpu.memory_space<semaphore_mem>>) src(%arg9 : memref<80x128xf32, #tpu.memory_space<vmem>>) dst(%dma_wait3A_44 : memref<80x128xf32, #tpu.memory_space<vmem_shared>>)
      tpu.yield
    }) : () -> ()
    %add3A_13 = arith.constant 320 : i32
    %add3A_14 = arith.addi %multiple_of3A, %add3A_13 : i32
    "tpu.region"() ({
      %run_scoped3A = tpu.sem_alloc : memref<!tpu.dma_semaphore, #tpu.memory_space<semaphore_mem>>
      %dma_start3A = arith.constant 0 : i32
      %dma_start3A_39 = tpu.memref_slice %arg10[%add3A_14, %dma_start3A] : memref<10240x128xf32, #tpu.memory_space<vmem_shared>> -> memref<80x128xf32, #tpu.memory_space<vmem_shared>>
      %dma_start3A_40 = arith.constant 0 : i32
      %dma_start3A_41 = tpu.memref_slice %arg10[%add3A_14, %dma_start3A_40] : memref<10240x128xf32, #tpu.memory_space<vmem_shared>> -> memref<80x128xf32, #tpu.memory_space<vmem_shared>>
      tpu.enqueue_dma source(%arg9 : memref<80x128xf32, #tpu.memory_space<vmem>>) target(%dma_start3A_41 : memref<80x128xf32, #tpu.memory_space<vmem_shared>>) target_semaphore(%run_scoped3A : memref<!tpu.dma_semaphore, #tpu.memory_space<semaphore_mem>>)
      %dma_wait3A = arith.constant 0 : i32
      %dma_wait3A_42 = tpu.memref_slice %arg10[%add3A_14, %dma_wait3A] : memref<10240x128xf32, #tpu.memory_space<vmem_shared>> -> memref<80x128xf32, #tpu.memory_space<vmem_shared>>
      %dma_wait3A_43 = arith.constant 0 : i32
      %dma_wait3A_44 = tpu.memref_slice %arg10[%add3A_14, %dma_wait3A_43] : memref<10240x128xf32, #tpu.memory_space<vmem_shared>> -> memref<80x128xf32, #tpu.memory_space<vmem_shared>>
      tpu.wait_dma2 semaphore(%run_scoped3A : memref<!tpu.dma_semaphore, #tpu.memory_space<semaphore_mem>>) src(%arg9 : memref<80x128xf32, #tpu.memory_space<vmem>>) dst(%dma_wait3A_44 : memref<80x128xf32, #tpu.memory_space<vmem_shared>>)
      tpu.yield
    }) : () -> ()
    %add3A_15 = arith.constant 400 : i32
    %add3A_16 = arith.addi %multiple_of3A, %add3A_15 : i32
    "tpu.region"() ({
      %run_scoped3A = tpu.sem_alloc : memref<!tpu.dma_semaphore, #tpu.memory_space<semaphore_mem>>
      %dma_start3A = arith.constant 0 : i32
      %dma_start3A_39 = tpu.memref_slice %arg10[%add3A_16, %dma_start3A] : memref<10240x128xf32, #tpu.memory_space<vmem_shared>> -> memref<80x128xf32, #tpu.memory_space<vmem_shared>>
      %dma_start3A_40 = arith.constant 0 : i32
      %dma_start3A_41 = tpu.memref_slice %arg10[%add3A_16, %dma_start3A_40] : memref<10240x128xf32, #tpu.memory_space<vmem_shared>> -> memref<80x128xf32, #tpu.memory_space<vmem_shared>>
      tpu.enqueue_dma source(%arg9 : memref<80x128xf32, #tpu.memory_space<vmem>>) target(%dma_start3A_41 : memref<80x128xf32, #tpu.memory_space<vmem_shared>>) target_semaphore(%run_scoped3A : memref<!tpu.dma_semaphore, #tpu.memory_space<semaphore_mem>>)
      %dma_wait3A = arith.constant 0 : i32
      %dma_wait3A_42 = tpu.memref_slice %arg10[%add3A_16, %dma_wait3A] : memref<10240x128xf32, #tpu.memory_space<vmem_shared>> -> memref<80x128xf32, #tpu.memory_space<vmem_shared>>
      %dma_wait3A_43 = arith.constant 0 : i32
      %dma_wait3A_44 = tpu.memref_slice %arg10[%add3A_16, %dma_wait3A_43] : memref<10240x128xf32, #tpu.memory_space<vmem_shared>> -> memref<80x128xf32, #tpu.memory_space<vmem_shared>>
      tpu.wait_dma2 semaphore(%run_scoped3A : memref<!tpu.dma_semaphore, #tpu.memory_space<semaphore_mem>>) src(%arg9 : memref<80x128xf32, #tpu.memory_space<vmem>>) dst(%dma_wait3A_44 : memref<80x128xf32, #tpu.memory_space<vmem_shared>>)
      tpu.yield
    }) : () -> ()
    %add3A_17 = arith.constant 480 : i32
    %add3A_18 = arith.addi %multiple_of3A, %add3A_17 : i32
    "tpu.region"() ({
      %run_scoped3A = tpu.sem_alloc : memref<!tpu.dma_semaphore, #tpu.memory_space<semaphore_mem>>
      %dma_start3A = arith.constant 0 : i32
      %dma_start3A_39 = tpu.memref_slice %arg10[%add3A_18, %dma_start3A] : memref<10240x128xf32, #tpu.memory_space<vmem_shared>> -> memref<80x128xf32, #tpu.memory_space<vmem_shared>>
      %dma_start3A_40 = arith.constant 0 : i32
      %dma_start3A_41 = tpu.memref_slice %arg10[%add3A_18, %dma_start3A_40] : memref<10240x128xf32, #tpu.memory_space<vmem_shared>> -> memref<80x128xf32, #tpu.memory_space<vmem_shared>>
      tpu.enqueue_dma source(%arg9 : memref<80x128xf32, #tpu.memory_space<vmem>>) target(%dma_start3A_41 : memref<80x128xf32, #tpu.memory_space<vmem_shared>>) target_semaphore(%run_scoped3A : memref<!tpu.dma_semaphore, #tpu.memory_space<semaphore_mem>>)
      %dma_wait3A = arith.constant 0 : i32
      %dma_wait3A_42 = tpu.memref_slice %arg10[%add3A_18, %dma_wait3A] : memref<10240x128xf32, #tpu.memory_space<vmem_shared>> -> memref<80x128xf32, #tpu.memory_space<vmem_shared>>
      %dma_wait3A_43 = arith.constant 0 : i32
      %dma_wait3A_44 = tpu.memref_slice %arg10[%add3A_18, %dma_wait3A_43] : memref<10240x128xf32, #tpu.memory_space<vmem_shared>> -> memref<80x128xf32, #tpu.memory_space<vmem_shared>>
      tpu.wait_dma2 semaphore(%run_scoped3A : memref<!tpu.dma_semaphore, #tpu.memory_space<semaphore_mem>>) src(%arg9 : memref<80x128xf32, #tpu.memory_space<vmem>>) dst(%dma_wait3A_44 : memref<80x128xf32, #tpu.memory_space<vmem_shared>>)
      tpu.yield
    }) : () -> ()
    %add3A_19 = arith.constant 560 : i32
    %add3A_20 = arith.addi %multiple_of3A, %add3A_19 : i32
    "tpu.region"() ({
      %run_scoped3A = tpu.sem_alloc : memref<!tpu.dma_semaphore, #tpu.memory_space<semaphore_mem>>
      %dma_start3A = arith.constant 0 : i32
      %dma_start3A_39 = tpu.memref_slice %arg10[%add3A_20, %dma_start3A] : memref<10240x128xf32, #tpu.memory_space<vmem_shared>> -> memref<80x128xf32, #tpu.memory_space<vmem_shared>>
      %dma_start3A_40 = arith.constant 0 : i32
      %dma_start3A_41 = tpu.memref_slice %arg10[%add3A_20, %dma_start3A_40] : memref<10240x128xf32, #tpu.memory_space<vmem_shared>> -> memref<80x128xf32, #tpu.memory_space<vmem_shared>>
      tpu.enqueue_dma source(%arg9 : memref<80x128xf32, #tpu.memory_space<vmem>>) target(%dma_start3A_41 : memref<80x128xf32, #tpu.memory_space<vmem_shared>>) target_semaphore(%run_scoped3A : memref<!tpu.dma_semaphore, #tpu.memory_space<semaphore_mem>>)
      %dma_wait3A = arith.constant 0 : i32
      %dma_wait3A_42 = tpu.memref_slice %arg10[%add3A_20, %dma_wait3A] : memref<10240x128xf32, #tpu.memory_space<vmem_shared>> -> memref<80x128xf32, #tpu.memory_space<vmem_shared>>
      %dma_wait3A_43 = arith.constant 0 : i32
      %dma_wait3A_44 = tpu.memref_slice %arg10[%add3A_20, %dma_wait3A_43] : memref<10240x128xf32, #tpu.memory_space<vmem_shared>> -> memref<80x128xf32, #tpu.memory_space<vmem_shared>>
      tpu.wait_dma2 semaphore(%run_scoped3A : memref<!tpu.dma_semaphore, #tpu.memory_space<semaphore_mem>>) src(%arg9 : memref<80x128xf32, #tpu.memory_space<vmem>>) dst(%dma_wait3A_44 : memref<80x128xf32, #tpu.memory_space<vmem_shared>>)
      tpu.yield
    }) : () -> ()
    %barrier3A = arith.constant 0 : index
    tpu.barrier barrier_id(%barrier3A)
    %mul3A_21 = arith.constant 320000 : i32
    %mul3A_22 = arith.muli %arg0, %mul3A_21 : i32
    %mul3A_23 = arith.constant 20000 : i32
    %mul3A_24 = arith.muli %arg1, %mul3A_23 : i32
    %add3A_25 = arith.addi %mul3A_22, %mul3A_24 : i32
    %scan3A_26 = arith.constant 0 : i32
    %scan3A_27 = arith.constant 0 : i32
    %scan3A_28 = arith.constant 250 : i32
    %scan3A_29 = arith.addi %scan3A_27, %scan3A_28 : i32
    %scan3A_30 = arith.constant 1 : i32
    scf.for %scan3A_39 = %scan3A_27 to %scan3A_29 step %scan3A_30  : i32 {
      %mul3A_40 = arith.constant 80 : i32
      %mul3A_41 = arith.muli %scan3A_39, %mul3A_40 : i32
      %add3A_42 = arith.addi %add3A_25, %mul3A_41 : i32
      %multiple_of3A_43 = tpu.assume_multiple %add3A_42, 8 : i32
      "tpu.region"() ({
        %run_scoped3A = tpu.sem_alloc : memref<!tpu.dma_semaphore, #tpu.memory_space<semaphore_mem>>
        %dma_start3A_48 = tpu.memref_slice %arg3[%multiple_of3A_43] : memref<640000xi32, #tpu.memory_space<hbm>> -> memref<80xi32, #tpu.memory_space<hbm>>
        %dma_start3A_49 = tpu.memref_slice %arg3[%multiple_of3A_43] : memref<640000xi32, #tpu.memory_space<hbm>> -> memref<80xi32, #tpu.memory_space<hbm>>
        tpu.enqueue_dma source(%dma_start3A_49 : memref<80xi32, #tpu.memory_space<hbm>>) target(%arg6 : memref<80xi32, #tpu.memory_space<vmem>>) target_semaphore(%run_scoped3A : memref<!tpu.dma_semaphore, #tpu.memory_space<semaphore_mem>>)
        %dma_wait3A_50 = tpu.memref_slice %arg3[%multiple_of3A_43] : memref<640000xi32, #tpu.memory_space<hbm>> -> memref<80xi32, #tpu.memory_space<hbm>>
        %dma_wait3A_51 = tpu.memref_slice %arg3[%multiple_of3A_43] : memref<640000xi32, #tpu.memory_space<hbm>> -> memref<80xi32, #tpu.memory_space<hbm>>
        tpu.wait_dma2 semaphore(%run_scoped3A : memref<!tpu.dma_semaphore, #tpu.memory_space<semaphore_mem>>) src(%dma_wait3A_51 : memref<80xi32, #tpu.memory_space<hbm>>) dst(%arg6 : memref<80xi32, #tpu.memory_space<vmem>>)
        tpu.yield
      }) : () -> ()
      "tpu.region"() ({
        %run_scoped3A = tpu.sem_alloc : memref<!tpu.dma_semaphore, #tpu.memory_space<semaphore_mem>>
        %dma_start3A_48 = tpu.memref_slice %arg4[%multiple_of3A_43] : memref<640000xi32, #tpu.memory_space<hbm>> -> memref<80xi32, #tpu.memory_space<hbm>>
        %dma_start3A_49 = tpu.memref_slice %arg4[%multiple_of3A_43] : memref<640000xi32, #tpu.memory_space<hbm>> -> memref<80xi32, #tpu.memory_space<hbm>>
        tpu.enqueue_dma source(%dma_start3A_49 : memref<80xi32, #tpu.memory_space<hbm>>) target(%arg7 : memref<80xi32, #tpu.memory_space<vmem>>) target_semaphore(%run_scoped3A : memref<!tpu.dma_semaphore, #tpu.memory_space<semaphore_mem>>)
        %dma_wait3A_50 = tpu.memref_slice %arg4[%multiple_of3A_43] : memref<640000xi32, #tpu.memory_space<hbm>> -> memref<80xi32, #tpu.memory_space<hbm>>
        %dma_wait3A_51 = tpu.memref_slice %arg4[%multiple_of3A_43] : memref<640000xi32, #tpu.memory_space<hbm>> -> memref<80xi32, #tpu.memory_space<hbm>>
        tpu.wait_dma2 semaphore(%run_scoped3A : memref<!tpu.dma_semaphore, #tpu.memory_space<semaphore_mem>>) src(%dma_wait3A_51 : memref<80xi32, #tpu.memory_space<hbm>>) dst(%arg7 : memref<80xi32, #tpu.memory_space<vmem>>)
        tpu.yield
      }) : () -> ()
      %dma_start3A = arith.constant 0 : i32
      %dma_start3A_44 = arith.constant 0 : i32
      %dma_start3A_45 = tpu.memref_slice %arg2[%dma_start3A, %dma_start3A_44] : memref<20000x128xf32, #tpu.memory_space<hbm>> -> memref<20000x128xf32, #tpu.memory_space<hbm>>
      tpu.enqueue_indirect_dma source(%dma_start3A_45 : memref<20000x128xf32, #tpu.memory_space<hbm>>) target(%arg8 : memref<80x128xf32, #tpu.memory_space<vmem>>) offsets(%arg6 : memref<80xi32, #tpu.memory_space<vmem>>) semaphore(%arg11 : memref<!tpu.dma_semaphore, #tpu.memory_space<semaphore_mem>>)
      %dma_wait3A = arith.constant 0 : i32
      %dma_wait3A_46 = arith.constant 0 : i32
      %dma_wait3A_47 = tpu.memref_slice %arg2[%dma_wait3A, %dma_wait3A_46] : memref<20000x128xf32, #tpu.memory_space<hbm>> -> memref<20000x128xf32, #tpu.memory_space<hbm>>
      tpu.wait_indirect_dma semaphore(%arg11 : memref<!tpu.dma_semaphore, #tpu.memory_space<semaphore_mem>>) src(%dma_wait3A_47 : memref<20000x128xf32, #tpu.memory_space<hbm>>) dst(%arg8 : memref<80x128xf32, #tpu.memory_space<vmem>>)
      "tpu.region"() ({
        %run_scoped3A = tpu.sem_alloc : memref<!tpu.dma_semaphore, #tpu.memory_space<semaphore_mem>>
        %dma_start3A_48 = arith.constant 0 : i32
        %dma_start3A_49 = arith.constant 0 : i32
        %dma_start3A_50 = tpu.memref_slice %arg10[%dma_start3A_48, %dma_start3A_49] : memref<10240x128xf32, #tpu.memory_space<vmem_shared>> -> memref<10240x128xf32, #tpu.memory_space<vmem_shared>>
        tpu.enqueue_indirect_dma source(%arg8 : memref<80x128xf32, #tpu.memory_space<vmem>>) target(%dma_start3A_50 : memref<10240x128xf32, #tpu.memory_space<vmem_shared>>) offsets(%arg7 : memref<80xi32, #tpu.memory_space<vmem>>) semaphore(%run_scoped3A : memref<!tpu.dma_semaphore, #tpu.memory_space<semaphore_mem>>) {add = true}
        %dma_wait3A_51 = arith.constant 0 : i32
        %dma_wait3A_52 = arith.constant 0 : i32
        %dma_wait3A_53 = tpu.memref_slice %arg10[%dma_wait3A_51, %dma_wait3A_52] : memref<10240x128xf32, #tpu.memory_space<vmem_shared>> -> memref<10240x128xf32, #tpu.memory_space<vmem_shared>>
        tpu.wait_indirect_dma semaphore(%run_scoped3A : memref<!tpu.dma_semaphore, #tpu.memory_space<semaphore_mem>>) src(%arg8 : memref<80x128xf32, #tpu.memory_space<vmem>>) dst(%dma_wait3A_53 : memref<10240x128xf32, #tpu.memory_space<vmem_shared>>)
        tpu.yield
      }) : () -> ()
    }
    %scan3A_31 = arith.constant 250 : i32
    %barrier3A_32 = arith.constant 0 : index
    tpu.barrier barrier_id(%barrier3A_32)
    %lt3A = arith.constant 15 : i32
    %lt3A_33 = arith.cmpi slt, %arg1, %lt3A : i32
    %convert_element_type3A = arith.extui %lt3A_33 : i1 to i32
    %cond3A = arith.constant 0 : i32
    %cond3A_34 = arith.cmpi ne, %convert_element_type3A, %cond3A : i32
    scf.if %cond3A_34 {
      %mul3A_39 = arith.constant 10000 : i32
      %mul3A_40 = arith.muli %arg0, %mul3A_39 : i32
      %add3A_41 = arith.addi %mul3A_40, %multiple_of3A : i32
      "tpu.region"() ({
        %run_scoped3A = tpu.sem_alloc : memref<!tpu.dma_semaphore, #tpu.memory_space<semaphore_mem>>
        %dma_start3A = arith.constant 0 : i32
        %dma_start3A_42 = tpu.memref_slice %arg5[%add3A_41, %dma_start3A] : memref<20000x128xf32, #tpu.memory_space<hbm>> -> memref<640x128xf32, #tpu.memory_space<hbm>>
        %dma_start3A_43 = arith.constant 0 : i32
        %dma_start3A_44 = tpu.memref_slice %arg10[%multiple_of3A, %dma_start3A_43] : memref<10240x128xf32, #tpu.memory_space<vmem_shared>> -> memref<640x128xf32, #tpu.memory_space<vmem_shared>>
        tpu.enqueue_dma source(%dma_start3A_44 : memref<640x128xf32, #tpu.memory_space<vmem_shared>>) target(%dma_start3A_42 : memref<640x128xf32, #tpu.memory_space<hbm>>) target_semaphore(%run_scoped3A : memref<!tpu.dma_semaphore, #tpu.memory_space<semaphore_mem>>)
        %dma_wait3A = arith.constant 0 : i32
        %dma_wait3A_45 = tpu.memref_slice %arg5[%add3A_41, %dma_wait3A] : memref<20000x128xf32, #tpu.memory_space<hbm>> -> memref<640x128xf32, #tpu.memory_space<hbm>>
        %dma_wait3A_46 = arith.constant 0 : i32
        %dma_wait3A_47 = tpu.memref_slice %arg10[%multiple_of3A, %dma_wait3A_46] : memref<10240x128xf32, #tpu.memory_space<vmem_shared>> -> memref<640x128xf32, #tpu.memory_space<vmem_shared>>
        tpu.wait_dma2 semaphore(%run_scoped3A : memref<!tpu.dma_semaphore, #tpu.memory_space<semaphore_mem>>) src(%dma_wait3A_47 : memref<640x128xf32, #tpu.memory_space<vmem_shared>>) dst(%dma_wait3A_45 : memref<640x128xf32, #tpu.memory_space<hbm>>)
        tpu.yield
      }) : () -> ()
    } else {
    }
    %eq3A = arith.constant 15 : i32
    %eq3A_35 = arith.cmpi eq, %arg1, %eq3A : i32
    %convert_element_type3A_36 = arith.extui %eq3A_35 : i1 to i32
    %cond3A_37 = arith.constant 0 : i32
    %cond3A_38 = arith.cmpi ne, %convert_element_type3A_36, %cond3A_37 : i32
    scf.if %cond3A_38 {
      %mul3A_39 = arith.constant 10000 : i32
      %mul3A_40 = arith.muli %arg0, %mul3A_39 : i32
      %add3A_41 = arith.addi %mul3A_40, %multiple_of3A : i32
      "tpu.region"() ({
        %run_scoped3A = tpu.sem_alloc : memref<!tpu.dma_semaphore, #tpu.memory_space<semaphore_mem>>
        %dma_start3A = arith.constant 0 : i32
        %dma_start3A_42 = tpu.memref_slice %arg5[%add3A_41, %dma_start3A] : memref<20000x128xf32, #tpu.memory_space<hbm>> -> memref<400x128xf32, #tpu.memory_space<hbm>>
        %dma_start3A_43 = arith.constant 0 : i32
        %dma_start3A_44 = tpu.memref_slice %arg10[%multiple_of3A, %dma_start3A_43] : memref<10240x128xf32, #tpu.memory_space<vmem_shared>> -> memref<400x128xf32, #tpu.memory_space<vmem_shared>>
        tpu.enqueue_dma source(%dma_start3A_44 : memref<400x128xf32, #tpu.memory_space<vmem_shared>>) target(%dma_start3A_42 : memref<400x128xf32, #tpu.memory_space<hbm>>) target_semaphore(%run_scoped3A : memref<!tpu.dma_semaphore, #tpu.memory_space<semaphore_mem>>)
        %dma_wait3A = arith.constant 0 : i32
        %dma_wait3A_45 = tpu.memref_slice %arg5[%add3A_41, %dma_wait3A] : memref<20000x128xf32, #tpu.memory_space<hbm>> -> memref<400x128xf32, #tpu.memory_space<hbm>>
        %dma_wait3A_46 = arith.constant 0 : i32
        %dma_wait3A_47 = tpu.memref_slice %arg10[%multiple_of3A, %dma_wait3A_46] : memref<10240x128xf32, #tpu.memory_space<vmem_shared>> -> memref<400x128xf32, #tpu.memory_space<vmem_shared>>
        tpu.wait_dma2 semaphore(%run_scoped3A : memref<!tpu.dma_semaphore, #tpu.memory_space<semaphore_mem>>) src(%dma_wait3A_47 : memref<400x128xf32, #tpu.memory_space<vmem_shared>>) dst(%dma_wait3A_45 : memref<400x128xf32, #tpu.memory_space<hbm>>)
        tpu.yield
      }) : () -> ()
    } else {
    }
    return
  }
}

#map = affine_map<(d0, d1) -> (0, 0)>
#map1 = affine_map<(d0, d1) -> (0)>
module attributes {stable_mosaic.version = 14 : i64} {
  func.func @_sc_aggregate(%arg0: i32, %arg1: i32, %arg2: memref<20000x128xf32, #tpu.memory_space<hbm>>, %arg3: memref<640000xi32, #tpu.memory_space<hbm>>, %arg4: memref<640000xi32, #tpu.memory_space<hbm>>, %arg5: memref<20000x128xf32, #tpu.memory_space<hbm>>, %arg6: memref<80xi32, #tpu.memory_space<vmem>>, %arg7: memref<80xi32, #tpu.memory_space<vmem>>, %arg8: memref<80x128xf32, #tpu.memory_space<vmem>>, %arg9: memref<80x128xf32, #tpu.memory_space<vmem>>, %arg10: memref<10240x128xf32, #tpu.memory_space<vmem_shared>>, %arg11: memref<!tpu.dma_semaphore, #tpu.memory_space<semaphore_mem>>) attributes {dimension_semantics = [#tpu.dimension_semantics<core_parallel>, #tpu.dimension_semantics<subcore_parallel>], iteration_bounds = array<i64: 2, 16>, scalar_prefetch = 0 : i64, scratch_operands = 6 : i64, tpu.core_type = #tpu.core_type<sc_vector_subcore>, window_params = [{transform_indices = #map}, {transform_indices = #map1}, {transform_indices = #map1}, {transform_indices = #map}]} {
    %scan3A = arith.constant 0 : i32
    %scan3A_0 = arith.constant 0 : i32
    %scan3A_1 = arith.constant 80 : i32
    %scan3A_2 = arith.addi %scan3A_0, %scan3A_1 : i32
    %scan3A_3 = arith.constant 1 : i32
    scf.for %scan3A_39 = %scan3A_0 to %scan3A_2 step %scan3A_3  : i32 {
      %broadcast_in_dim3A = arith.constant 0.000000e+00 : f32
      %broadcast_in_dim3A_40 = vector.broadcast %broadcast_in_dim3A : f32 to vector<16xf32>
      %swap3A = arith.index_cast %scan3A_39 : i32 to index
      %swap3A_41 = arith.constant 0 : index
      %swap3A_42 = tpu.vector_load %arg9[%swap3A, %swap3A_41] {strides = array<i32>} : memref<80x128xf32, #tpu.memory_space<vmem>>, vector<1x16xf32>,
      %swap3A_43 = vector.shape_cast %swap3A_42 : vector<1x16xf32> to vector<16xf32>
      %swap3A_44 = vector.shape_cast %broadcast_in_dim3A_40 : vector<16xf32> to vector<1x16xf32>
      tpu.vector_store %arg9[%swap3A, %swap3A_41], %swap3A_44 {strides = array<i32>} : memref<80x128xf32, #tpu.memory_space<vmem>>, vector<1x16xf32>,
      %broadcast_in_dim3A_45 = arith.constant 0.000000e+00 : f32
      %broadcast_in_dim3A_46 = vector.broadcast %broadcast_in_dim3A_45 : f32 to vector<16xf32>
      %swap3A_47 = arith.index_cast %scan3A_39 : i32 to index
      %swap3A_48 = arith.constant 16 : index
      %swap3A_49 = tpu.vector_load %arg9[%swap3A_47, %swap3A_48] {strides = array<i32>} : memref<80x128xf32, #tpu.memory_space<vmem>>, vector<1x16xf32>,
      %swap3A_50 = vector.shape_cast %swap3A_49 : vector<1x16xf32> to vector<16xf32>
      %swap3A_51 = vector.shape_cast %broadcast_in_dim3A_46 : vector<16xf32> to vector<1x16xf32>
      tpu.vector_store %arg9[%swap3A_47, %swap3A_48], %swap3A_51 {strides = array<i32>} : memref<80x128xf32, #tpu.memory_space<vmem>>, vector<1x16xf32>,
      %broadcast_in_dim3A_52 = arith.constant 0.000000e+00 : f32
      %broadcast_in_dim3A_53 = vector.broadcast %broadcast_in_dim3A_52 : f32 to vector<16xf32>
      %swap3A_54 = arith.index_cast %scan3A_39 : i32 to index
      %swap3A_55 = arith.constant 32 : index
      %swap3A_56 = tpu.vector_load %arg9[%swap3A_54, %swap3A_55] {strides = array<i32>} : memref<80x128xf32, #tpu.memory_space<vmem>>, vector<1x16xf32>,
      %swap3A_57 = vector.shape_cast %swap3A_56 : vector<1x16xf32> to vector<16xf32>
      %swap3A_58 = vector.shape_cast %broadcast_in_dim3A_53 : vector<16xf32> to vector<1x16xf32>
      tpu.vector_store %arg9[%swap3A_54, %swap3A_55], %swap3A_58 {strides = array<i32>} : memref<80x128xf32, #tpu.memory_space<vmem>>, vector<1x16xf32>,
      %broadcast_in_dim3A_59 = arith.constant 0.000000e+00 : f32
      %broadcast_in_dim3A_60 = vector.broadcast %broadcast_in_dim3A_59 : f32 to vector<16xf32>
      %swap3A_61 = arith.index_cast %scan3A_39 : i32 to index
      %swap3A_62 = arith.constant 48 : index
      %swap3A_63 = tpu.vector_load %arg9[%swap3A_61, %swap3A_62] {strides = array<i32>} : memref<80x128xf32, #tpu.memory_space<vmem>>, vector<1x16xf32>,
      %swap3A_64 = vector.shape_cast %swap3A_63 : vector<1x16xf32> to vector<16xf32>
      %swap3A_65 = vector.shape_cast %broadcast_in_dim3A_60 : vector<16xf32> to vector<1x16xf32>
      tpu.vector_store %arg9[%swap3A_61, %swap3A_62], %swap3A_65 {strides = array<i32>} : memref<80x128xf32, #tpu.memory_space<vmem>>, vector<1x16xf32>,
      %broadcast_in_dim3A_66 = arith.constant 0.000000e+00 : f32
      %broadcast_in_dim3A_67 = vector.broadcast %broadcast_in_dim3A_66 : f32 to vector<16xf32>
      %swap3A_68 = arith.index_cast %scan3A_39 : i32 to index
      %swap3A_69 = arith.constant 64 : index
      %swap3A_70 = tpu.vector_load %arg9[%swap3A_68, %swap3A_69] {strides = array<i32>} : memref<80x128xf32, #tpu.memory_space<vmem>>, vector<1x16xf32>,
      %swap3A_71 = vector.shape_cast %swap3A_70 : vector<1x16xf32> to vector<16xf32>
      %swap3A_72 = vector.shape_cast %broadcast_in_dim3A_67 : vector<16xf32> to vector<1x16xf32>
      tpu.vector_store %arg9[%swap3A_68, %swap3A_69], %swap3A_72 {strides = array<i32>} : memref<80x128xf32, #tpu.memory_space<vmem>>, vector<1x16xf32>,
      %broadcast_in_dim3A_73 = arith.constant 0.000000e+00 : f32
      %broadcast_in_dim3A_74 = vector.broadcast %broadcast_in_dim3A_73 : f32 to vector<16xf32>
      %swap3A_75 = arith.index_cast %scan3A_39 : i32 to index
      %swap3A_76 = arith.constant 80 : index
      %swap3A_77 = tpu.vector_load %arg9[%swap3A_75, %swap3A_76] {strides = array<i32>} : memref<80x128xf32, #tpu.memory_space<vmem>>, vector<1x16xf32>,
      %swap3A_78 = vector.shape_cast %swap3A_77 : vector<1x16xf32> to vector<16xf32>
      %swap3A_79 = vector.shape_cast %broadcast_in_dim3A_74 : vector<16xf32> to vector<1x16xf32>
      tpu.vector_store %arg9[%swap3A_75, %swap3A_76], %swap3A_79 {strides = array<i32>} : memref<80x128xf32, #tpu.memory_space<vmem>>, vector<1x16xf32>,
      %broadcast_in_dim3A_80 = arith.constant 0.000000e+00 : f32
      %broadcast_in_dim3A_81 = vector.broadcast %broadcast_in_dim3A_80 : f32 to vector<16xf32>
      %swap3A_82 = arith.index_cast %scan3A_39 : i32 to index
      %swap3A_83 = arith.constant 96 : index
      %swap3A_84 = tpu.vector_load %arg9[%swap3A_82, %swap3A_83] {strides = array<i32>} : memref<80x128xf32, #tpu.memory_space<vmem>>, vector<1x16xf32>,
      %swap3A_85 = vector.shape_cast %swap3A_84 : vector<1x16xf32> to vector<16xf32>
      %swap3A_86 = vector.shape_cast %broadcast_in_dim3A_81 : vector<16xf32> to vector<1x16xf32>
      tpu.vector_store %arg9[%swap3A_82, %swap3A_83], %swap3A_86 {strides = array<i32>} : memref<80x128xf32, #tpu.memory_space<vmem>>, vector<1x16xf32>,
      %broadcast_in_dim3A_87 = arith.constant 0.000000e+00 : f32
      %broadcast_in_dim3A_88 = vector.broadcast %broadcast_in_dim3A_87 : f32 to vector<16xf32>
      %swap3A_89 = arith.index_cast %scan3A_39 : i32 to index
      %swap3A_90 = arith.constant 112 : index
      %swap3A_91 = tpu.vector_load %arg9[%swap3A_89, %swap3A_90] {strides = array<i32>} : memref<80x128xf32, #tpu.memory_space<vmem>>, vector<1x16xf32>,
      %swap3A_92 = vector.shape_cast %swap3A_91 : vector<1x16xf32> to vector<16xf32>
      %swap3A_93 = vector.shape_cast %broadcast_in_dim3A_88 : vector<16xf32> to vector<1x16xf32>
      tpu.vector_store %arg9[%swap3A_89, %swap3A_90], %swap3A_93 {strides = array<i32>} : memref<80x128xf32, #tpu.memory_space<vmem>>, vector<1x16xf32>,
    }
    %scan3A_4 = arith.constant 80 : i32
    %mul3A = arith.constant 640 : i32
    %mul3A_5 = arith.muli %arg1, %mul3A : i32
    %multiple_of3A = tpu.assume_multiple %mul3A_5, 8 : i32
    %add3A = arith.constant 0 : i32
    %add3A_6 = arith.addi %multiple_of3A, %add3A : i32
    "tpu.region"() ({
      %run_scoped3A = tpu.sem_alloc : memref<!tpu.dma_semaphore, #tpu.memory_space<semaphore_mem>>
      %dma_start3A = arith.constant 0 : i32
      %dma_start3A_39 = tpu.memref_slice %arg10[%add3A_6, %dma_start3A] : memref<10240x128xf32, #tpu.memory_space<vmem_shared>> -> memref<80x128xf32, #tpu.memory_space<vmem_shared>>
      %dma_start3A_40 = arith.constant 0 : i32
      %dma_start3A_41 = tpu.memref_slice %arg10[%add3A_6, %dma_start3A_40] : memref<10240x128xf32, #tpu.memory_space<vmem_shared>> -> memref<80x128xf32, #tpu.memory_space<vmem_shared>>
      tpu.enqueue_dma source(%arg9 : memref<80x128xf32, #tpu.memory_space<vmem>>) target(%dma_start3A_41 : memref<80x128xf32, #tpu.memory_space<vmem_shared>>) target_semaphore(%run_scoped3A : memref<!tpu.dma_semaphore, #tpu.memory_space<semaphore_mem>>)
      %dma_wait3A = arith.constant 0 : i32
      %dma_wait3A_42 = tpu.memref_slice %arg10[%add3A_6, %dma_wait3A] : memref<10240x128xf32, #tpu.memory_space<vmem_shared>> -> memref<80x128xf32, #tpu.memory_space<vmem_shared>>
      %dma_wait3A_43 = arith.constant 0 : i32
      %dma_wait3A_44 = tpu.memref_slice %arg10[%add3A_6, %dma_wait3A_43] : memref<10240x128xf32, #tpu.memory_space<vmem_shared>> -> memref<80x128xf32, #tpu.memory_space<vmem_shared>>
      tpu.wait_dma2 semaphore(%run_scoped3A : memref<!tpu.dma_semaphore, #tpu.memory_space<semaphore_mem>>) src(%arg9 : memref<80x128xf32, #tpu.memory_space<vmem>>) dst(%dma_wait3A_44 : memref<80x128xf32, #tpu.memory_space<vmem_shared>>)
      tpu.yield
    }) : () -> ()
    %add3A_7 = arith.constant 80 : i32
    %add3A_8 = arith.addi %multiple_of3A, %add3A_7 : i32
    "tpu.region"() ({
      %run_scoped3A = tpu.sem_alloc : memref<!tpu.dma_semaphore, #tpu.memory_space<semaphore_mem>>
      %dma_start3A = arith.constant 0 : i32
      %dma_start3A_39 = tpu.memref_slice %arg10[%add3A_8, %dma_start3A] : memref<10240x128xf32, #tpu.memory_space<vmem_shared>> -> memref<80x128xf32, #tpu.memory_space<vmem_shared>>
      %dma_start3A_40 = arith.constant 0 : i32
      %dma_start3A_41 = tpu.memref_slice %arg10[%add3A_8, %dma_start3A_40] : memref<10240x128xf32, #tpu.memory_space<vmem_shared>> -> memref<80x128xf32, #tpu.memory_space<vmem_shared>>
      tpu.enqueue_dma source(%arg9 : memref<80x128xf32, #tpu.memory_space<vmem>>) target(%dma_start3A_41 : memref<80x128xf32, #tpu.memory_space<vmem_shared>>) target_semaphore(%run_scoped3A : memref<!tpu.dma_semaphore, #tpu.memory_space<semaphore_mem>>)
      %dma_wait3A = arith.constant 0 : i32
      %dma_wait3A_42 = tpu.memref_slice %arg10[%add3A_8, %dma_wait3A] : memref<10240x128xf32, #tpu.memory_space<vmem_shared>> -> memref<80x128xf32, #tpu.memory_space<vmem_shared>>
      %dma_wait3A_43 = arith.constant 0 : i32
      %dma_wait3A_44 = tpu.memref_slice %arg10[%add3A_8, %dma_wait3A_43] : memref<10240x128xf32, #tpu.memory_space<vmem_shared>> -> memref<80x128xf32, #tpu.memory_space<vmem_shared>>
      tpu.wait_dma2 semaphore(%run_scoped3A : memref<!tpu.dma_semaphore, #tpu.memory_space<semaphore_mem>>) src(%arg9 : memref<80x128xf32, #tpu.memory_space<vmem>>) dst(%dma_wait3A_44 : memref<80x128xf32, #tpu.memory_space<vmem_shared>>)
      tpu.yield
    }) : () -> ()
    %add3A_9 = arith.constant 160 : i32
    %add3A_10 = arith.addi %multiple_of3A, %add3A_9 : i32
    "tpu.region"() ({
      %run_scoped3A = tpu.sem_alloc : memref<!tpu.dma_semaphore, #tpu.memory_space<semaphore_mem>>
      %dma_start3A = arith.constant 0 : i32
      %dma_start3A_39 = tpu.memref_slice %arg10[%add3A_10, %dma_start3A] : memref<10240x128xf32, #tpu.memory_space<vmem_shared>> -> memref<80x128xf32, #tpu.memory_space<vmem_shared>>
      %dma_start3A_40 = arith.constant 0 : i32
      %dma_start3A_41 = tpu.memref_slice %arg10[%add3A_10, %dma_start3A_40] : memref<10240x128xf32, #tpu.memory_space<vmem_shared>> -> memref<80x128xf32, #tpu.memory_space<vmem_shared>>
      tpu.enqueue_dma source(%arg9 : memref<80x128xf32, #tpu.memory_space<vmem>>) target(%dma_start3A_41 : memref<80x128xf32, #tpu.memory_space<vmem_shared>>) target_semaphore(%run_scoped3A : memref<!tpu.dma_semaphore, #tpu.memory_space<semaphore_mem>>)
      %dma_wait3A = arith.constant 0 : i32
      %dma_wait3A_42 = tpu.memref_slice %arg10[%add3A_10, %dma_wait3A] : memref<10240x128xf32, #tpu.memory_space<vmem_shared>> -> memref<80x128xf32, #tpu.memory_space<vmem_shared>>
      %dma_wait3A_43 = arith.constant 0 : i32
      %dma_wait3A_44 = tpu.memref_slice %arg10[%add3A_10, %dma_wait3A_43] : memref<10240x128xf32, #tpu.memory_space<vmem_shared>> -> memref<80x128xf32, #tpu.memory_space<vmem_shared>>
      tpu.wait_dma2 semaphore(%run_scoped3A : memref<!tpu.dma_semaphore, #tpu.memory_space<semaphore_mem>>) src(%arg9 : memref<80x128xf32, #tpu.memory_space<vmem>>) dst(%dma_wait3A_44 : memref<80x128xf32, #tpu.memory_space<vmem_shared>>)
      tpu.yield
    }) : () -> ()
    %add3A_11 = arith.constant 240 : i32
    %add3A_12 = arith.addi %multiple_of3A, %add3A_11 : i32
    "tpu.region"() ({
      %run_scoped3A = tpu.sem_alloc : memref<!tpu.dma_semaphore, #tpu.memory_space<semaphore_mem>>
      %dma_start3A = arith.constant 0 : i32
      %dma_start3A_39 = tpu.memref_slice %arg10[%add3A_12, %dma_start3A] : memref<10240x128xf32, #tpu.memory_space<vmem_shared>> -> memref<80x128xf32, #tpu.memory_space<vmem_shared>>
      %dma_start3A_40 = arith.constant 0 : i32
      %dma_start3A_41 = tpu.memref_slice %arg10[%add3A_12, %dma_start3A_40] : memref<10240x128xf32, #tpu.memory_space<vmem_shared>> -> memref<80x128xf32, #tpu.memory_space<vmem_shared>>
      tpu.enqueue_dma source(%arg9 : memref<80x128xf32, #tpu.memory_space<vmem>>) target(%dma_start3A_41 : memref<80x128xf32, #tpu.memory_space<vmem_shared>>) target_semaphore(%run_scoped3A : memref<!tpu.dma_semaphore, #tpu.memory_space<semaphore_mem>>)
      %dma_wait3A = arith.constant 0 : i32
      %dma_wait3A_42 = tpu.memref_slice %arg10[%add3A_12, %dma_wait3A] : memref<10240x128xf32, #tpu.memory_space<vmem_shared>> -> memref<80x128xf32, #tpu.memory_space<vmem_shared>>
      %dma_wait3A_43 = arith.constant 0 : i32
      %dma_wait3A_44 = tpu.memref_slice %arg10[%add3A_12, %dma_wait3A_43] : memref<10240x128xf32, #tpu.memory_space<vmem_shared>> -> memref<80x128xf32, #tpu.memory_space<vmem_shared>>
      tpu.wait_dma2 semaphore(%run_scoped3A : memref<!tpu.dma_semaphore, #tpu.memory_space<semaphore_mem>>) src(%arg9 : memref<80x128xf32, #tpu.memory_space<vmem>>) dst(%dma_wait3A_44 : memref<80x128xf32, #tpu.memory_space<vmem_shared>>)
      tpu.yield
    }) : () -> ()
    %add3A_13 = arith.constant 320 : i32
    %add3A_14 = arith.addi %multiple_of3A, %add3A_13 : i32
    "tpu.region"() ({
      %run_scoped3A = tpu.sem_alloc : memref<!tpu.dma_semaphore, #tpu.memory_space<semaphore_mem>>
      %dma_start3A = arith.constant 0 : i32
      %dma_start3A_39 = tpu.memref_slice %arg10[%add3A_14, %dma_start3A] : memref<10240x128xf32, #tpu.memory_space<vmem_shared>> -> memref<80x128xf32, #tpu.memory_space<vmem_shared>>
      %dma_start3A_40 = arith.constant 0 : i32
      %dma_start3A_41 = tpu.memref_slice %arg10[%add3A_14, %dma_start3A_40] : memref<10240x128xf32, #tpu.memory_space<vmem_shared>> -> memref<80x128xf32, #tpu.memory_space<vmem_shared>>
      tpu.enqueue_dma source(%arg9 : memref<80x128xf32, #tpu.memory_space<vmem>>) target(%dma_start3A_41 : memref<80x128xf32, #tpu.memory_space<vmem_shared>>) target_semaphore(%run_scoped3A : memref<!tpu.dma_semaphore, #tpu.memory_space<semaphore_mem>>)
      %dma_wait3A = arith.constant 0 : i32
      %dma_wait3A_42 = tpu.memref_slice %arg10[%add3A_14, %dma_wait3A] : memref<10240x128xf32, #tpu.memory_space<vmem_shared>> -> memref<80x128xf32, #tpu.memory_space<vmem_shared>>
      %dma_wait3A_43 = arith.constant 0 : i32
      %dma_wait3A_44 = tpu.memref_slice %arg10[%add3A_14, %dma_wait3A_43] : memref<10240x128xf32, #tpu.memory_space<vmem_shared>> -> memref<80x128xf32, #tpu.memory_space<vmem_shared>>
      tpu.wait_dma2 semaphore(%run_scoped3A : memref<!tpu.dma_semaphore, #tpu.memory_space<semaphore_mem>>) src(%arg9 : memref<80x128xf32, #tpu.memory_space<vmem>>) dst(%dma_wait3A_44 : memref<80x128xf32, #tpu.memory_space<vmem_shared>>)
      tpu.yield
    }) : () -> ()
    %add3A_15 = arith.constant 400 : i32
    %add3A_16 = arith.addi %multiple_of3A, %add3A_15 : i32
    "tpu.region"() ({
      %run_scoped3A = tpu.sem_alloc : memref<!tpu.dma_semaphore, #tpu.memory_space<semaphore_mem>>
      %dma_start3A = arith.constant 0 : i32
      %dma_start3A_39 = tpu.memref_slice %arg10[%add3A_16, %dma_start3A] : memref<10240x128xf32, #tpu.memory_space<vmem_shared>> -> memref<80x128xf32, #tpu.memory_space<vmem_shared>>
      %dma_start3A_40 = arith.constant 0 : i32
      %dma_start3A_41 = tpu.memref_slice %arg10[%add3A_16, %dma_start3A_40] : memref<10240x128xf32, #tpu.memory_space<vmem_shared>> -> memref<80x128xf32, #tpu.memory_space<vmem_shared>>
      tpu.enqueue_dma source(%arg9 : memref<80x128xf32, #tpu.memory_space<vmem>>) target(%dma_start3A_41 : memref<80x128xf32, #tpu.memory_space<vmem_shared>>) target_semaphore(%run_scoped3A : memref<!tpu.dma_semaphore, #tpu.memory_space<semaphore_mem>>)
      %dma_wait3A = arith.constant 0 : i32
      %dma_wait3A_42 = tpu.memref_slice %arg10[%add3A_16, %dma_wait3A] : memref<10240x128xf32, #tpu.memory_space<vmem_shared>> -> memref<80x128xf32, #tpu.memory_space<vmem_shared>>
      %dma_wait3A_43 = arith.constant 0 : i32
      %dma_wait3A_44 = tpu.memref_slice %arg10[%add3A_16, %dma_wait3A_43] : memref<10240x128xf32, #tpu.memory_space<vmem_shared>> -> memref<80x128xf32, #tpu.memory_space<vmem_shared>>
      tpu.wait_dma2 semaphore(%run_scoped3A : memref<!tpu.dma_semaphore, #tpu.memory_space<semaphore_mem>>) src(%arg9 : memref<80x128xf32, #tpu.memory_space<vmem>>) dst(%dma_wait3A_44 : memref<80x128xf32, #tpu.memory_space<vmem_shared>>)
      tpu.yield
    }) : () -> ()
    %add3A_17 = arith.constant 480 : i32
    %add3A_18 = arith.addi %multiple_of3A, %add3A_17 : i32
    "tpu.region"() ({
      %run_scoped3A = tpu.sem_alloc : memref<!tpu.dma_semaphore, #tpu.memory_space<semaphore_mem>>
      %dma_start3A = arith.constant 0 : i32
      %dma_start3A_39 = tpu.memref_slice %arg10[%add3A_18, %dma_start3A] : memref<10240x128xf32, #tpu.memory_space<vmem_shared>> -> memref<80x128xf32, #tpu.memory_space<vmem_shared>>
      %dma_start3A_40 = arith.constant 0 : i32
      %dma_start3A_41 = tpu.memref_slice %arg10[%add3A_18, %dma_start3A_40] : memref<10240x128xf32, #tpu.memory_space<vmem_shared>> -> memref<80x128xf32, #tpu.memory_space<vmem_shared>>
      tpu.enqueue_dma source(%arg9 : memref<80x128xf32, #tpu.memory_space<vmem>>) target(%dma_start3A_41 : memref<80x128xf32, #tpu.memory_space<vmem_shared>>) target_semaphore(%run_scoped3A : memref<!tpu.dma_semaphore, #tpu.memory_space<semaphore_mem>>)
      %dma_wait3A = arith.constant 0 : i32
      %dma_wait3A_42 = tpu.memref_slice %arg10[%add3A_18, %dma_wait3A] : memref<10240x128xf32, #tpu.memory_space<vmem_shared>> -> memref<80x128xf32, #tpu.memory_space<vmem_shared>>
      %dma_wait3A_43 = arith.constant 0 : i32
      %dma_wait3A_44 = tpu.memref_slice %arg10[%add3A_18, %dma_wait3A_43] : memref<10240x128xf32, #tpu.memory_space<vmem_shared>> -> memref<80x128xf32, #tpu.memory_space<vmem_shared>>
      tpu.wait_dma2 semaphore(%run_scoped3A : memref<!tpu.dma_semaphore, #tpu.memory_space<semaphore_mem>>) src(%arg9 : memref<80x128xf32, #tpu.memory_space<vmem>>) dst(%dma_wait3A_44 : memref<80x128xf32, #tpu.memory_space<vmem_shared>>)
      tpu.yield
    }) : () -> ()
    %add3A_19 = arith.constant 560 : i32
    %add3A_20 = arith.addi %multiple_of3A, %add3A_19 : i32
    "tpu.region"() ({
      %run_scoped3A = tpu.sem_alloc : memref<!tpu.dma_semaphore, #tpu.memory_space<semaphore_mem>>
      %dma_start3A = arith.constant 0 : i32
      %dma_start3A_39 = tpu.memref_slice %arg10[%add3A_20, %dma_start3A] : memref<10240x128xf32, #tpu.memory_space<vmem_shared>> -> memref<80x128xf32, #tpu.memory_space<vmem_shared>>
      %dma_start3A_40 = arith.constant 0 : i32
      %dma_start3A_41 = tpu.memref_slice %arg10[%add3A_20, %dma_start3A_40] : memref<10240x128xf32, #tpu.memory_space<vmem_shared>> -> memref<80x128xf32, #tpu.memory_space<vmem_shared>>
      tpu.enqueue_dma source(%arg9 : memref<80x128xf32, #tpu.memory_space<vmem>>) target(%dma_start3A_41 : memref<80x128xf32, #tpu.memory_space<vmem_shared>>) target_semaphore(%run_scoped3A : memref<!tpu.dma_semaphore, #tpu.memory_space<semaphore_mem>>)
      %dma_wait3A = arith.constant 0 : i32
      %dma_wait3A_42 = tpu.memref_slice %arg10[%add3A_20, %dma_wait3A] : memref<10240x128xf32, #tpu.memory_space<vmem_shared>> -> memref<80x128xf32, #tpu.memory_space<vmem_shared>>
      %dma_wait3A_43 = arith.constant 0 : i32
      %dma_wait3A_44 = tpu.memref_slice %arg10[%add3A_20, %dma_wait3A_43] : memref<10240x128xf32, #tpu.memory_space<vmem_shared>> -> memref<80x128xf32, #tpu.memory_space<vmem_shared>>
      tpu.wait_dma2 semaphore(%run_scoped3A : memref<!tpu.dma_semaphore, #tpu.memory_space<semaphore_mem>>) src(%arg9 : memref<80x128xf32, #tpu.memory_space<vmem>>) dst(%dma_wait3A_44 : memref<80x128xf32, #tpu.memory_space<vmem_shared>>)
      tpu.yield
    }) : () -> ()
    %barrier3A = arith.constant 0 : index
    tpu.barrier barrier_id(%barrier3A)
    %mul3A_21 = arith.constant 320000 : i32
    %mul3A_22 = arith.muli %arg0, %mul3A_21 : i32
    %mul3A_23 = arith.constant 20000 : i32
    %mul3A_24 = arith.muli %arg1, %mul3A_23 : i32
    %add3A_25 = arith.addi %mul3A_22, %mul3A_24 : i32
    %scan3A_26 = arith.constant 0 : i32
    %scan3A_27 = arith.constant 0 : i32
    %scan3A_28 = arith.constant 250 : i32
    %scan3A_29 = arith.addi %scan3A_27, %scan3A_28 : i32
    %scan3A_30 = arith.constant 1 : i32
    scf.for %scan3A_39 = %scan3A_27 to %scan3A_29 step %scan3A_30  : i32 {
      %mul3A_40 = arith.constant 80 : i32
      %mul3A_41 = arith.muli %scan3A_39, %mul3A_40 : i32
      %add3A_42 = arith.addi %add3A_25, %mul3A_41 : i32
      %multiple_of3A_43 = tpu.assume_multiple %add3A_42, 8 : i32
      "tpu.region"() ({
        %run_scoped3A = tpu.sem_alloc : memref<!tpu.dma_semaphore, #tpu.memory_space<semaphore_mem>>
        %dma_start3A_48 = tpu.memref_slice %arg3[%multiple_of3A_43] : memref<640000xi32, #tpu.memory_space<hbm>> -> memref<80xi32, #tpu.memory_space<hbm>>
        %dma_start3A_49 = tpu.memref_slice %arg3[%multiple_of3A_43] : memref<640000xi32, #tpu.memory_space<hbm>> -> memref<80xi32, #tpu.memory_space<hbm>>
        tpu.enqueue_dma source(%dma_start3A_49 : memref<80xi32, #tpu.memory_space<hbm>>) target(%arg6 : memref<80xi32, #tpu.memory_space<vmem>>) target_semaphore(%run_scoped3A : memref<!tpu.dma_semaphore, #tpu.memory_space<semaphore_mem>>)
        %dma_wait3A_50 = tpu.memref_slice %arg3[%multiple_of3A_43] : memref<640000xi32, #tpu.memory_space<hbm>> -> memref<80xi32, #tpu.memory_space<hbm>>
        %dma_wait3A_51 = tpu.memref_slice %arg3[%multiple_of3A_43] : memref<640000xi32, #tpu.memory_space<hbm>> -> memref<80xi32, #tpu.memory_space<hbm>>
        tpu.wait_dma2 semaphore(%run_scoped3A : memref<!tpu.dma_semaphore, #tpu.memory_space<semaphore_mem>>) src(%dma_wait3A_51 : memref<80xi32, #tpu.memory_space<hbm>>) dst(%arg6 : memref<80xi32, #tpu.memory_space<vmem>>)
        tpu.yield
      }) : () -> ()
      "tpu.region"() ({
        %run_scoped3A = tpu.sem_alloc : memref<!tpu.dma_semaphore, #tpu.memory_space<semaphore_mem>>
        %dma_start3A_48 = tpu.memref_slice %arg4[%multiple_of3A_43] : memref<640000xi32, #tpu.memory_space<hbm>> -> memref<80xi32, #tpu.memory_space<hbm>>
        %dma_start3A_49 = tpu.memref_slice %arg4[%multiple_of3A_43] : memref<640000xi32, #tpu.memory_space<hbm>> -> memref<80xi32, #tpu.memory_space<hbm>>
        tpu.enqueue_dma source(%dma_start3A_49 : memref<80xi32, #tpu.memory_space<hbm>>) target(%arg7 : memref<80xi32, #tpu.memory_space<vmem>>) target_semaphore(%run_scoped3A : memref<!tpu.dma_semaphore, #tpu.memory_space<semaphore_mem>>)
        %dma_wait3A_50 = tpu.memref_slice %arg4[%multiple_of3A_43] : memref<640000xi32, #tpu.memory_space<hbm>> -> memref<80xi32, #tpu.memory_space<hbm>>
        %dma_wait3A_51 = tpu.memref_slice %arg4[%multiple_of3A_43] : memref<640000xi32, #tpu.memory_space<hbm>> -> memref<80xi32, #tpu.memory_space<hbm>>
        tpu.wait_dma2 semaphore(%run_scoped3A : memref<!tpu.dma_semaphore, #tpu.memory_space<semaphore_mem>>) src(%dma_wait3A_51 : memref<80xi32, #tpu.memory_space<hbm>>) dst(%arg7 : memref<80xi32, #tpu.memory_space<vmem>>)
        tpu.yield
      }) : () -> ()
      %dma_start3A = arith.constant 0 : i32
      %dma_start3A_44 = arith.constant 0 : i32
      %dma_start3A_45 = tpu.memref_slice %arg2[%dma_start3A, %dma_start3A_44] : memref<20000x128xf32, #tpu.memory_space<hbm>> -> memref<20000x128xf32, #tpu.memory_space<hbm>>
      tpu.enqueue_indirect_dma source(%dma_start3A_45 : memref<20000x128xf32, #tpu.memory_space<hbm>>) target(%arg8 : memref<80x128xf32, #tpu.memory_space<vmem>>) offsets(%arg6 : memref<80xi32, #tpu.memory_space<vmem>>) semaphore(%arg11 : memref<!tpu.dma_semaphore, #tpu.memory_space<semaphore_mem>>)
      %dma_wait3A = arith.constant 0 : i32
      %dma_wait3A_46 = arith.constant 0 : i32
      %dma_wait3A_47 = tpu.memref_slice %arg2[%dma_wait3A, %dma_wait3A_46] : memref<20000x128xf32, #tpu.memory_space<hbm>> -> memref<20000x128xf32, #tpu.memory_space<hbm>>
      tpu.wait_indirect_dma semaphore(%arg11 : memref<!tpu.dma_semaphore, #tpu.memory_space<semaphore_mem>>) src(%dma_wait3A_47 : memref<20000x128xf32, #tpu.memory_space<hbm>>) dst(%arg8 : memref<80x128xf32, #tpu.memory_space<vmem>>)
      "tpu.region"() ({
        %run_scoped3A = tpu.sem_alloc : memref<!tpu.dma_semaphore, #tpu.memory_space<semaphore_mem>>
        %dma_start3A_48 = arith.constant 0 : i32
        %dma_start3A_49 = arith.constant 0 : i32
        %dma_start3A_50 = tpu.memref_slice %arg10[%dma_start3A_48, %dma_start3A_49] : memref<10240x128xf32, #tpu.memory_space<vmem_shared>> -> memref<10240x128xf32, #tpu.memory_space<vmem_shared>>
        tpu.enqueue_indirect_dma source(%arg8 : memref<80x128xf32, #tpu.memory_space<vmem>>) target(%dma_start3A_50 : memref<10240x128xf32, #tpu.memory_space<vmem_shared>>) offsets(%arg7 : memref<80xi32, #tpu.memory_space<vmem>>) semaphore(%run_scoped3A : memref<!tpu.dma_semaphore, #tpu.memory_space<semaphore_mem>>) {add = true}
        %dma_wait3A_51 = arith.constant 0 : i32
        %dma_wait3A_52 = arith.constant 0 : i32
        %dma_wait3A_53 = tpu.memref_slice %arg10[%dma_wait3A_51, %dma_wait3A_52] : memref<10240x128xf32, #tpu.memory_space<vmem_shared>> -> memref<10240x128xf32, #tpu.memory_space<vmem_shared>>
        tpu.wait_indirect_dma semaphore(%run_scoped3A : memref<!tpu.dma_semaphore, #tpu.memory_space<semaphore_mem>>) src(%arg8 : memref<80x128xf32, #tpu.memory_space<vmem>>) dst(%dma_wait3A_53 : memref<10240x128xf32, #tpu.memory_space<vmem_shared>>)
        tpu.yield
      }) : () -> ()
    }
    %scan3A_31 = arith.constant 250 : i32
    %barrier3A_32 = arith.constant 0 : index
    tpu.barrier barrier_id(%barrier3A_32)
    %lt3A = arith.constant 15 : i32
    %lt3A_33 = arith.cmpi slt, %arg1, %lt3A : i32
    %convert_element_type3A = arith.extui %lt3A_33 : i1 to i32
    %cond3A = arith.constant 0 : i32
    %cond3A_34 = arith.cmpi ne, %convert_element_type3A, %cond3A : i32
    scf.if %cond3A_34 {
      %mul3A_39 = arith.constant 10000 : i32
      %mul3A_40 = arith.muli %arg0, %mul3A_39 : i32
      %add3A_41 = arith.addi %mul3A_40, %multiple_of3A : i32
      "tpu.region"() ({
        %run_scoped3A = tpu.sem_alloc : memref<!tpu.dma_semaphore, #tpu.memory_space<semaphore_mem>>
        %dma_start3A = arith.constant 0 : i32
        %dma_start3A_42 = tpu.memref_slice %arg5[%add3A_41, %dma_start3A] : memref<20000x128xf32, #tpu.memory_space<hbm>> -> memref<640x128xf32, #tpu.memory_space<hbm>>
        %dma_start3A_43 = arith.constant 0 : i32
        %dma_start3A_44 = tpu.memref_slice %arg10[%multiple_of3A, %dma_start3A_43] : memref<10240x128xf32, #tpu.memory_space<vmem_shared>> -> memref<640x128xf32, #tpu.memory_space<vmem_shared>>
        tpu.enqueue_dma source(%dma_start3A_44 : memref<640x128xf32, #tpu.memory_space<vmem_shared>>) target(%dma_start3A_42 : memref<640x128xf32, #tpu.memory_space<hbm>>) target_semaphore(%run_scoped3A : memref<!tpu.dma_semaphore, #tpu.memory_space<semaphore_mem>>)
        %dma_wait3A = arith.constant 0 : i32
        %dma_wait3A_45 = tpu.memref_slice %arg5[%add3A_41, %dma_wait3A] : memref<20000x128xf32, #tpu.memory_space<hbm>> -> memref<640x128xf32, #tpu.memory_space<hbm>>
        %dma_wait3A_46 = arith.constant 0 : i32
        %dma_wait3A_47 = tpu.memref_slice %arg10[%multiple_of3A, %dma_wait3A_46] : memref<10240x128xf32, #tpu.memory_space<vmem_shared>> -> memref<640x128xf32, #tpu.memory_space<vmem_shared>>
        tpu.wait_dma2 semaphore(%run_scoped3A : memref<!tpu.dma_semaphore, #tpu.memory_space<semaphore_mem>>) src(%dma_wait3A_47 : memref<640x128xf32, #tpu.memory_space<vmem_shared>>) dst(%dma_wait3A_45 : memref<640x128xf32, #tpu.memory_space<hbm>>)
        tpu.yield
      }) : () -> ()
    } else {
    }
    %eq3A = arith.constant 15 : i32
    %eq3A_35 = arith.cmpi eq, %arg1, %eq3A : i32
    %convert_element_type3A_36 = arith.extui %eq3A_35 : i1 to i32
    %cond3A_37 = arith.constant 0 : i32
    %cond3A_38 = arith.cmpi ne, %convert_element_type3A_36, %cond3A_37 : i32
    scf.if %cond3A_38 {
      %mul3A_39 = arith.constant 10000 : i32
      %mul3A_40 = arith.muli %arg0, %mul3A_39 : i32
      %add3A_41 = arith.addi %mul3A_40, %multiple_of3A : i32
      "tpu.region"() ({
        %run_scoped3A = tpu.sem_alloc : memref<!tpu.dma_semaphore, #tpu.memory_space<semaphore_mem>>
        %dma_start3A = arith.constant 0 : i32
        %dma_start3A_42 = tpu.memref_slice %arg5[%add3A_41, %dma_start3A] : memref<20000x128xf32, #tpu.memory_space<hbm>> -> memref<400x128xf32, #tpu.memory_space<hbm>>
        %dma_start3A_43 = arith.constant 0 : i32
        %dma_start3A_44 = tpu.memref_slice %arg10[%multiple_of3A, %dma_start3A_43] : memref<10240x128xf32, #tpu.memory_space<vmem_shared>> -> memref<400x128xf32, #tpu.memory_space<vmem_shared>>
        tpu.enqueue_dma source(%dma_start3A_44 : memref<400x128xf32, #tpu.memory_space<vmem_shared>>) target(%dma_start3A_42 : memref<400x128xf32, #tpu.memory_space<hbm>>) target_semaphore(%run_scoped3A : memref<!tpu.dma_semaphore, #tpu.memory_space<semaphore_mem>>)
        %dma_wait3A = arith.constant 0 : i32
        %dma_wait3A_45 = tpu.memref_slice %arg5[%add3A_41, %dma_wait3A] : memref<20000x128xf32, #tpu.memory_space<hbm>> -> memref<400x128xf32, #tpu.memory_space<hbm>>
        %dma_wait3A_46 = arith.constant 0 : i32
        %dma_wait3A_47 = tpu.memref_slice %arg10[%multiple_of3A, %dma_wait3A_46] : memref<10240x128xf32, #tpu.memory_space<vmem_shared>> -> memref<400x128xf32, #tpu.memory_space<vmem_shared>>
        tpu.wait_dma2 semaphore(%run_scoped3A : memref<!tpu.dma_semaphore, #tpu.memory_space<semaphore_mem>>) src(%dma_wait3A_47 : memref<400x128xf32, #tpu.memory_space<vmem_shared>>) dst(%dma_wait3A_45 : memref<400x128xf32, #tpu.memory_space<hbm>>)
        tpu.yield
      }) : () -> ()
    } else {
    }
    return
  }
}

#map = affine_map<(d0, d1) -> (0, 0)>
#map1 = affine_map<(d0, d1) -> (0)>
module attributes {stable_mosaic.version = 14 : i64} {
  func.func @_sc_aggregate(%arg0: i32, %arg1: i32, %arg2: memref<20000x128xf32, #tpu.memory_space<hbm>>, %arg3: memref<640000xi32, #tpu.memory_space<hbm>>, %arg4: memref<640000xi32, #tpu.memory_space<hbm>>, %arg5: memref<20000x128xf32, #tpu.memory_space<hbm>>, %arg6: memref<80xi32, #tpu.memory_space<vmem>>, %arg7: memref<80xi32, #tpu.memory_space<vmem>>, %arg8: memref<80x128xf32, #tpu.memory_space<vmem>>, %arg9: memref<80x128xf32, #tpu.memory_space<vmem>>, %arg10: memref<10240x128xf32, #tpu.memory_space<vmem_shared>>, %arg11: memref<!tpu.dma_semaphore, #tpu.memory_space<semaphore_mem>>) attributes {dimension_semantics = [#tpu.dimension_semantics<core_parallel>, #tpu.dimension_semantics<subcore_parallel>], iteration_bounds = array<i64: 2, 16>, scalar_prefetch = 0 : i64, scratch_operands = 6 : i64, tpu.core_type = #tpu.core_type<sc_vector_subcore>, window_params = [{transform_indices = #map}, {transform_indices = #map1}, {transform_indices = #map1}, {transform_indices = #map}]} {
    %scan3A = arith.constant 0 : i32
    %scan3A_0 = arith.constant 0 : i32
    %scan3A_1 = arith.constant 80 : i32
    %scan3A_2 = arith.addi %scan3A_0, %scan3A_1 : i32
    %scan3A_3 = arith.constant 1 : i32
    scf.for %scan3A_39 = %scan3A_0 to %scan3A_2 step %scan3A_3  : i32 {
      %broadcast_in_dim3A = arith.constant 0.000000e+00 : f32
      %broadcast_in_dim3A_40 = vector.broadcast %broadcast_in_dim3A : f32 to vector<16xf32>
      %swap3A = arith.index_cast %scan3A_39 : i32 to index
      %swap3A_41 = arith.constant 0 : index
      %swap3A_42 = tpu.vector_load %arg9[%swap3A, %swap3A_41] {strides = array<i32>} : memref<80x128xf32, #tpu.memory_space<vmem>>, vector<1x16xf32>,
      %swap3A_43 = vector.shape_cast %swap3A_42 : vector<1x16xf32> to vector<16xf32>
      %swap3A_44 = vector.shape_cast %broadcast_in_dim3A_40 : vector<16xf32> to vector<1x16xf32>
      tpu.vector_store %arg9[%swap3A, %swap3A_41], %swap3A_44 {strides = array<i32>} : memref<80x128xf32, #tpu.memory_space<vmem>>, vector<1x16xf32>,
      %broadcast_in_dim3A_45 = arith.constant 0.000000e+00 : f32
      %broadcast_in_dim3A_46 = vector.broadcast %broadcast_in_dim3A_45 : f32 to vector<16xf32>
      %swap3A_47 = arith.index_cast %scan3A_39 : i32 to index
      %swap3A_48 = arith.constant 16 : index
      %swap3A_49 = tpu.vector_load %arg9[%swap3A_47, %swap3A_48] {strides = array<i32>} : memref<80x128xf32, #tpu.memory_space<vmem>>, vector<1x16xf32>,
      %swap3A_50 = vector.shape_cast %swap3A_49 : vector<1x16xf32> to vector<16xf32>
      %swap3A_51 = vector.shape_cast %broadcast_in_dim3A_46 : vector<16xf32> to vector<1x16xf32>
      tpu.vector_store %arg9[%swap3A_47, %swap3A_48], %swap3A_51 {strides = array<i32>} : memref<80x128xf32, #tpu.memory_space<vmem>>, vector<1x16xf32>,
      %broadcast_in_dim3A_52 = arith.constant 0.000000e+00 : f32
      %broadcast_in_dim3A_53 = vector.broadcast %broadcast_in_dim3A_52 : f32 to vector<16xf32>
      %swap3A_54 = arith.index_cast %scan3A_39 : i32 to index
      %swap3A_55 = arith.constant 32 : index
      %swap3A_56 = tpu.vector_load %arg9[%swap3A_54, %swap3A_55] {strides = array<i32>} : memref<80x128xf32, #tpu.memory_space<vmem>>, vector<1x16xf32>,
      %swap3A_57 = vector.shape_cast %swap3A_56 : vector<1x16xf32> to vector<16xf32>
      %swap3A_58 = vector.shape_cast %broadcast_in_dim3A_53 : vector<16xf32> to vector<1x16xf32>
      tpu.vector_store %arg9[%swap3A_54, %swap3A_55], %swap3A_58 {strides = array<i32>} : memref<80x128xf32, #tpu.memory_space<vmem>>, vector<1x16xf32>,
      %broadcast_in_dim3A_59 = arith.constant 0.000000e+00 : f32
      %broadcast_in_dim3A_60 = vector.broadcast %broadcast_in_dim3A_59 : f32 to vector<16xf32>
      %swap3A_61 = arith.index_cast %scan3A_39 : i32 to index
      %swap3A_62 = arith.constant 48 : index
      %swap3A_63 = tpu.vector_load %arg9[%swap3A_61, %swap3A_62] {strides = array<i32>} : memref<80x128xf32, #tpu.memory_space<vmem>>, vector<1x16xf32>,
      %swap3A_64 = vector.shape_cast %swap3A_63 : vector<1x16xf32> to vector<16xf32>
      %swap3A_65 = vector.shape_cast %broadcast_in_dim3A_60 : vector<16xf32> to vector<1x16xf32>
      tpu.vector_store %arg9[%swap3A_61, %swap3A_62], %swap3A_65 {strides = array<i32>} : memref<80x128xf32, #tpu.memory_space<vmem>>, vector<1x16xf32>,
      %broadcast_in_dim3A_66 = arith.constant 0.000000e+00 : f32
      %broadcast_in_dim3A_67 = vector.broadcast %broadcast_in_dim3A_66 : f32 to vector<16xf32>
      %swap3A_68 = arith.index_cast %scan3A_39 : i32 to index
      %swap3A_69 = arith.constant 64 : index
      %swap3A_70 = tpu.vector_load %arg9[%swap3A_68, %swap3A_69] {strides = array<i32>} : memref<80x128xf32, #tpu.memory_space<vmem>>, vector<1x16xf32>,
      %swap3A_71 = vector.shape_cast %swap3A_70 : vector<1x16xf32> to vector<16xf32>
      %swap3A_72 = vector.shape_cast %broadcast_in_dim3A_67 : vector<16xf32> to vector<1x16xf32>
      tpu.vector_store %arg9[%swap3A_68, %swap3A_69], %swap3A_72 {strides = array<i32>} : memref<80x128xf32, #tpu.memory_space<vmem>>, vector<1x16xf32>,
      %broadcast_in_dim3A_73 = arith.constant 0.000000e+00 : f32
      %broadcast_in_dim3A_74 = vector.broadcast %broadcast_in_dim3A_73 : f32 to vector<16xf32>
      %swap3A_75 = arith.index_cast %scan3A_39 : i32 to index
      %swap3A_76 = arith.constant 80 : index
      %swap3A_77 = tpu.vector_load %arg9[%swap3A_75, %swap3A_76] {strides = array<i32>} : memref<80x128xf32, #tpu.memory_space<vmem>>, vector<1x16xf32>,
      %swap3A_78 = vector.shape_cast %swap3A_77 : vector<1x16xf32> to vector<16xf32>
      %swap3A_79 = vector.shape_cast %broadcast_in_dim3A_74 : vector<16xf32> to vector<1x16xf32>
      tpu.vector_store %arg9[%swap3A_75, %swap3A_76], %swap3A_79 {strides = array<i32>} : memref<80x128xf32, #tpu.memory_space<vmem>>, vector<1x16xf32>,
      %broadcast_in_dim3A_80 = arith.constant 0.000000e+00 : f32
      %broadcast_in_dim3A_81 = vector.broadcast %broadcast_in_dim3A_80 : f32 to vector<16xf32>
      %swap3A_82 = arith.index_cast %scan3A_39 : i32 to index
      %swap3A_83 = arith.constant 96 : index
      %swap3A_84 = tpu.vector_load %arg9[%swap3A_82, %swap3A_83] {strides = array<i32>} : memref<80x128xf32, #tpu.memory_space<vmem>>, vector<1x16xf32>,
      %swap3A_85 = vector.shape_cast %swap3A_84 : vector<1x16xf32> to vector<16xf32>
      %swap3A_86 = vector.shape_cast %broadcast_in_dim3A_81 : vector<16xf32> to vector<1x16xf32>
      tpu.vector_store %arg9[%swap3A_82, %swap3A_83], %swap3A_86 {strides = array<i32>} : memref<80x128xf32, #tpu.memory_space<vmem>>, vector<1x16xf32>,
      %broadcast_in_dim3A_87 = arith.constant 0.000000e+00 : f32
      %broadcast_in_dim3A_88 = vector.broadcast %broadcast_in_dim3A_87 : f32 to vector<16xf32>
      %swap3A_89 = arith.index_cast %scan3A_39 : i32 to index
      %swap3A_90 = arith.constant 112 : index
      %swap3A_91 = tpu.vector_load %arg9[%swap3A_89, %swap3A_90] {strides = array<i32>} : memref<80x128xf32, #tpu.memory_space<vmem>>, vector<1x16xf32>,
      %swap3A_92 = vector.shape_cast %swap3A_91 : vector<1x16xf32> to vector<16xf32>
      %swap3A_93 = vector.shape_cast %broadcast_in_dim3A_88 : vector<16xf32> to vector<1x16xf32>
      tpu.vector_store %arg9[%swap3A_89, %swap3A_90], %swap3A_93 {strides = array<i32>} : memref<80x128xf32, #tpu.memory_space<vmem>>, vector<1x16xf32>,
    }
    %scan3A_4 = arith.constant 80 : i32
    %mul3A = arith.constant 640 : i32
    %mul3A_5 = arith.muli %arg1, %mul3A : i32
    %multiple_of3A = tpu.assume_multiple %mul3A_5, 8 : i32
    %add3A = arith.constant 0 : i32
    %add3A_6 = arith.addi %multiple_of3A, %add3A : i32
    "tpu.region"() ({
      %run_scoped3A = tpu.sem_alloc : memref<!tpu.dma_semaphore, #tpu.memory_space<semaphore_mem>>
      %dma_start3A = arith.constant 0 : i32
      %dma_start3A_39 = tpu.memref_slice %arg10[%add3A_6, %dma_start3A] : memref<10240x128xf32, #tpu.memory_space<vmem_shared>> -> memref<80x128xf32, #tpu.memory_space<vmem_shared>>
      %dma_start3A_40 = arith.constant 0 : i32
      %dma_start3A_41 = tpu.memref_slice %arg10[%add3A_6, %dma_start3A_40] : memref<10240x128xf32, #tpu.memory_space<vmem_shared>> -> memref<80x128xf32, #tpu.memory_space<vmem_shared>>
      tpu.enqueue_dma source(%arg9 : memref<80x128xf32, #tpu.memory_space<vmem>>) target(%dma_start3A_41 : memref<80x128xf32, #tpu.memory_space<vmem_shared>>) target_semaphore(%run_scoped3A : memref<!tpu.dma_semaphore, #tpu.memory_space<semaphore_mem>>)
      %dma_wait3A = arith.constant 0 : i32
      %dma_wait3A_42 = tpu.memref_slice %arg10[%add3A_6, %dma_wait3A] : memref<10240x128xf32, #tpu.memory_space<vmem_shared>> -> memref<80x128xf32, #tpu.memory_space<vmem_shared>>
      %dma_wait3A_43 = arith.constant 0 : i32
      %dma_wait3A_44 = tpu.memref_slice %arg10[%add3A_6, %dma_wait3A_43] : memref<10240x128xf32, #tpu.memory_space<vmem_shared>> -> memref<80x128xf32, #tpu.memory_space<vmem_shared>>
      tpu.wait_dma2 semaphore(%run_scoped3A : memref<!tpu.dma_semaphore, #tpu.memory_space<semaphore_mem>>) src(%arg9 : memref<80x128xf32, #tpu.memory_space<vmem>>) dst(%dma_wait3A_44 : memref<80x128xf32, #tpu.memory_space<vmem_shared>>)
      tpu.yield
    }) : () -> ()
    %add3A_7 = arith.constant 80 : i32
    %add3A_8 = arith.addi %multiple_of3A, %add3A_7 : i32
    "tpu.region"() ({
      %run_scoped3A = tpu.sem_alloc : memref<!tpu.dma_semaphore, #tpu.memory_space<semaphore_mem>>
      %dma_start3A = arith.constant 0 : i32
      %dma_start3A_39 = tpu.memref_slice %arg10[%add3A_8, %dma_start3A] : memref<10240x128xf32, #tpu.memory_space<vmem_shared>> -> memref<80x128xf32, #tpu.memory_space<vmem_shared>>
      %dma_start3A_40 = arith.constant 0 : i32
      %dma_start3A_41 = tpu.memref_slice %arg10[%add3A_8, %dma_start3A_40] : memref<10240x128xf32, #tpu.memory_space<vmem_shared>> -> memref<80x128xf32, #tpu.memory_space<vmem_shared>>
      tpu.enqueue_dma source(%arg9 : memref<80x128xf32, #tpu.memory_space<vmem>>) target(%dma_start3A_41 : memref<80x128xf32, #tpu.memory_space<vmem_shared>>) target_semaphore(%run_scoped3A : memref<!tpu.dma_semaphore, #tpu.memory_space<semaphore_mem>>)
      %dma_wait3A = arith.constant 0 : i32
      %dma_wait3A_42 = tpu.memref_slice %arg10[%add3A_8, %dma_wait3A] : memref<10240x128xf32, #tpu.memory_space<vmem_shared>> -> memref<80x128xf32, #tpu.memory_space<vmem_shared>>
      %dma_wait3A_43 = arith.constant 0 : i32
      %dma_wait3A_44 = tpu.memref_slice %arg10[%add3A_8, %dma_wait3A_43] : memref<10240x128xf32, #tpu.memory_space<vmem_shared>> -> memref<80x128xf32, #tpu.memory_space<vmem_shared>>
      tpu.wait_dma2 semaphore(%run_scoped3A : memref<!tpu.dma_semaphore, #tpu.memory_space<semaphore_mem>>) src(%arg9 : memref<80x128xf32, #tpu.memory_space<vmem>>) dst(%dma_wait3A_44 : memref<80x128xf32, #tpu.memory_space<vmem_shared>>)
      tpu.yield
    }) : () -> ()
    %add3A_9 = arith.constant 160 : i32
    %add3A_10 = arith.addi %multiple_of3A, %add3A_9 : i32
    "tpu.region"() ({
      %run_scoped3A = tpu.sem_alloc : memref<!tpu.dma_semaphore, #tpu.memory_space<semaphore_mem>>
      %dma_start3A = arith.constant 0 : i32
      %dma_start3A_39 = tpu.memref_slice %arg10[%add3A_10, %dma_start3A] : memref<10240x128xf32, #tpu.memory_space<vmem_shared>> -> memref<80x128xf32, #tpu.memory_space<vmem_shared>>
      %dma_start3A_40 = arith.constant 0 : i32
      %dma_start3A_41 = tpu.memref_slice %arg10[%add3A_10, %dma_start3A_40] : memref<10240x128xf32, #tpu.memory_space<vmem_shared>> -> memref<80x128xf32, #tpu.memory_space<vmem_shared>>
      tpu.enqueue_dma source(%arg9 : memref<80x128xf32, #tpu.memory_space<vmem>>) target(%dma_start3A_41 : memref<80x128xf32, #tpu.memory_space<vmem_shared>>) target_semaphore(%run_scoped3A : memref<!tpu.dma_semaphore, #tpu.memory_space<semaphore_mem>>)
      %dma_wait3A = arith.constant 0 : i32
      %dma_wait3A_42 = tpu.memref_slice %arg10[%add3A_10, %dma_wait3A] : memref<10240x128xf32, #tpu.memory_space<vmem_shared>> -> memref<80x128xf32, #tpu.memory_space<vmem_shared>>
      %dma_wait3A_43 = arith.constant 0 : i32
      %dma_wait3A_44 = tpu.memref_slice %arg10[%add3A_10, %dma_wait3A_43] : memref<10240x128xf32, #tpu.memory_space<vmem_shared>> -> memref<80x128xf32, #tpu.memory_space<vmem_shared>>
      tpu.wait_dma2 semaphore(%run_scoped3A : memref<!tpu.dma_semaphore, #tpu.memory_space<semaphore_mem>>) src(%arg9 : memref<80x128xf32, #tpu.memory_space<vmem>>) dst(%dma_wait3A_44 : memref<80x128xf32, #tpu.memory_space<vmem_shared>>)
      tpu.yield
    }) : () -> ()
    %add3A_11 = arith.constant 240 : i32
    %add3A_12 = arith.addi %multiple_of3A, %add3A_11 : i32
    "tpu.region"() ({
      %run_scoped3A = tpu.sem_alloc : memref<!tpu.dma_semaphore, #tpu.memory_space<semaphore_mem>>
      %dma_start3A = arith.constant 0 : i32
      %dma_start3A_39 = tpu.memref_slice %arg10[%add3A_12, %dma_start3A] : memref<10240x128xf32, #tpu.memory_space<vmem_shared>> -> memref<80x128xf32, #tpu.memory_space<vmem_shared>>
      %dma_start3A_40 = arith.constant 0 : i32
      %dma_start3A_41 = tpu.memref_slice %arg10[%add3A_12, %dma_start3A_40] : memref<10240x128xf32, #tpu.memory_space<vmem_shared>> -> memref<80x128xf32, #tpu.memory_space<vmem_shared>>
      tpu.enqueue_dma source(%arg9 : memref<80x128xf32, #tpu.memory_space<vmem>>) target(%dma_start3A_41 : memref<80x128xf32, #tpu.memory_space<vmem_shared>>) target_semaphore(%run_scoped3A : memref<!tpu.dma_semaphore, #tpu.memory_space<semaphore_mem>>)
      %dma_wait3A = arith.constant 0 : i32
      %dma_wait3A_42 = tpu.memref_slice %arg10[%add3A_12, %dma_wait3A] : memref<10240x128xf32, #tpu.memory_space<vmem_shared>> -> memref<80x128xf32, #tpu.memory_space<vmem_shared>>
      %dma_wait3A_43 = arith.constant 0 : i32
      %dma_wait3A_44 = tpu.memref_slice %arg10[%add3A_12, %dma_wait3A_43] : memref<10240x128xf32, #tpu.memory_space<vmem_shared>> -> memref<80x128xf32, #tpu.memory_space<vmem_shared>>
      tpu.wait_dma2 semaphore(%run_scoped3A : memref<!tpu.dma_semaphore, #tpu.memory_space<semaphore_mem>>) src(%arg9 : memref<80x128xf32, #tpu.memory_space<vmem>>) dst(%dma_wait3A_44 : memref<80x128xf32, #tpu.memory_space<vmem_shared>>)
      tpu.yield
    }) : () -> ()
    %add3A_13 = arith.constant 320 : i32
    %add3A_14 = arith.addi %multiple_of3A, %add3A_13 : i32
    "tpu.region"() ({
      %run_scoped3A = tpu.sem_alloc : memref<!tpu.dma_semaphore, #tpu.memory_space<semaphore_mem>>
      %dma_start3A = arith.constant 0 : i32
      %dma_start3A_39 = tpu.memref_slice %arg10[%add3A_14, %dma_start3A] : memref<10240x128xf32, #tpu.memory_space<vmem_shared>> -> memref<80x128xf32, #tpu.memory_space<vmem_shared>>
      %dma_start3A_40 = arith.constant 0 : i32
      %dma_start3A_41 = tpu.memref_slice %arg10[%add3A_14, %dma_start3A_40] : memref<10240x128xf32, #tpu.memory_space<vmem_shared>> -> memref<80x128xf32, #tpu.memory_space<vmem_shared>>
      tpu.enqueue_dma source(%arg9 : memref<80x128xf32, #tpu.memory_space<vmem>>) target(%dma_start3A_41 : memref<80x128xf32, #tpu.memory_space<vmem_shared>>) target_semaphore(%run_scoped3A : memref<!tpu.dma_semaphore, #tpu.memory_space<semaphore_mem>>)
      %dma_wait3A = arith.constant 0 : i32
      %dma_wait3A_42 = tpu.memref_slice %arg10[%add3A_14, %dma_wait3A] : memref<10240x128xf32, #tpu.memory_space<vmem_shared>> -> memref<80x128xf32, #tpu.memory_space<vmem_shared>>
      %dma_wait3A_43 = arith.constant 0 : i32
      %dma_wait3A_44 = tpu.memref_slice %arg10[%add3A_14, %dma_wait3A_43] : memref<10240x128xf32, #tpu.memory_space<vmem_shared>> -> memref<80x128xf32, #tpu.memory_space<vmem_shared>>
      tpu.wait_dma2 semaphore(%run_scoped3A : memref<!tpu.dma_semaphore, #tpu.memory_space<semaphore_mem>>) src(%arg9 : memref<80x128xf32, #tpu.memory_space<vmem>>) dst(%dma_wait3A_44 : memref<80x128xf32, #tpu.memory_space<vmem_shared>>)
      tpu.yield
    }) : () -> ()
    %add3A_15 = arith.constant 400 : i32
    %add3A_16 = arith.addi %multiple_of3A, %add3A_15 : i32
    "tpu.region"() ({
      %run_scoped3A = tpu.sem_alloc : memref<!tpu.dma_semaphore, #tpu.memory_space<semaphore_mem>>
      %dma_start3A = arith.constant 0 : i32
      %dma_start3A_39 = tpu.memref_slice %arg10[%add3A_16, %dma_start3A] : memref<10240x128xf32, #tpu.memory_space<vmem_shared>> -> memref<80x128xf32, #tpu.memory_space<vmem_shared>>
      %dma_start3A_40 = arith.constant 0 : i32
      %dma_start3A_41 = tpu.memref_slice %arg10[%add3A_16, %dma_start3A_40] : memref<10240x128xf32, #tpu.memory_space<vmem_shared>> -> memref<80x128xf32, #tpu.memory_space<vmem_shared>>
      tpu.enqueue_dma source(%arg9 : memref<80x128xf32, #tpu.memory_space<vmem>>) target(%dma_start3A_41 : memref<80x128xf32, #tpu.memory_space<vmem_shared>>) target_semaphore(%run_scoped3A : memref<!tpu.dma_semaphore, #tpu.memory_space<semaphore_mem>>)
      %dma_wait3A = arith.constant 0 : i32
      %dma_wait3A_42 = tpu.memref_slice %arg10[%add3A_16, %dma_wait3A] : memref<10240x128xf32, #tpu.memory_space<vmem_shared>> -> memref<80x128xf32, #tpu.memory_space<vmem_shared>>
      %dma_wait3A_43 = arith.constant 0 : i32
      %dma_wait3A_44 = tpu.memref_slice %arg10[%add3A_16, %dma_wait3A_43] : memref<10240x128xf32, #tpu.memory_space<vmem_shared>> -> memref<80x128xf32, #tpu.memory_space<vmem_shared>>
      tpu.wait_dma2 semaphore(%run_scoped3A : memref<!tpu.dma_semaphore, #tpu.memory_space<semaphore_mem>>) src(%arg9 : memref<80x128xf32, #tpu.memory_space<vmem>>) dst(%dma_wait3A_44 : memref<80x128xf32, #tpu.memory_space<vmem_shared>>)
      tpu.yield
    }) : () -> ()
    %add3A_17 = arith.constant 480 : i32
    %add3A_18 = arith.addi %multiple_of3A, %add3A_17 : i32
    "tpu.region"() ({
      %run_scoped3A = tpu.sem_alloc : memref<!tpu.dma_semaphore, #tpu.memory_space<semaphore_mem>>
      %dma_start3A = arith.constant 0 : i32
      %dma_start3A_39 = tpu.memref_slice %arg10[%add3A_18, %dma_start3A] : memref<10240x128xf32, #tpu.memory_space<vmem_shared>> -> memref<80x128xf32, #tpu.memory_space<vmem_shared>>
      %dma_start3A_40 = arith.constant 0 : i32
      %dma_start3A_41 = tpu.memref_slice %arg10[%add3A_18, %dma_start3A_40] : memref<10240x128xf32, #tpu.memory_space<vmem_shared>> -> memref<80x128xf32, #tpu.memory_space<vmem_shared>>
      tpu.enqueue_dma source(%arg9 : memref<80x128xf32, #tpu.memory_space<vmem>>) target(%dma_start3A_41 : memref<80x128xf32, #tpu.memory_space<vmem_shared>>) target_semaphore(%run_scoped3A : memref<!tpu.dma_semaphore, #tpu.memory_space<semaphore_mem>>)
      %dma_wait3A = arith.constant 0 : i32
      %dma_wait3A_42 = tpu.memref_slice %arg10[%add3A_18, %dma_wait3A] : memref<10240x128xf32, #tpu.memory_space<vmem_shared>> -> memref<80x128xf32, #tpu.memory_space<vmem_shared>>
      %dma_wait3A_43 = arith.constant 0 : i32
      %dma_wait3A_44 = tpu.memref_slice %arg10[%add3A_18, %dma_wait3A_43] : memref<10240x128xf32, #tpu.memory_space<vmem_shared>> -> memref<80x128xf32, #tpu.memory_space<vmem_shared>>
      tpu.wait_dma2 semaphore(%run_scoped3A : memref<!tpu.dma_semaphore, #tpu.memory_space<semaphore_mem>>) src(%arg9 : memref<80x128xf32, #tpu.memory_space<vmem>>) dst(%dma_wait3A_44 : memref<80x128xf32, #tpu.memory_space<vmem_shared>>)
      tpu.yield
    }) : () -> ()
    %add3A_19 = arith.constant 560 : i32
    %add3A_20 = arith.addi %multiple_of3A, %add3A_19 : i32
    "tpu.region"() ({
      %run_scoped3A = tpu.sem_alloc : memref<!tpu.dma_semaphore, #tpu.memory_space<semaphore_mem>>
      %dma_start3A = arith.constant 0 : i32
      %dma_start3A_39 = tpu.memref_slice %arg10[%add3A_20, %dma_start3A] : memref<10240x128xf32, #tpu.memory_space<vmem_shared>> -> memref<80x128xf32, #tpu.memory_space<vmem_shared>>
      %dma_start3A_40 = arith.constant 0 : i32
      %dma_start3A_41 = tpu.memref_slice %arg10[%add3A_20, %dma_start3A_40] : memref<10240x128xf32, #tpu.memory_space<vmem_shared>> -> memref<80x128xf32, #tpu.memory_space<vmem_shared>>
      tpu.enqueue_dma source(%arg9 : memref<80x128xf32, #tpu.memory_space<vmem>>) target(%dma_start3A_41 : memref<80x128xf32, #tpu.memory_space<vmem_shared>>) target_semaphore(%run_scoped3A : memref<!tpu.dma_semaphore, #tpu.memory_space<semaphore_mem>>)
      %dma_wait3A = arith.constant 0 : i32
      %dma_wait3A_42 = tpu.memref_slice %arg10[%add3A_20, %dma_wait3A] : memref<10240x128xf32, #tpu.memory_space<vmem_shared>> -> memref<80x128xf32, #tpu.memory_space<vmem_shared>>
      %dma_wait3A_43 = arith.constant 0 : i32
      %dma_wait3A_44 = tpu.memref_slice %arg10[%add3A_20, %dma_wait3A_43] : memref<10240x128xf32, #tpu.memory_space<vmem_shared>> -> memref<80x128xf32, #tpu.memory_space<vmem_shared>>
      tpu.wait_dma2 semaphore(%run_scoped3A : memref<!tpu.dma_semaphore, #tpu.memory_space<semaphore_mem>>) src(%arg9 : memref<80x128xf32, #tpu.memory_space<vmem>>) dst(%dma_wait3A_44 : memref<80x128xf32, #tpu.memory_space<vmem_shared>>)
      tpu.yield
    }) : () -> ()
    %barrier3A = arith.constant 0 : index
    tpu.barrier barrier_id(%barrier3A)
    %mul3A_21 = arith.constant 320000 : i32
    %mul3A_22 = arith.muli %arg0, %mul3A_21 : i32
    %mul3A_23 = arith.constant 20000 : i32
    %mul3A_24 = arith.muli %arg1, %mul3A_23 : i32
    %add3A_25 = arith.addi %mul3A_22, %mul3A_24 : i32
    %scan3A_26 = arith.constant 0 : i32
    %scan3A_27 = arith.constant 0 : i32
    %scan3A_28 = arith.constant 250 : i32
    %scan3A_29 = arith.addi %scan3A_27, %scan3A_28 : i32
    %scan3A_30 = arith.constant 1 : i32
    scf.for %scan3A_39 = %scan3A_27 to %scan3A_29 step %scan3A_30  : i32 {
      %mul3A_40 = arith.constant 80 : i32
      %mul3A_41 = arith.muli %scan3A_39, %mul3A_40 : i32
      %add3A_42 = arith.addi %add3A_25, %mul3A_41 : i32
      %multiple_of3A_43 = tpu.assume_multiple %add3A_42, 8 : i32
      "tpu.region"() ({
        %run_scoped3A = tpu.sem_alloc : memref<!tpu.dma_semaphore, #tpu.memory_space<semaphore_mem>>
        %dma_start3A_48 = tpu.memref_slice %arg3[%multiple_of3A_43] : memref<640000xi32, #tpu.memory_space<hbm>> -> memref<80xi32, #tpu.memory_space<hbm>>
        %dma_start3A_49 = tpu.memref_slice %arg3[%multiple_of3A_43] : memref<640000xi32, #tpu.memory_space<hbm>> -> memref<80xi32, #tpu.memory_space<hbm>>
        tpu.enqueue_dma source(%dma_start3A_49 : memref<80xi32, #tpu.memory_space<hbm>>) target(%arg6 : memref<80xi32, #tpu.memory_space<vmem>>) target_semaphore(%run_scoped3A : memref<!tpu.dma_semaphore, #tpu.memory_space<semaphore_mem>>)
        %dma_wait3A_50 = tpu.memref_slice %arg3[%multiple_of3A_43] : memref<640000xi32, #tpu.memory_space<hbm>> -> memref<80xi32, #tpu.memory_space<hbm>>
        %dma_wait3A_51 = tpu.memref_slice %arg3[%multiple_of3A_43] : memref<640000xi32, #tpu.memory_space<hbm>> -> memref<80xi32, #tpu.memory_space<hbm>>
        tpu.wait_dma2 semaphore(%run_scoped3A : memref<!tpu.dma_semaphore, #tpu.memory_space<semaphore_mem>>) src(%dma_wait3A_51 : memref<80xi32, #tpu.memory_space<hbm>>) dst(%arg6 : memref<80xi32, #tpu.memory_space<vmem>>)
        tpu.yield
      }) : () -> ()
      "tpu.region"() ({
        %run_scoped3A = tpu.sem_alloc : memref<!tpu.dma_semaphore, #tpu.memory_space<semaphore_mem>>
        %dma_start3A_48 = tpu.memref_slice %arg4[%multiple_of3A_43] : memref<640000xi32, #tpu.memory_space<hbm>> -> memref<80xi32, #tpu.memory_space<hbm>>
        %dma_start3A_49 = tpu.memref_slice %arg4[%multiple_of3A_43] : memref<640000xi32, #tpu.memory_space<hbm>> -> memref<80xi32, #tpu.memory_space<hbm>>
        tpu.enqueue_dma source(%dma_start3A_49 : memref<80xi32, #tpu.memory_space<hbm>>) target(%arg7 : memref<80xi32, #tpu.memory_space<vmem>>) target_semaphore(%run_scoped3A : memref<!tpu.dma_semaphore, #tpu.memory_space<semaphore_mem>>)
        %dma_wait3A_50 = tpu.memref_slice %arg4[%multiple_of3A_43] : memref<640000xi32, #tpu.memory_space<hbm>> -> memref<80xi32, #tpu.memory_space<hbm>>
        %dma_wait3A_51 = tpu.memref_slice %arg4[%multiple_of3A_43] : memref<640000xi32, #tpu.memory_space<hbm>> -> memref<80xi32, #tpu.memory_space<hbm>>
        tpu.wait_dma2 semaphore(%run_scoped3A : memref<!tpu.dma_semaphore, #tpu.memory_space<semaphore_mem>>) src(%dma_wait3A_51 : memref<80xi32, #tpu.memory_space<hbm>>) dst(%arg7 : memref<80xi32, #tpu.memory_space<vmem>>)
        tpu.yield
      }) : () -> ()
      %dma_start3A = arith.constant 0 : i32
      %dma_start3A_44 = arith.constant 0 : i32
      %dma_start3A_45 = tpu.memref_slice %arg2[%dma_start3A, %dma_start3A_44] : memref<20000x128xf32, #tpu.memory_space<hbm>> -> memref<20000x128xf32, #tpu.memory_space<hbm>>
      tpu.enqueue_indirect_dma source(%dma_start3A_45 : memref<20000x128xf32, #tpu.memory_space<hbm>>) target(%arg8 : memref<80x128xf32, #tpu.memory_space<vmem>>) offsets(%arg6 : memref<80xi32, #tpu.memory_space<vmem>>) semaphore(%arg11 : memref<!tpu.dma_semaphore, #tpu.memory_space<semaphore_mem>>)
      %dma_wait3A = arith.constant 0 : i32
      %dma_wait3A_46 = arith.constant 0 : i32
      %dma_wait3A_47 = tpu.memref_slice %arg2[%dma_wait3A, %dma_wait3A_46] : memref<20000x128xf32, #tpu.memory_space<hbm>> -> memref<20000x128xf32, #tpu.memory_space<hbm>>
      tpu.wait_indirect_dma semaphore(%arg11 : memref<!tpu.dma_semaphore, #tpu.memory_space<semaphore_mem>>) src(%dma_wait3A_47 : memref<20000x128xf32, #tpu.memory_space<hbm>>) dst(%arg8 : memref<80x128xf32, #tpu.memory_space<vmem>>)
      "tpu.region"() ({
        %run_scoped3A = tpu.sem_alloc : memref<!tpu.dma_semaphore, #tpu.memory_space<semaphore_mem>>
        %dma_start3A_48 = arith.constant 0 : i32
        %dma_start3A_49 = arith.constant 0 : i32
        %dma_start3A_50 = tpu.memref_slice %arg10[%dma_start3A_48, %dma_start3A_49] : memref<10240x128xf32, #tpu.memory_space<vmem_shared>> -> memref<10240x128xf32, #tpu.memory_space<vmem_shared>>
        tpu.enqueue_indirect_dma source(%arg8 : memref<80x128xf32, #tpu.memory_space<vmem>>) target(%dma_start3A_50 : memref<10240x128xf32, #tpu.memory_space<vmem_shared>>) offsets(%arg7 : memref<80xi32, #tpu.memory_space<vmem>>) semaphore(%run_scoped3A : memref<!tpu.dma_semaphore, #tpu.memory_space<semaphore_mem>>) {add = true}
        %dma_wait3A_51 = arith.constant 0 : i32
        %dma_wait3A_52 = arith.constant 0 : i32
        %dma_wait3A_53 = tpu.memref_slice %arg10[%dma_wait3A_51, %dma_wait3A_52] : memref<10240x128xf32, #tpu.memory_space<vmem_shared>> -> memref<10240x128xf32, #tpu.memory_space<vmem_shared>>
        tpu.wait_indirect_dma semaphore(%run_scoped3A : memref<!tpu.dma_semaphore, #tpu.memory_space<semaphore_mem>>) src(%arg8 : memref<80x128xf32, #tpu.memory_space<vmem>>) dst(%dma_wait3A_53 : memref<10240x128xf32, #tpu.memory_space<vmem_shared>>)
        tpu.yield
      }) : () -> ()
    }
    %scan3A_31 = arith.constant 250 : i32
    %barrier3A_32 = arith.constant 0 : index
    tpu.barrier barrier_id(%barrier3A_32)
    %lt3A = arith.constant 15 : i32
    %lt3A_33 = arith.cmpi slt, %arg1, %lt3A : i32
    %convert_element_type3A = arith.extui %lt3A_33 : i1 to i32
    %cond3A = arith.constant 0 : i32
    %cond3A_34 = arith.cmpi ne, %convert_element_type3A, %cond3A : i32
    scf.if %cond3A_34 {
      %mul3A_39 = arith.constant 10000 : i32
      %mul3A_40 = arith.muli %arg0, %mul3A_39 : i32
      %add3A_41 = arith.addi %mul3A_40, %multiple_of3A : i32
      "tpu.region"() ({
        %run_scoped3A = tpu.sem_alloc : memref<!tpu.dma_semaphore, #tpu.memory_space<semaphore_mem>>
        %dma_start3A = arith.constant 0 : i32
        %dma_start3A_42 = tpu.memref_slice %arg5[%add3A_41, %dma_start3A] : memref<20000x128xf32, #tpu.memory_space<hbm>> -> memref<640x128xf32, #tpu.memory_space<hbm>>
        %dma_start3A_43 = arith.constant 0 : i32
        %dma_start3A_44 = tpu.memref_slice %arg10[%multiple_of3A, %dma_start3A_43] : memref<10240x128xf32, #tpu.memory_space<vmem_shared>> -> memref<640x128xf32, #tpu.memory_space<vmem_shared>>
        tpu.enqueue_dma source(%dma_start3A_44 : memref<640x128xf32, #tpu.memory_space<vmem_shared>>) target(%dma_start3A_42 : memref<640x128xf32, #tpu.memory_space<hbm>>) target_semaphore(%run_scoped3A : memref<!tpu.dma_semaphore, #tpu.memory_space<semaphore_mem>>)
        %dma_wait3A = arith.constant 0 : i32
        %dma_wait3A_45 = tpu.memref_slice %arg5[%add3A_41, %dma_wait3A] : memref<20000x128xf32, #tpu.memory_space<hbm>> -> memref<640x128xf32, #tpu.memory_space<hbm>>
        %dma_wait3A_46 = arith.constant 0 : i32
        %dma_wait3A_47 = tpu.memref_slice %arg10[%multiple_of3A, %dma_wait3A_46] : memref<10240x128xf32, #tpu.memory_space<vmem_shared>> -> memref<640x128xf32, #tpu.memory_space<vmem_shared>>
        tpu.wait_dma2 semaphore(%run_scoped3A : memref<!tpu.dma_semaphore, #tpu.memory_space<semaphore_mem>>) src(%dma_wait3A_47 : memref<640x128xf32, #tpu.memory_space<vmem_shared>>) dst(%dma_wait3A_45 : memref<640x128xf32, #tpu.memory_space<hbm>>)
        tpu.yield
      }) : () -> ()
    } else {
    }
    %eq3A = arith.constant 15 : i32
    %eq3A_35 = arith.cmpi eq, %arg1, %eq3A : i32
    %convert_element_type3A_36 = arith.extui %eq3A_35 : i1 to i32
    %cond3A_37 = arith.constant 0 : i32
    %cond3A_38 = arith.cmpi ne, %convert_element_type3A_36, %cond3A_37 : i32
    scf.if %cond3A_38 {
      %mul3A_39 = arith.constant 10000 : i32
      %mul3A_40 = arith.muli %arg0, %mul3A_39 : i32
      %add3A_41 = arith.addi %mul3A_40, %multiple_of3A : i32
      "tpu.region"() ({
        %run_scoped3A = tpu.sem_alloc : memref<!tpu.dma_semaphore, #tpu.memory_space<semaphore_mem>>
        %dma_start3A = arith.constant 0 : i32
        %dma_start3A_42 = tpu.memref_slice %arg5[%add3A_41, %dma_start3A] : memref<20000x128xf32, #tpu.memory_space<hbm>> -> memref<400x128xf32, #tpu.memory_space<hbm>>
        %dma_start3A_43 = arith.constant 0 : i32
        %dma_start3A_44 = tpu.memref_slice %arg10[%multiple_of3A, %dma_start3A_43] : memref<10240x128xf32, #tpu.memory_space<vmem_shared>> -> memref<400x128xf32, #tpu.memory_space<vmem_shared>>
        tpu.enqueue_dma source(%dma_start3A_44 : memref<400x128xf32, #tpu.memory_space<vmem_shared>>) target(%dma_start3A_42 : memref<400x128xf32, #tpu.memory_space<hbm>>) target_semaphore(%run_scoped3A : memref<!tpu.dma_semaphore, #tpu.memory_space<semaphore_mem>>)
        %dma_wait3A = arith.constant 0 : i32
        %dma_wait3A_45 = tpu.memref_slice %arg5[%add3A_41, %dma_wait3A] : memref<20000x128xf32, #tpu.memory_space<hbm>> -> memref<400x128xf32, #tpu.memory_space<hbm>>
        %dma_wait3A_46 = arith.constant 0 : i32
        %dma_wait3A_47 = tpu.memref_slice %arg10[%multiple_of3A, %dma_wait3A_46] : memref<10240x128xf32, #tpu.memory_space<vmem_shared>> -> memref<400x128xf32, #tpu.memory_space<vmem_shared>>
        tpu.wait_dma2 semaphore(%run_scoped3A : memref<!tpu.dma_semaphore, #tpu.memory_space<semaphore_mem>>) src(%dma_wait3A_47 : memref<400x128xf32, #tpu.memory_space<vmem_shared>>) dst(%dma_wait3A_45 : memref<400x128xf32, #tpu.memory_space<hbm>>)
        tpu.yield
      }) : () -> ()
    } else {
    }
    return
  }
}

#map = affine_map<(d0, d1) -> (0, 0)>
#map1 = affine_map<(d0, d1) -> (0)>
module attributes {stable_mosaic.version = 14 : i64} {
  func.func @_sc_aggregate(%arg0: i32, %arg1: i32, %arg2: memref<20000x128xf32, #tpu.memory_space<hbm>>, %arg3: memref<640000xi32, #tpu.memory_space<hbm>>, %arg4: memref<640000xi32, #tpu.memory_space<hbm>>, %arg5: memref<20000x128xf32, #tpu.memory_space<hbm>>, %arg6: memref<80xi32, #tpu.memory_space<vmem>>, %arg7: memref<80xi32, #tpu.memory_space<vmem>>, %arg8: memref<80x128xf32, #tpu.memory_space<vmem>>, %arg9: memref<80x128xf32, #tpu.memory_space<vmem>>, %arg10: memref<10240x128xf32, #tpu.memory_space<vmem_shared>>, %arg11: memref<!tpu.dma_semaphore, #tpu.memory_space<semaphore_mem>>) attributes {dimension_semantics = [#tpu.dimension_semantics<core_parallel>, #tpu.dimension_semantics<subcore_parallel>], iteration_bounds = array<i64: 2, 16>, scalar_prefetch = 0 : i64, scratch_operands = 6 : i64, tpu.core_type = #tpu.core_type<sc_vector_subcore>, window_params = [{transform_indices = #map}, {transform_indices = #map1}, {transform_indices = #map1}, {transform_indices = #map}]} {
    %scan3A = arith.constant 0 : i32
    %scan3A_0 = arith.constant 0 : i32
    %scan3A_1 = arith.constant 80 : i32
    %scan3A_2 = arith.addi %scan3A_0, %scan3A_1 : i32
    %scan3A_3 = arith.constant 1 : i32
    scf.for %scan3A_39 = %scan3A_0 to %scan3A_2 step %scan3A_3  : i32 {
      %broadcast_in_dim3A = arith.constant 0.000000e+00 : f32
      %broadcast_in_dim3A_40 = vector.broadcast %broadcast_in_dim3A : f32 to vector<16xf32>
      %swap3A = arith.index_cast %scan3A_39 : i32 to index
      %swap3A_41 = arith.constant 0 : index
      %swap3A_42 = tpu.vector_load %arg9[%swap3A, %swap3A_41] {strides = array<i32>} : memref<80x128xf32, #tpu.memory_space<vmem>>, vector<1x16xf32>,
      %swap3A_43 = vector.shape_cast %swap3A_42 : vector<1x16xf32> to vector<16xf32>
      %swap3A_44 = vector.shape_cast %broadcast_in_dim3A_40 : vector<16xf32> to vector<1x16xf32>
      tpu.vector_store %arg9[%swap3A, %swap3A_41], %swap3A_44 {strides = array<i32>} : memref<80x128xf32, #tpu.memory_space<vmem>>, vector<1x16xf32>,
      %broadcast_in_dim3A_45 = arith.constant 0.000000e+00 : f32
      %broadcast_in_dim3A_46 = vector.broadcast %broadcast_in_dim3A_45 : f32 to vector<16xf32>
      %swap3A_47 = arith.index_cast %scan3A_39 : i32 to index
      %swap3A_48 = arith.constant 16 : index
      %swap3A_49 = tpu.vector_load %arg9[%swap3A_47, %swap3A_48] {strides = array<i32>} : memref<80x128xf32, #tpu.memory_space<vmem>>, vector<1x16xf32>,
      %swap3A_50 = vector.shape_cast %swap3A_49 : vector<1x16xf32> to vector<16xf32>
      %swap3A_51 = vector.shape_cast %broadcast_in_dim3A_46 : vector<16xf32> to vector<1x16xf32>
      tpu.vector_store %arg9[%swap3A_47, %swap3A_48], %swap3A_51 {strides = array<i32>} : memref<80x128xf32, #tpu.memory_space<vmem>>, vector<1x16xf32>,
      %broadcast_in_dim3A_52 = arith.constant 0.000000e+00 : f32
      %broadcast_in_dim3A_53 = vector.broadcast %broadcast_in_dim3A_52 : f32 to vector<16xf32>
      %swap3A_54 = arith.index_cast %scan3A_39 : i32 to index
      %swap3A_55 = arith.constant 32 : index
      %swap3A_56 = tpu.vector_load %arg9[%swap3A_54, %swap3A_55] {strides = array<i32>} : memref<80x128xf32, #tpu.memory_space<vmem>>, vector<1x16xf32>,
      %swap3A_57 = vector.shape_cast %swap3A_56 : vector<1x16xf32> to vector<16xf32>
      %swap3A_58 = vector.shape_cast %broadcast_in_dim3A_53 : vector<16xf32> to vector<1x16xf32>
      tpu.vector_store %arg9[%swap3A_54, %swap3A_55], %swap3A_58 {strides = array<i32>} : memref<80x128xf32, #tpu.memory_space<vmem>>, vector<1x16xf32>,
      %broadcast_in_dim3A_59 = arith.constant 0.000000e+00 : f32
      %broadcast_in_dim3A_60 = vector.broadcast %broadcast_in_dim3A_59 : f32 to vector<16xf32>
      %swap3A_61 = arith.index_cast %scan3A_39 : i32 to index
      %swap3A_62 = arith.constant 48 : index
      %swap3A_63 = tpu.vector_load %arg9[%swap3A_61, %swap3A_62] {strides = array<i32>} : memref<80x128xf32, #tpu.memory_space<vmem>>, vector<1x16xf32>,
      %swap3A_64 = vector.shape_cast %swap3A_63 : vector<1x16xf32> to vector<16xf32>
      %swap3A_65 = vector.shape_cast %broadcast_in_dim3A_60 : vector<16xf32> to vector<1x16xf32>
      tpu.vector_store %arg9[%swap3A_61, %swap3A_62], %swap3A_65 {strides = array<i32>} : memref<80x128xf32, #tpu.memory_space<vmem>>, vector<1x16xf32>,
      %broadcast_in_dim3A_66 = arith.constant 0.000000e+00 : f32
      %broadcast_in_dim3A_67 = vector.broadcast %broadcast_in_dim3A_66 : f32 to vector<16xf32>
      %swap3A_68 = arith.index_cast %scan3A_39 : i32 to index
      %swap3A_69 = arith.constant 64 : index
      %swap3A_70 = tpu.vector_load %arg9[%swap3A_68, %swap3A_69] {strides = array<i32>} : memref<80x128xf32, #tpu.memory_space<vmem>>, vector<1x16xf32>,
      %swap3A_71 = vector.shape_cast %swap3A_70 : vector<1x16xf32> to vector<16xf32>
      %swap3A_72 = vector.shape_cast %broadcast_in_dim3A_67 : vector<16xf32> to vector<1x16xf32>
      tpu.vector_store %arg9[%swap3A_68, %swap3A_69], %swap3A_72 {strides = array<i32>} : memref<80x128xf32, #tpu.memory_space<vmem>>, vector<1x16xf32>,
      %broadcast_in_dim3A_73 = arith.constant 0.000000e+00 : f32
      %broadcast_in_dim3A_74 = vector.broadcast %broadcast_in_dim3A_73 : f32 to vector<16xf32>
      %swap3A_75 = arith.index_cast %scan3A_39 : i32 to index
      %swap3A_76 = arith.constant 80 : index
      %swap3A_77 = tpu.vector_load %arg9[%swap3A_75, %swap3A_76] {strides = array<i32>} : memref<80x128xf32, #tpu.memory_space<vmem>>, vector<1x16xf32>,
      %swap3A_78 = vector.shape_cast %swap3A_77 : vector<1x16xf32> to vector<16xf32>
      %swap3A_79 = vector.shape_cast %broadcast_in_dim3A_74 : vector<16xf32> to vector<1x16xf32>
      tpu.vector_store %arg9[%swap3A_75, %swap3A_76], %swap3A_79 {strides = array<i32>} : memref<80x128xf32, #tpu.memory_space<vmem>>, vector<1x16xf32>,
      %broadcast_in_dim3A_80 = arith.constant 0.000000e+00 : f32
      %broadcast_in_dim3A_81 = vector.broadcast %broadcast_in_dim3A_80 : f32 to vector<16xf32>
      %swap3A_82 = arith.index_cast %scan3A_39 : i32 to index
      %swap3A_83 = arith.constant 96 : index
      %swap3A_84 = tpu.vector_load %arg9[%swap3A_82, %swap3A_83] {strides = array<i32>} : memref<80x128xf32, #tpu.memory_space<vmem>>, vector<1x16xf32>,
      %swap3A_85 = vector.shape_cast %swap3A_84 : vector<1x16xf32> to vector<16xf32>
      %swap3A_86 = vector.shape_cast %broadcast_in_dim3A_81 : vector<16xf32> to vector<1x16xf32>
      tpu.vector_store %arg9[%swap3A_82, %swap3A_83], %swap3A_86 {strides = array<i32>} : memref<80x128xf32, #tpu.memory_space<vmem>>, vector<1x16xf32>,
      %broadcast_in_dim3A_87 = arith.constant 0.000000e+00 : f32
      %broadcast_in_dim3A_88 = vector.broadcast %broadcast_in_dim3A_87 : f32 to vector<16xf32>
      %swap3A_89 = arith.index_cast %scan3A_39 : i32 to index
      %swap3A_90 = arith.constant 112 : index
      %swap3A_91 = tpu.vector_load %arg9[%swap3A_89, %swap3A_90] {strides = array<i32>} : memref<80x128xf32, #tpu.memory_space<vmem>>, vector<1x16xf32>,
      %swap3A_92 = vector.shape_cast %swap3A_91 : vector<1x16xf32> to vector<16xf32>
      %swap3A_93 = vector.shape_cast %broadcast_in_dim3A_88 : vector<16xf32> to vector<1x16xf32>
      tpu.vector_store %arg9[%swap3A_89, %swap3A_90], %swap3A_93 {strides = array<i32>} : memref<80x128xf32, #tpu.memory_space<vmem>>, vector<1x16xf32>,
    }
    %scan3A_4 = arith.constant 80 : i32
    %mul3A = arith.constant 640 : i32
    %mul3A_5 = arith.muli %arg1, %mul3A : i32
    %multiple_of3A = tpu.assume_multiple %mul3A_5, 8 : i32
    %add3A = arith.constant 0 : i32
    %add3A_6 = arith.addi %multiple_of3A, %add3A : i32
    "tpu.region"() ({
      %run_scoped3A = tpu.sem_alloc : memref<!tpu.dma_semaphore, #tpu.memory_space<semaphore_mem>>
      %dma_start3A = arith.constant 0 : i32
      %dma_start3A_39 = tpu.memref_slice %arg10[%add3A_6, %dma_start3A] : memref<10240x128xf32, #tpu.memory_space<vmem_shared>> -> memref<80x128xf32, #tpu.memory_space<vmem_shared>>
      %dma_start3A_40 = arith.constant 0 : i32
      %dma_start3A_41 = tpu.memref_slice %arg10[%add3A_6, %dma_start3A_40] : memref<10240x128xf32, #tpu.memory_space<vmem_shared>> -> memref<80x128xf32, #tpu.memory_space<vmem_shared>>
      tpu.enqueue_dma source(%arg9 : memref<80x128xf32, #tpu.memory_space<vmem>>) target(%dma_start3A_41 : memref<80x128xf32, #tpu.memory_space<vmem_shared>>) target_semaphore(%run_scoped3A : memref<!tpu.dma_semaphore, #tpu.memory_space<semaphore_mem>>)
      %dma_wait3A = arith.constant 0 : i32
      %dma_wait3A_42 = tpu.memref_slice %arg10[%add3A_6, %dma_wait3A] : memref<10240x128xf32, #tpu.memory_space<vmem_shared>> -> memref<80x128xf32, #tpu.memory_space<vmem_shared>>
      %dma_wait3A_43 = arith.constant 0 : i32
      %dma_wait3A_44 = tpu.memref_slice %arg10[%add3A_6, %dma_wait3A_43] : memref<10240x128xf32, #tpu.memory_space<vmem_shared>> -> memref<80x128xf32, #tpu.memory_space<vmem_shared>>
      tpu.wait_dma2 semaphore(%run_scoped3A : memref<!tpu.dma_semaphore, #tpu.memory_space<semaphore_mem>>) src(%arg9 : memref<80x128xf32, #tpu.memory_space<vmem>>) dst(%dma_wait3A_44 : memref<80x128xf32, #tpu.memory_space<vmem_shared>>)
      tpu.yield
    }) : () -> ()
    %add3A_7 = arith.constant 80 : i32
    %add3A_8 = arith.addi %multiple_of3A, %add3A_7 : i32
    "tpu.region"() ({
      %run_scoped3A = tpu.sem_alloc : memref<!tpu.dma_semaphore, #tpu.memory_space<semaphore_mem>>
      %dma_start3A = arith.constant 0 : i32
      %dma_start3A_39 = tpu.memref_slice %arg10[%add3A_8, %dma_start3A] : memref<10240x128xf32, #tpu.memory_space<vmem_shared>> -> memref<80x128xf32, #tpu.memory_space<vmem_shared>>
      %dma_start3A_40 = arith.constant 0 : i32
      %dma_start3A_41 = tpu.memref_slice %arg10[%add3A_8, %dma_start3A_40] : memref<10240x128xf32, #tpu.memory_space<vmem_shared>> -> memref<80x128xf32, #tpu.memory_space<vmem_shared>>
      tpu.enqueue_dma source(%arg9 : memref<80x128xf32, #tpu.memory_space<vmem>>) target(%dma_start3A_41 : memref<80x128xf32, #tpu.memory_space<vmem_shared>>) target_semaphore(%run_scoped3A : memref<!tpu.dma_semaphore, #tpu.memory_space<semaphore_mem>>)
      %dma_wait3A = arith.constant 0 : i32
      %dma_wait3A_42 = tpu.memref_slice %arg10[%add3A_8, %dma_wait3A] : memref<10240x128xf32, #tpu.memory_space<vmem_shared>> -> memref<80x128xf32, #tpu.memory_space<vmem_shared>>
      %dma_wait3A_43 = arith.constant 0 : i32
      %dma_wait3A_44 = tpu.memref_slice %arg10[%add3A_8, %dma_wait3A_43] : memref<10240x128xf32, #tpu.memory_space<vmem_shared>> -> memref<80x128xf32, #tpu.memory_space<vmem_shared>>
      tpu.wait_dma2 semaphore(%run_scoped3A : memref<!tpu.dma_semaphore, #tpu.memory_space<semaphore_mem>>) src(%arg9 : memref<80x128xf32, #tpu.memory_space<vmem>>) dst(%dma_wait3A_44 : memref<80x128xf32, #tpu.memory_space<vmem_shared>>)
      tpu.yield
    }) : () -> ()
    %add3A_9 = arith.constant 160 : i32
    %add3A_10 = arith.addi %multiple_of3A, %add3A_9 : i32
    "tpu.region"() ({
      %run_scoped3A = tpu.sem_alloc : memref<!tpu.dma_semaphore, #tpu.memory_space<semaphore_mem>>
      %dma_start3A = arith.constant 0 : i32
      %dma_start3A_39 = tpu.memref_slice %arg10[%add3A_10, %dma_start3A] : memref<10240x128xf32, #tpu.memory_space<vmem_shared>> -> memref<80x128xf32, #tpu.memory_space<vmem_shared>>
      %dma_start3A_40 = arith.constant 0 : i32
      %dma_start3A_41 = tpu.memref_slice %arg10[%add3A_10, %dma_start3A_40] : memref<10240x128xf32, #tpu.memory_space<vmem_shared>> -> memref<80x128xf32, #tpu.memory_space<vmem_shared>>
      tpu.enqueue_dma source(%arg9 : memref<80x128xf32, #tpu.memory_space<vmem>>) target(%dma_start3A_41 : memref<80x128xf32, #tpu.memory_space<vmem_shared>>) target_semaphore(%run_scoped3A : memref<!tpu.dma_semaphore, #tpu.memory_space<semaphore_mem>>)
      %dma_wait3A = arith.constant 0 : i32
      %dma_wait3A_42 = tpu.memref_slice %arg10[%add3A_10, %dma_wait3A] : memref<10240x128xf32, #tpu.memory_space<vmem_shared>> -> memref<80x128xf32, #tpu.memory_space<vmem_shared>>
      %dma_wait3A_43 = arith.constant 0 : i32
      %dma_wait3A_44 = tpu.memref_slice %arg10[%add3A_10, %dma_wait3A_43] : memref<10240x128xf32, #tpu.memory_space<vmem_shared>> -> memref<80x128xf32, #tpu.memory_space<vmem_shared>>
      tpu.wait_dma2 semaphore(%run_scoped3A : memref<!tpu.dma_semaphore, #tpu.memory_space<semaphore_mem>>) src(%arg9 : memref<80x128xf32, #tpu.memory_space<vmem>>) dst(%dma_wait3A_44 : memref<80x128xf32, #tpu.memory_space<vmem_shared>>)
      tpu.yield
    }) : () -> ()
    %add3A_11 = arith.constant 240 : i32
    %add3A_12 = arith.addi %multiple_of3A, %add3A_11 : i32
    "tpu.region"() ({
      %run_scoped3A = tpu.sem_alloc : memref<!tpu.dma_semaphore, #tpu.memory_space<semaphore_mem>>
      %dma_start3A = arith.constant 0 : i32
      %dma_start3A_39 = tpu.memref_slice %arg10[%add3A_12, %dma_start3A] : memref<10240x128xf32, #tpu.memory_space<vmem_shared>> -> memref<80x128xf32, #tpu.memory_space<vmem_shared>>
      %dma_start3A_40 = arith.constant 0 : i32
      %dma_start3A_41 = tpu.memref_slice %arg10[%add3A_12, %dma_start3A_40] : memref<10240x128xf32, #tpu.memory_space<vmem_shared>> -> memref<80x128xf32, #tpu.memory_space<vmem_shared>>
      tpu.enqueue_dma source(%arg9 : memref<80x128xf32, #tpu.memory_space<vmem>>) target(%dma_start3A_41 : memref<80x128xf32, #tpu.memory_space<vmem_shared>>) target_semaphore(%run_scoped3A : memref<!tpu.dma_semaphore, #tpu.memory_space<semaphore_mem>>)
      %dma_wait3A = arith.constant 0 : i32
      %dma_wait3A_42 = tpu.memref_slice %arg10[%add3A_12, %dma_wait3A] : memref<10240x128xf32, #tpu.memory_space<vmem_shared>> -> memref<80x128xf32, #tpu.memory_space<vmem_shared>>
      %dma_wait3A_43 = arith.constant 0 : i32
      %dma_wait3A_44 = tpu.memref_slice %arg10[%add3A_12, %dma_wait3A_43] : memref<10240x128xf32, #tpu.memory_space<vmem_shared>> -> memref<80x128xf32, #tpu.memory_space<vmem_shared>>
      tpu.wait_dma2 semaphore(%run_scoped3A : memref<!tpu.dma_semaphore, #tpu.memory_space<semaphore_mem>>) src(%arg9 : memref<80x128xf32, #tpu.memory_space<vmem>>) dst(%dma_wait3A_44 : memref<80x128xf32, #tpu.memory_space<vmem_shared>>)
      tpu.yield
    }) : () -> ()
    %add3A_13 = arith.constant 320 : i32
    %add3A_14 = arith.addi %multiple_of3A, %add3A_13 : i32
    "tpu.region"() ({
      %run_scoped3A = tpu.sem_alloc : memref<!tpu.dma_semaphore, #tpu.memory_space<semaphore_mem>>
      %dma_start3A = arith.constant 0 : i32
      %dma_start3A_39 = tpu.memref_slice %arg10[%add3A_14, %dma_start3A] : memref<10240x128xf32, #tpu.memory_space<vmem_shared>> -> memref<80x128xf32, #tpu.memory_space<vmem_shared>>
      %dma_start3A_40 = arith.constant 0 : i32
      %dma_start3A_41 = tpu.memref_slice %arg10[%add3A_14, %dma_start3A_40] : memref<10240x128xf32, #tpu.memory_space<vmem_shared>> -> memref<80x128xf32, #tpu.memory_space<vmem_shared>>
      tpu.enqueue_dma source(%arg9 : memref<80x128xf32, #tpu.memory_space<vmem>>) target(%dma_start3A_41 : memref<80x128xf32, #tpu.memory_space<vmem_shared>>) target_semaphore(%run_scoped3A : memref<!tpu.dma_semaphore, #tpu.memory_space<semaphore_mem>>)
      %dma_wait3A = arith.constant 0 : i32
      %dma_wait3A_42 = tpu.memref_slice %arg10[%add3A_14, %dma_wait3A] : memref<10240x128xf32, #tpu.memory_space<vmem_shared>> -> memref<80x128xf32, #tpu.memory_space<vmem_shared>>
      %dma_wait3A_43 = arith.constant 0 : i32
      %dma_wait3A_44 = tpu.memref_slice %arg10[%add3A_14, %dma_wait3A_43] : memref<10240x128xf32, #tpu.memory_space<vmem_shared>> -> memref<80x128xf32, #tpu.memory_space<vmem_shared>>
      tpu.wait_dma2 semaphore(%run_scoped3A : memref<!tpu.dma_semaphore, #tpu.memory_space<semaphore_mem>>) src(%arg9 : memref<80x128xf32, #tpu.memory_space<vmem>>) dst(%dma_wait3A_44 : memref<80x128xf32, #tpu.memory_space<vmem_shared>>)
      tpu.yield
    }) : () -> ()
    %add3A_15 = arith.constant 400 : i32
    %add3A_16 = arith.addi %multiple_of3A, %add3A_15 : i32
    "tpu.region"() ({
      %run_scoped3A = tpu.sem_alloc : memref<!tpu.dma_semaphore, #tpu.memory_space<semaphore_mem>>
      %dma_start3A = arith.constant 0 : i32
      %dma_start3A_39 = tpu.memref_slice %arg10[%add3A_16, %dma_start3A] : memref<10240x128xf32, #tpu.memory_space<vmem_shared>> -> memref<80x128xf32, #tpu.memory_space<vmem_shared>>
      %dma_start3A_40 = arith.constant 0 : i32
      %dma_start3A_41 = tpu.memref_slice %arg10[%add3A_16, %dma_start3A_40] : memref<10240x128xf32, #tpu.memory_space<vmem_shared>> -> memref<80x128xf32, #tpu.memory_space<vmem_shared>>
      tpu.enqueue_dma source(%arg9 : memref<80x128xf32, #tpu.memory_space<vmem>>) target(%dma_start3A_41 : memref<80x128xf32, #tpu.memory_space<vmem_shared>>) target_semaphore(%run_scoped3A : memref<!tpu.dma_semaphore, #tpu.memory_space<semaphore_mem>>)
      %dma_wait3A = arith.constant 0 : i32
      %dma_wait3A_42 = tpu.memref_slice %arg10[%add3A_16, %dma_wait3A] : memref<10240x128xf32, #tpu.memory_space<vmem_shared>> -> memref<80x128xf32, #tpu.memory_space<vmem_shared>>
      %dma_wait3A_43 = arith.constant 0 : i32
      %dma_wait3A_44 = tpu.memref_slice %arg10[%add3A_16, %dma_wait3A_43] : memref<10240x128xf32, #tpu.memory_space<vmem_shared>> -> memref<80x128xf32, #tpu.memory_space<vmem_shared>>
      tpu.wait_dma2 semaphore(%run_scoped3A : memref<!tpu.dma_semaphore, #tpu.memory_space<semaphore_mem>>) src(%arg9 : memref<80x128xf32, #tpu.memory_space<vmem>>) dst(%dma_wait3A_44 : memref<80x128xf32, #tpu.memory_space<vmem_shared>>)
      tpu.yield
    }) : () -> ()
    %add3A_17 = arith.constant 480 : i32
    %add3A_18 = arith.addi %multiple_of3A, %add3A_17 : i32
    "tpu.region"() ({
      %run_scoped3A = tpu.sem_alloc : memref<!tpu.dma_semaphore, #tpu.memory_space<semaphore_mem>>
      %dma_start3A = arith.constant 0 : i32
      %dma_start3A_39 = tpu.memref_slice %arg10[%add3A_18, %dma_start3A] : memref<10240x128xf32, #tpu.memory_space<vmem_shared>> -> memref<80x128xf32, #tpu.memory_space<vmem_shared>>
      %dma_start3A_40 = arith.constant 0 : i32
      %dma_start3A_41 = tpu.memref_slice %arg10[%add3A_18, %dma_start3A_40] : memref<10240x128xf32, #tpu.memory_space<vmem_shared>> -> memref<80x128xf32, #tpu.memory_space<vmem_shared>>
      tpu.enqueue_dma source(%arg9 : memref<80x128xf32, #tpu.memory_space<vmem>>) target(%dma_start3A_41 : memref<80x128xf32, #tpu.memory_space<vmem_shared>>) target_semaphore(%run_scoped3A : memref<!tpu.dma_semaphore, #tpu.memory_space<semaphore_mem>>)
      %dma_wait3A = arith.constant 0 : i32
      %dma_wait3A_42 = tpu.memref_slice %arg10[%add3A_18, %dma_wait3A] : memref<10240x128xf32, #tpu.memory_space<vmem_shared>> -> memref<80x128xf32, #tpu.memory_space<vmem_shared>>
      %dma_wait3A_43 = arith.constant 0 : i32
      %dma_wait3A_44 = tpu.memref_slice %arg10[%add3A_18, %dma_wait3A_43] : memref<10240x128xf32, #tpu.memory_space<vmem_shared>> -> memref<80x128xf32, #tpu.memory_space<vmem_shared>>
      tpu.wait_dma2 semaphore(%run_scoped3A : memref<!tpu.dma_semaphore, #tpu.memory_space<semaphore_mem>>) src(%arg9 : memref<80x128xf32, #tpu.memory_space<vmem>>) dst(%dma_wait3A_44 : memref<80x128xf32, #tpu.memory_space<vmem_shared>>)
      tpu.yield
    }) : () -> ()
    %add3A_19 = arith.constant 560 : i32
    %add3A_20 = arith.addi %multiple_of3A, %add3A_19 : i32
    "tpu.region"() ({
      %run_scoped3A = tpu.sem_alloc : memref<!tpu.dma_semaphore, #tpu.memory_space<semaphore_mem>>
      %dma_start3A = arith.constant 0 : i32
      %dma_start3A_39 = tpu.memref_slice %arg10[%add3A_20, %dma_start3A] : memref<10240x128xf32, #tpu.memory_space<vmem_shared>> -> memref<80x128xf32, #tpu.memory_space<vmem_shared>>
      %dma_start3A_40 = arith.constant 0 : i32
      %dma_start3A_41 = tpu.memref_slice %arg10[%add3A_20, %dma_start3A_40] : memref<10240x128xf32, #tpu.memory_space<vmem_shared>> -> memref<80x128xf32, #tpu.memory_space<vmem_shared>>
      tpu.enqueue_dma source(%arg9 : memref<80x128xf32, #tpu.memory_space<vmem>>) target(%dma_start3A_41 : memref<80x128xf32, #tpu.memory_space<vmem_shared>>) target_semaphore(%run_scoped3A : memref<!tpu.dma_semaphore, #tpu.memory_space<semaphore_mem>>)
      %dma_wait3A = arith.constant 0 : i32
      %dma_wait3A_42 = tpu.memref_slice %arg10[%add3A_20, %dma_wait3A] : memref<10240x128xf32, #tpu.memory_space<vmem_shared>> -> memref<80x128xf32, #tpu.memory_space<vmem_shared>>
      %dma_wait3A_43 = arith.constant 0 : i32
      %dma_wait3A_44 = tpu.memref_slice %arg10[%add3A_20, %dma_wait3A_43] : memref<10240x128xf32, #tpu.memory_space<vmem_shared>> -> memref<80x128xf32, #tpu.memory_space<vmem_shared>>
      tpu.wait_dma2 semaphore(%run_scoped3A : memref<!tpu.dma_semaphore, #tpu.memory_space<semaphore_mem>>) src(%arg9 : memref<80x128xf32, #tpu.memory_space<vmem>>) dst(%dma_wait3A_44 : memref<80x128xf32, #tpu.memory_space<vmem_shared>>)
      tpu.yield
    }) : () -> ()
    %barrier3A = arith.constant 0 : index
    tpu.barrier barrier_id(%barrier3A)
    %mul3A_21 = arith.constant 320000 : i32
    %mul3A_22 = arith.muli %arg0, %mul3A_21 : i32
    %mul3A_23 = arith.constant 20000 : i32
    %mul3A_24 = arith.muli %arg1, %mul3A_23 : i32
    %add3A_25 = arith.addi %mul3A_22, %mul3A_24 : i32
    %scan3A_26 = arith.constant 0 : i32
    %scan3A_27 = arith.constant 0 : i32
    %scan3A_28 = arith.constant 250 : i32
    %scan3A_29 = arith.addi %scan3A_27, %scan3A_28 : i32
    %scan3A_30 = arith.constant 1 : i32
    scf.for %scan3A_39 = %scan3A_27 to %scan3A_29 step %scan3A_30  : i32 {
      %mul3A_40 = arith.constant 80 : i32
      %mul3A_41 = arith.muli %scan3A_39, %mul3A_40 : i32
      %add3A_42 = arith.addi %add3A_25, %mul3A_41 : i32
      %multiple_of3A_43 = tpu.assume_multiple %add3A_42, 8 : i32
      "tpu.region"() ({
        %run_scoped3A = tpu.sem_alloc : memref<!tpu.dma_semaphore, #tpu.memory_space<semaphore_mem>>
        %dma_start3A_48 = tpu.memref_slice %arg3[%multiple_of3A_43] : memref<640000xi32, #tpu.memory_space<hbm>> -> memref<80xi32, #tpu.memory_space<hbm>>
        %dma_start3A_49 = tpu.memref_slice %arg3[%multiple_of3A_43] : memref<640000xi32, #tpu.memory_space<hbm>> -> memref<80xi32, #tpu.memory_space<hbm>>
        tpu.enqueue_dma source(%dma_start3A_49 : memref<80xi32, #tpu.memory_space<hbm>>) target(%arg6 : memref<80xi32, #tpu.memory_space<vmem>>) target_semaphore(%run_scoped3A : memref<!tpu.dma_semaphore, #tpu.memory_space<semaphore_mem>>)
        %dma_wait3A_50 = tpu.memref_slice %arg3[%multiple_of3A_43] : memref<640000xi32, #tpu.memory_space<hbm>> -> memref<80xi32, #tpu.memory_space<hbm>>
        %dma_wait3A_51 = tpu.memref_slice %arg3[%multiple_of3A_43] : memref<640000xi32, #tpu.memory_space<hbm>> -> memref<80xi32, #tpu.memory_space<hbm>>
        tpu.wait_dma2 semaphore(%run_scoped3A : memref<!tpu.dma_semaphore, #tpu.memory_space<semaphore_mem>>) src(%dma_wait3A_51 : memref<80xi32, #tpu.memory_space<hbm>>) dst(%arg6 : memref<80xi32, #tpu.memory_space<vmem>>)
        tpu.yield
      }) : () -> ()
      "tpu.region"() ({
        %run_scoped3A = tpu.sem_alloc : memref<!tpu.dma_semaphore, #tpu.memory_space<semaphore_mem>>
        %dma_start3A_48 = tpu.memref_slice %arg4[%multiple_of3A_43] : memref<640000xi32, #tpu.memory_space<hbm>> -> memref<80xi32, #tpu.memory_space<hbm>>
        %dma_start3A_49 = tpu.memref_slice %arg4[%multiple_of3A_43] : memref<640000xi32, #tpu.memory_space<hbm>> -> memref<80xi32, #tpu.memory_space<hbm>>
        tpu.enqueue_dma source(%dma_start3A_49 : memref<80xi32, #tpu.memory_space<hbm>>) target(%arg7 : memref<80xi32, #tpu.memory_space<vmem>>) target_semaphore(%run_scoped3A : memref<!tpu.dma_semaphore, #tpu.memory_space<semaphore_mem>>)
        %dma_wait3A_50 = tpu.memref_slice %arg4[%multiple_of3A_43] : memref<640000xi32, #tpu.memory_space<hbm>> -> memref<80xi32, #tpu.memory_space<hbm>>
        %dma_wait3A_51 = tpu.memref_slice %arg4[%multiple_of3A_43] : memref<640000xi32, #tpu.memory_space<hbm>> -> memref<80xi32, #tpu.memory_space<hbm>>
        tpu.wait_dma2 semaphore(%run_scoped3A : memref<!tpu.dma_semaphore, #tpu.memory_space<semaphore_mem>>) src(%dma_wait3A_51 : memref<80xi32, #tpu.memory_space<hbm>>) dst(%arg7 : memref<80xi32, #tpu.memory_space<vmem>>)
        tpu.yield
      }) : () -> ()
      %dma_start3A = arith.constant 0 : i32
      %dma_start3A_44 = arith.constant 0 : i32
      %dma_start3A_45 = tpu.memref_slice %arg2[%dma_start3A, %dma_start3A_44] : memref<20000x128xf32, #tpu.memory_space<hbm>> -> memref<20000x128xf32, #tpu.memory_space<hbm>>
      tpu.enqueue_indirect_dma source(%dma_start3A_45 : memref<20000x128xf32, #tpu.memory_space<hbm>>) target(%arg8 : memref<80x128xf32, #tpu.memory_space<vmem>>) offsets(%arg6 : memref<80xi32, #tpu.memory_space<vmem>>) semaphore(%arg11 : memref<!tpu.dma_semaphore, #tpu.memory_space<semaphore_mem>>)
      %dma_wait3A = arith.constant 0 : i32
      %dma_wait3A_46 = arith.constant 0 : i32
      %dma_wait3A_47 = tpu.memref_slice %arg2[%dma_wait3A, %dma_wait3A_46] : memref<20000x128xf32, #tpu.memory_space<hbm>> -> memref<20000x128xf32, #tpu.memory_space<hbm>>
      tpu.wait_indirect_dma semaphore(%arg11 : memref<!tpu.dma_semaphore, #tpu.memory_space<semaphore_mem>>) src(%dma_wait3A_47 : memref<20000x128xf32, #tpu.memory_space<hbm>>) dst(%arg8 : memref<80x128xf32, #tpu.memory_space<vmem>>)
      "tpu.region"() ({
        %run_scoped3A = tpu.sem_alloc : memref<!tpu.dma_semaphore, #tpu.memory_space<semaphore_mem>>
        %dma_start3A_48 = arith.constant 0 : i32
        %dma_start3A_49 = arith.constant 0 : i32
        %dma_start3A_50 = tpu.memref_slice %arg10[%dma_start3A_48, %dma_start3A_49] : memref<10240x128xf32, #tpu.memory_space<vmem_shared>> -> memref<10240x128xf32, #tpu.memory_space<vmem_shared>>
        tpu.enqueue_indirect_dma source(%arg8 : memref<80x128xf32, #tpu.memory_space<vmem>>) target(%dma_start3A_50 : memref<10240x128xf32, #tpu.memory_space<vmem_shared>>) offsets(%arg7 : memref<80xi32, #tpu.memory_space<vmem>>) semaphore(%run_scoped3A : memref<!tpu.dma_semaphore, #tpu.memory_space<semaphore_mem>>) {add = true}
        %dma_wait3A_51 = arith.constant 0 : i32
        %dma_wait3A_52 = arith.constant 0 : i32
        %dma_wait3A_53 = tpu.memref_slice %arg10[%dma_wait3A_51, %dma_wait3A_52] : memref<10240x128xf32, #tpu.memory_space<vmem_shared>> -> memref<10240x128xf32, #tpu.memory_space<vmem_shared>>
        tpu.wait_indirect_dma semaphore(%run_scoped3A : memref<!tpu.dma_semaphore, #tpu.memory_space<semaphore_mem>>) src(%arg8 : memref<80x128xf32, #tpu.memory_space<vmem>>) dst(%dma_wait3A_53 : memref<10240x128xf32, #tpu.memory_space<vmem_shared>>)
        tpu.yield
      }) : () -> ()
    }
    %scan3A_31 = arith.constant 250 : i32
    %barrier3A_32 = arith.constant 0 : index
    tpu.barrier barrier_id(%barrier3A_32)
    %lt3A = arith.constant 15 : i32
    %lt3A_33 = arith.cmpi slt, %arg1, %lt3A : i32
    %convert_element_type3A = arith.extui %lt3A_33 : i1 to i32
    %cond3A = arith.constant 0 : i32
    %cond3A_34 = arith.cmpi ne, %convert_element_type3A, %cond3A : i32
    scf.if %cond3A_34 {
      %mul3A_39 = arith.constant 10000 : i32
      %mul3A_40 = arith.muli %arg0, %mul3A_39 : i32
      %add3A_41 = arith.addi %mul3A_40, %multiple_of3A : i32
      "tpu.region"() ({
        %run_scoped3A = tpu.sem_alloc : memref<!tpu.dma_semaphore, #tpu.memory_space<semaphore_mem>>
        %dma_start3A = arith.constant 0 : i32
        %dma_start3A_42 = tpu.memref_slice %arg5[%add3A_41, %dma_start3A] : memref<20000x128xf32, #tpu.memory_space<hbm>> -> memref<640x128xf32, #tpu.memory_space<hbm>>
        %dma_start3A_43 = arith.constant 0 : i32
        %dma_start3A_44 = tpu.memref_slice %arg10[%multiple_of3A, %dma_start3A_43] : memref<10240x128xf32, #tpu.memory_space<vmem_shared>> -> memref<640x128xf32, #tpu.memory_space<vmem_shared>>
        tpu.enqueue_dma source(%dma_start3A_44 : memref<640x128xf32, #tpu.memory_space<vmem_shared>>) target(%dma_start3A_42 : memref<640x128xf32, #tpu.memory_space<hbm>>) target_semaphore(%run_scoped3A : memref<!tpu.dma_semaphore, #tpu.memory_space<semaphore_mem>>)
        %dma_wait3A = arith.constant 0 : i32
        %dma_wait3A_45 = tpu.memref_slice %arg5[%add3A_41, %dma_wait3A] : memref<20000x128xf32, #tpu.memory_space<hbm>> -> memref<640x128xf32, #tpu.memory_space<hbm>>
        %dma_wait3A_46 = arith.constant 0 : i32
        %dma_wait3A_47 = tpu.memref_slice %arg10[%multiple_of3A, %dma_wait3A_46] : memref<10240x128xf32, #tpu.memory_space<vmem_shared>> -> memref<640x128xf32, #tpu.memory_space<vmem_shared>>
        tpu.wait_dma2 semaphore(%run_scoped3A : memref<!tpu.dma_semaphore, #tpu.memory_space<semaphore_mem>>) src(%dma_wait3A_47 : memref<640x128xf32, #tpu.memory_space<vmem_shared>>) dst(%dma_wait3A_45 : memref<640x128xf32, #tpu.memory_space<hbm>>)
        tpu.yield
      }) : () -> ()
    } else {
    }
    %eq3A = arith.constant 15 : i32
    %eq3A_35 = arith.cmpi eq, %arg1, %eq3A : i32
    %convert_element_type3A_36 = arith.extui %eq3A_35 : i1 to i32
    %cond3A_37 = arith.constant 0 : i32
    %cond3A_38 = arith.cmpi ne, %convert_element_type3A_36, %cond3A_37 : i32
    scf.if %cond3A_38 {
      %mul3A_39 = arith.constant 10000 : i32
      %mul3A_40 = arith.muli %arg0, %mul3A_39 : i32
      %add3A_41 = arith.addi %mul3A_40, %multiple_of3A : i32
      "tpu.region"() ({
        %run_scoped3A = tpu.sem_alloc : memref<!tpu.dma_semaphore, #tpu.memory_space<semaphore_mem>>
        %dma_start3A = arith.constant 0 : i32
        %dma_start3A_42 = tpu.memref_slice %arg5[%add3A_41, %dma_start3A] : memref<20000x128xf32, #tpu.memory_space<hbm>> -> memref<400x128xf32, #tpu.memory_space<hbm>>
        %dma_start3A_43 = arith.constant 0 : i32
        %dma_start3A_44 = tpu.memref_slice %arg10[%multiple_of3A, %dma_start3A_43] : memref<10240x128xf32, #tpu.memory_space<vmem_shared>> -> memref<400x128xf32, #tpu.memory_space<vmem_shared>>
        tpu.enqueue_dma source(%dma_start3A_44 : memref<400x128xf32, #tpu.memory_space<vmem_shared>>) target(%dma_start3A_42 : memref<400x128xf32, #tpu.memory_space<hbm>>) target_semaphore(%run_scoped3A : memref<!tpu.dma_semaphore, #tpu.memory_space<semaphore_mem>>)
        %dma_wait3A = arith.constant 0 : i32
        %dma_wait3A_45 = tpu.memref_slice %arg5[%add3A_41, %dma_wait3A] : memref<20000x128xf32, #tpu.memory_space<hbm>> -> memref<400x128xf32, #tpu.memory_space<hbm>>
        %dma_wait3A_46 = arith.constant 0 : i32
        %dma_wait3A_47 = tpu.memref_slice %arg10[%multiple_of3A, %dma_wait3A_46] : memref<10240x128xf32, #tpu.memory_space<vmem_shared>> -> memref<400x128xf32, #tpu.memory_space<vmem_shared>>
        tpu.wait_dma2 semaphore(%run_scoped3A : memref<!tpu.dma_semaphore, #tpu.memory_space<semaphore_mem>>) src(%dma_wait3A_47 : memref<400x128xf32, #tpu.memory_space<vmem_shared>>) dst(%dma_wait3A_45 : memref<400x128xf32, #tpu.memory_space<hbm>>)
        tpu.yield
      }) : () -> ()
    } else {
    }
    return
  }
}

module attributes {stable_mosaic.version = 14 : i64} {
  func.func @_mlp_mid_body(%arg0: i32, %arg1: memref<1x1xf32, #tpu.memory_space<smem>>, %arg2: memref<2000x128xf32, #tpu.memory_space<vmem>>, %arg3: memref<2000x128xf32, #tpu.memory_space<vmem>>, %arg4: memref<128x256xf32, #tpu.memory_space<vmem>>, %arg5: memref<1x256xf32, #tpu.memory_space<vmem>>, %arg6: memref<256x128xf32, #tpu.memory_space<vmem>>, %arg7: memref<1x128xf32, #tpu.memory_space<vmem>>, %arg8: memref<2000x128xf32, #tpu.memory_space<vmem>>) attributes {dimension_semantics = [#tpu.dimension_semantics<arbitrary>], iteration_bounds = array<i64: 10>, scalar_prefetch = 0 : i64, scratch_operands = 0 : i64, tpu.core_type = #tpu.core_type<tc>, window_params = [{transform_indices = @transform_0, window_bounds = array<i64: 1, 1>}, {transform_indices = @transform_1, window_bounds = array<i64: 2000, 128>}, {transform_indices = @transform_2, window_bounds = array<i64: 2000, 128>}, {pipeline_mode = #tpu.pipeline_mode<synchronous>, transform_indices = @transform_3, window_bounds = array<i64: 128, 256>}, {pipeline_mode = #tpu.pipeline_mode<synchronous>, transform_indices = @transform_4, window_bounds = array<i64: 1, 256>}, {pipeline_mode = #tpu.pipeline_mode<synchronous>, transform_indices = @transform_5, window_bounds = array<i64: 256, 128>}, {pipeline_mode = #tpu.pipeline_mode<synchronous>, transform_indices = @transform_6, window_bounds = array<i64: 1, 128>}, {transform_indices = @transform_7, window_bounds = array<i64: 2000, 128>}]} {
    %get3A = arith.constant 0 : index
    %get3A_0 = arith.constant 0 : index
    %get3A_1 = memref.load %arg1[%get3A, %get3A_0] : memref<1x1xf32, #tpu.memory_space<smem>>
    %add3A = arith.constant 1.000000e+00 : f32
    %add3A_2 = arith.addf %add3A, %get3A_1 : f32
    %get3A_3 = arith.constant 0 : index
    %get3A_4 = arith.constant 0 : index
    %get3A_5 = vector.load %arg2[%get3A_3, %get3A_4] : memref<2000x128xf32, #tpu.memory_space<vmem>>, vector<2000x128xf32>
    %mul3A = vector.broadcast %add3A_2 : f32 to vector<2000x128xf32>
    %mul3A_6 = arith.mulf %mul3A, %get3A_5 : vector<2000x128xf32>
    %get3A_7 = arith.constant 0 : index
    %get3A_8 = arith.constant 0 : index
    %get3A_9 = vector.load %arg3[%get3A_7, %get3A_8] : memref<2000x128xf32, #tpu.memory_space<vmem>>, vector<2000x128xf32>
    %add3A_10 = arith.addf %mul3A_6, %get3A_9 : vector<2000x128xf32>
    %get3A_11 = arith.constant 0 : index
    %get3A_12 = arith.constant 0 : index
    %get3A_13 = vector.load %arg4[%get3A_11, %get3A_12] : memref<128x256xf32, #tpu.memory_space<vmem>>, vector<128x256xf32>
    %dot_general3A = arith.constant dense<0.000000e+00> : vector<2000x256xf32>
    %dot_general3A_14 = tpu.matmul %add3A_10, %get3A_13, %dot_general3A {dimension_numbers = #tpu.dot_dimension_numbers<[1], [0], [0], [1], [0, 0, 1, 1], [], []>, precision = #tpu.contract_precision<fp32>, transpose_lhs_hint = false} : vector<2000x128xf32>, vector<128x256xf32>, vector<2000x256xf32> -> vector<2000x256xf32>
    %get3A_15 = arith.constant 0 : index
    %get3A_16 = arith.constant 0 : index
    %get3A_17 = vector.load %arg5[%get3A_15, %get3A_16] : memref<1x256xf32, #tpu.memory_space<vmem>>, vector<1x256xf32>
    %add3A_18 = vector.broadcast %get3A_17 : vector<1x256xf32> to vector<2000x256xf32>
    %add3A_19 = arith.addf %dot_general3A_14, %add3A_18 : vector<2000x256xf32>
    %max3A = arith.constant 0.000000e+00 : f32
    %max3A_20 = vector.broadcast %max3A : f32 to vector<2000x256xf32>
    %max3A_21 = arith.maximumf %add3A_19, %max3A_20 : vector<2000x256xf32>
    %get3A_22 = arith.constant 0 : index
    %get3A_23 = arith.constant 0 : index
    %get3A_24 = vector.load %arg6[%get3A_22, %get3A_23] : memref<256x128xf32, #tpu.memory_space<vmem>>, vector<256x128xf32>
    %dot_general3A_25 = arith.constant dense<0.000000e+00> : vector<2000x128xf32>
    %dot_general3A_26 = tpu.matmul %max3A_21, %get3A_24, %dot_general3A_25 {dimension_numbers = #tpu.dot_dimension_numbers<[1], [0], [0], [1], [0, 0, 1, 1], [], []>, precision = #tpu.contract_precision<fp32>, transpose_lhs_hint = false} : vector<2000x256xf32>, vector<256x128xf32>, vector<2000x128xf32> -> vector<2000x128xf32>
    %get3A_27 = arith.constant 0 : index
    %get3A_28 = arith.constant 0 : index
    %get3A_29 = vector.load %arg7[%get3A_27, %get3A_28] : memref<1x128xf32, #tpu.memory_space<vmem>>, vector<1x128xf32>
    %add3A_30 = vector.broadcast %get3A_29 : vector<1x128xf32> to vector<2000x128xf32>
    %add3A_31 = arith.addf %dot_general3A_26, %add3A_30 : vector<2000x128xf32>
    %max3A_32 = arith.constant 0.000000e+00 : f32
    %max3A_33 = vector.broadcast %max3A_32 : f32 to vector<2000x128xf32>
    %max3A_34 = arith.maximumf %add3A_31, %max3A_33 : vector<2000x128xf32>
    %swap3A = arith.constant 0 : index
    %swap3A_35 = arith.constant 0 : index
    %swap3A_36 = vector.load %arg8[%swap3A, %swap3A_35] : memref<2000x128xf32, #tpu.memory_space<vmem>>, vector<2000x128xf32>
    tpu.vector_store %arg8[%swap3A, %swap3A_35], %max3A_34 {strides = array<i32>} : memref<2000x128xf32, #tpu.memory_space<vmem>>, vector<2000x128xf32>,
    return
  }
  func.func @transform_0(%arg0: i32) -> (i32, i32) {
    %c0_i32 = arith.constant 0 : i32
    %c0_i32_0 = arith.constant 0 : i32
    %c0_i32_1 = arith.constant 0 : i32
    return %c0_i32, %c0_i32_0 : i32, i32
  }
  func.func @transform_1(%arg0: i32) -> (i32, i32) {
    %c0_i32 = arith.constant 0 : i32
    %c0_i32_0 = arith.constant 0 : i32
    return %arg0, %c0_i32 : i32, i32
  }
  func.func @transform_2(%arg0: i32) -> (i32, i32) {
    %c0_i32 = arith.constant 0 : i32
    %c0_i32_0 = arith.constant 0 : i32
    return %arg0, %c0_i32 : i32, i32
  }
  func.func @transform_3(%arg0: i32) -> (i32, i32) {
    %c0_i32 = arith.constant 0 : i32
    %c0_i32_0 = arith.constant 0 : i32
    %c0_i32_1 = arith.constant 0 : i32
    return %c0_i32, %c0_i32_0 : i32, i32
  }
  func.func @transform_4(%arg0: i32) -> (i32, i32) {
    %c0_i32 = arith.constant 0 : i32
    %c0_i32_0 = arith.constant 0 : i32
    %c0_i32_1 = arith.constant 0 : i32
    return %c0_i32, %c0_i32_0 : i32, i32
  }
  func.func @transform_5(%arg0: i32) -> (i32, i32) {
    %c0_i32 = arith.constant 0 : i32
    %c0_i32_0 = arith.constant 0 : i32
    %c0_i32_1 = arith.constant 0 : i32
    return %c0_i32, %c0_i32_0 : i32, i32
  }
  func.func @transform_6(%arg0: i32) -> (i32, i32) {
    %c0_i32 = arith.constant 0 : i32
    %c0_i32_0 = arith.constant 0 : i32
    %c0_i32_1 = arith.constant 0 : i32
    return %c0_i32, %c0_i32_0 : i32, i32
  }
  func.func @transform_7(%arg0: i32) -> (i32, i32) {
    %c0_i32 = arith.constant 0 : i32
    %c0_i32_0 = arith.constant 0 : i32
    return %arg0, %c0_i32 : i32, i32
  }
}

module attributes {stable_mosaic.version = 14 : i64} {
  func.func @_mlp_last_body(%arg0: i32, %arg1: memref<1x1xf32, #tpu.memory_space<smem>>, %arg2: memref<2000x128xf32, #tpu.memory_space<vmem>>, %arg3: memref<2000x128xf32, #tpu.memory_space<vmem>>, %arg4: memref<128x256xf32, #tpu.memory_space<vmem>>, %arg5: memref<1x256xf32, #tpu.memory_space<vmem>>, %arg6: memref<256x128xf32, #tpu.memory_space<vmem>>, %arg7: memref<1x128xf32, #tpu.memory_space<vmem>>, %arg8: memref<1x1x2000xi32, #tpu.memory_space<vmem>>, %arg9: memref<256x128xf32, #tpu.memory_space<vmem>>, %arg10: memref<256x128xf32, #tpu.memory_space<vmem>>) attributes {dimension_semantics = [#tpu.dimension_semantics<arbitrary>], iteration_bounds = array<i64: 10>, scalar_prefetch = 0 : i64, scratch_operands = 0 : i64, tpu.core_type = #tpu.core_type<tc>, window_params = [{transform_indices = @transform_0, window_bounds = array<i64: 1, 1>}, {transform_indices = @transform_1, window_bounds = array<i64: 2000, 128>}, {transform_indices = @transform_2, window_bounds = array<i64: 2000, 128>}, {pipeline_mode = #tpu.pipeline_mode<synchronous>, transform_indices = @transform_3, window_bounds = array<i64: 128, 256>}, {pipeline_mode = #tpu.pipeline_mode<synchronous>, transform_indices = @transform_4, window_bounds = array<i64: 1, 256>}, {pipeline_mode = #tpu.pipeline_mode<synchronous>, transform_indices = @transform_5, window_bounds = array<i64: 256, 128>}, {pipeline_mode = #tpu.pipeline_mode<synchronous>, transform_indices = @transform_6, window_bounds = array<i64: 1, 128>}, {transform_indices = @transform_7, window_bounds = array<i64: 1, 1, 2000>}, {pipeline_mode = #tpu.pipeline_mode<synchronous>, transform_indices = @transform_8, window_bounds = array<i64: 256, 128>}, {pipeline_mode = #tpu.pipeline_mode<synchronous>, transform_indices = @transform_9, window_bounds = array<i64: 256, 128>}]} {
    %get3A = arith.constant 0 : index
    %get3A_0 = arith.constant 0 : index
    %get3A_1 = memref.load %arg1[%get3A, %get3A_0] : memref<1x1xf32, #tpu.memory_space<smem>>
    %add3A = arith.constant 1.000000e+00 : f32
    %add3A_2 = arith.addf %add3A, %get3A_1 : f32
    %get3A_3 = arith.constant 0 : index
    %get3A_4 = arith.constant 0 : index
    %get3A_5 = vector.load %arg2[%get3A_3, %get3A_4] : memref<2000x128xf32, #tpu.memory_space<vmem>>, vector<2000x128xf32>
    %mul3A = vector.broadcast %add3A_2 : f32 to vector<2000x128xf32>
    %mul3A_6 = arith.mulf %mul3A, %get3A_5 : vector<2000x128xf32>
    %get3A_7 = arith.constant 0 : index
    %get3A_8 = arith.constant 0 : index
    %get3A_9 = vector.load %arg3[%get3A_7, %get3A_8] : memref<2000x128xf32, #tpu.memory_space<vmem>>, vector<2000x128xf32>
    %add3A_10 = arith.addf %mul3A_6, %get3A_9 : vector<2000x128xf32>
    %get3A_11 = arith.constant 0 : index
    %get3A_12 = arith.constant 0 : index
    %get3A_13 = vector.load %arg4[%get3A_11, %get3A_12] : memref<128x256xf32, #tpu.memory_space<vmem>>, vector<128x256xf32>
    %dot_general3A = arith.constant dense<0.000000e+00> : vector<2000x256xf32>
    %dot_general3A_14 = tpu.matmul %add3A_10, %get3A_13, %dot_general3A {dimension_numbers = #tpu.dot_dimension_numbers<[1], [0], [0], [1], [0, 0, 1, 1], [], []>, precision = #tpu.contract_precision<fp32>, transpose_lhs_hint = false} : vector<2000x128xf32>, vector<128x256xf32>, vector<2000x256xf32> -> vector<2000x256xf32>
    %get3A_15 = arith.constant 0 : index
    %get3A_16 = arith.constant 0 : index
    %get3A_17 = vector.load %arg5[%get3A_15, %get3A_16] : memref<1x256xf32, #tpu.memory_space<vmem>>, vector<1x256xf32>
    %add3A_18 = vector.broadcast %get3A_17 : vector<1x256xf32> to vector<2000x256xf32>
    %add3A_19 = arith.addf %dot_general3A_14, %add3A_18 : vector<2000x256xf32>
    %max3A = arith.constant 0.000000e+00 : f32
    %max3A_20 = vector.broadcast %max3A : f32 to vector<2000x256xf32>
    %max3A_21 = arith.maximumf %add3A_19, %max3A_20 : vector<2000x256xf32>
    %get3A_22 = arith.constant 0 : index
    %get3A_23 = arith.constant 0 : index
    %get3A_24 = vector.load %arg6[%get3A_22, %get3A_23] : memref<256x128xf32, #tpu.memory_space<vmem>>, vector<256x128xf32>
    %dot_general3A_25 = arith.constant dense<0.000000e+00> : vector<2000x128xf32>
    %dot_general3A_26 = tpu.matmul %max3A_21, %get3A_24, %dot_general3A_25 {dimension_numbers = #tpu.dot_dimension_numbers<[1], [0], [0], [1], [0, 0, 1, 1], [], []>, precision = #tpu.contract_precision<fp32>, transpose_lhs_hint = false} : vector<2000x256xf32>, vector<256x128xf32>, vector<2000x128xf32> -> vector<2000x128xf32>
    %get3A_27 = arith.constant 0 : index
    %get3A_28 = arith.constant 0 : index
    %get3A_29 = vector.load %arg7[%get3A_27, %get3A_28] : memref<1x128xf32, #tpu.memory_space<vmem>>, vector<1x128xf32>
    %add3A_30 = vector.broadcast %get3A_29 : vector<1x128xf32> to vector<2000x128xf32>
    %add3A_31 = arith.addf %dot_general3A_26, %add3A_30 : vector<2000x128xf32>
    %iota3A = tpu.iota {dimensions = array<i32: 0>} : vector<256x2000xi32>
    %get3A_32 = arith.constant 0 : index
    %get3A_33 = arith.constant 0 : index
    %get3A_34 = arith.constant 0 : index
    %get3A_35 = vector.load %arg8[%get3A_32, %get3A_33, %get3A_34] : memref<1x1x2000xi32, #tpu.memory_space<vmem>>, vector<1x1x2000xi32>
    %get3A_36 = vector.shape_cast %get3A_35 : vector<1x1x2000xi32> to vector<1x2000xi32>
    %eq3A = vector.broadcast %get3A_36 : vector<1x2000xi32> to vector<256x2000xi32>
    %eq3A_37 = arith.cmpi eq, %iota3A, %eq3A : vector<256x2000xi32>
    %convert_element_type3A = arith.extui %eq3A_37 : vector<256x2000xi1> to vector<256x2000xi32>
    %convert_element_type3A_38 = arith.sitofp %convert_element_type3A : vector<256x2000xi32> to vector<256x2000xf32>
    %dot_general3A_39 = arith.constant dense<0.000000e+00> : vector<256x128xf32>
    %dot_general3A_40 = tpu.matmul %convert_element_type3A_38, %add3A_31, %dot_general3A_39 {dimension_numbers = #tpu.dot_dimension_numbers<[1], [0], [0], [1], [0, 0, 1, 1], [], []>, precision = #tpu.contract_precision<fp32>, transpose_lhs_hint = false} : vector<256x2000xf32>, vector<2000x128xf32>, vector<256x128xf32> -> vector<256x128xf32>
    %broadcast_in_dim3A = arith.constant 1.000000e+00 : f32
    %broadcast_in_dim3A_41 = vector.broadcast %broadcast_in_dim3A : f32 to vector<2000x128xf32>
    %dot_general3A_42 = arith.constant dense<0.000000e+00> : vector<256x128xf32>
    %dot_general3A_43 = tpu.matmul %convert_element_type3A_38, %broadcast_in_dim3A_41, %dot_general3A_42 {dimension_numbers = #tpu.dot_dimension_numbers<[1], [0], [0], [1], [0, 0, 1, 1], [], []>, precision = #tpu.contract_precision<fp32>, transpose_lhs_hint = false} : vector<256x2000xf32>, vector<2000x128xf32>, vector<256x128xf32> -> vector<256x128xf32>
    %eq3A_44 = arith.constant 0 : i32
    %eq3A_45 = arith.cmpi eq, %arg0, %eq3A_44 : i32
    %convert_element_type3A_46 = arith.extui %eq3A_45 : i1 to i32
    %cond3A = arith.constant 0 : i32
    %cond3A_47 = arith.cmpi ne, %convert_element_type3A_46, %cond3A : i32
    scf.if %cond3A_47 {
      %broadcast_in_dim3A_61 = arith.constant 0.000000e+00 : f32
      %broadcast_in_dim3A_62 = vector.broadcast %broadcast_in_dim3A_61 : f32 to vector<256x128xf32>
      %swap3A_63 = arith.constant 0 : index
      %swap3A_64 = arith.constant 0 : index
      %swap3A_65 = vector.load %arg9[%swap3A_63, %swap3A_64] : memref<256x128xf32, #tpu.memory_space<vmem>>, vector<256x128xf32>
      tpu.vector_store %arg9[%swap3A_63, %swap3A_64], %broadcast_in_dim3A_62 {strides = array<i32>} : memref<256x128xf32, #tpu.memory_space<vmem>>, vector<256x128xf32>,
      %broadcast_in_dim3A_66 = arith.constant 0.000000e+00 : f32
      %broadcast_in_dim3A_67 = vector.broadcast %broadcast_in_dim3A_66 : f32 to vector<256x128xf32>
      %swap3A_68 = arith.constant 0 : index
      %swap3A_69 = arith.constant 0 : index
      %swap3A_70 = vector.load %arg10[%swap3A_68, %swap3A_69] : memref<256x128xf32, #tpu.memory_space<vmem>>, vector<256x128xf32>
      tpu.vector_store %arg10[%swap3A_68, %swap3A_69], %broadcast_in_dim3A_67 {strides = array<i32>} : memref<256x128xf32, #tpu.memory_space<vmem>>, vector<256x128xf32>,
    } else {
    }
    %get3A_48 = arith.constant 0 : index
    %get3A_49 = arith.constant 0 : index
    %get3A_50 = vector.load %arg9[%get3A_48, %get3A_49] : memref<256x128xf32, #tpu.memory_space<vmem>>, vector<256x128xf32>
    %add3A_51 = arith.addf %get3A_50, %dot_general3A_40 : vector<256x128xf32>
    %swap3A = arith.constant 0 : index
    %swap3A_52 = arith.constant 0 : index
    %swap3A_53 = vector.load %arg9[%swap3A, %swap3A_52] : memref<256x128xf32, #tpu.memory_space<vmem>>, vector<256x128xf32>
    tpu.vector_store %arg9[%swap3A, %swap3A_52], %add3A_51 {strides = array<i32>} : memref<256x128xf32, #tpu.memory_space<vmem>>, vector<256x128xf32>,
    %get3A_54 = arith.constant 0 : index
    %get3A_55 = arith.constant 0 : index
    %get3A_56 = vector.load %arg10[%get3A_54, %get3A_55] : memref<256x128xf32, #tpu.memory_space<vmem>>, vector<256x128xf32>
    %add3A_57 = arith.addf %get3A_56, %dot_general3A_43 : vector<256x128xf32>
    %swap3A_58 = arith.constant 0 : index
    %swap3A_59 = arith.constant 0 : index
    %swap3A_60 = vector.load %arg10[%swap3A_58, %swap3A_59] : memref<256x128xf32, #tpu.memory_space<vmem>>, vector<256x128xf32>
    tpu.vector_store %arg10[%swap3A_58, %swap3A_59], %add3A_57 {strides = array<i32>} : memref<256x128xf32, #tpu.memory_space<vmem>>, vector<256x128xf32>,
    return
  }
  func.func @transform_0(%arg0: i32) -> (i32, i32) {
    %c0_i32 = arith.constant 0 : i32
    %c0_i32_0 = arith.constant 0 : i32
    %c0_i32_1 = arith.constant 0 : i32
    return %c0_i32, %c0_i32_0 : i32, i32
  }
  func.func @transform_1(%arg0: i32) -> (i32, i32) {
    %c0_i32 = arith.constant 0 : i32
    %c0_i32_0 = arith.constant 0 : i32
    return %arg0, %c0_i32 : i32, i32
  }
  func.func @transform_2(%arg0: i32) -> (i32, i32) {
    %c0_i32 = arith.constant 0 : i32
    %c0_i32_0 = arith.constant 0 : i32
    return %arg0, %c0_i32 : i32, i32
  }
  func.func @transform_3(%arg0: i32) -> (i32, i32) {
    %c0_i32 = arith.constant 0 : i32
    %c0_i32_0 = arith.constant 0 : i32
    %c0_i32_1 = arith.constant 0 : i32
    return %c0_i32, %c0_i32_0 : i32, i32
  }
  func.func @transform_4(%arg0: i32) -> (i32, i32) {
    %c0_i32 = arith.constant 0 : i32
    %c0_i32_0 = arith.constant 0 : i32
    %c0_i32_1 = arith.constant 0 : i32
    return %c0_i32, %c0_i32_0 : i32, i32
  }
  func.func @transform_5(%arg0: i32) -> (i32, i32) {
    %c0_i32 = arith.constant 0 : i32
    %c0_i32_0 = arith.constant 0 : i32
    %c0_i32_1 = arith.constant 0 : i32
    return %c0_i32, %c0_i32_0 : i32, i32
  }
  func.func @transform_6(%arg0: i32) -> (i32, i32) {
    %c0_i32 = arith.constant 0 : i32
    %c0_i32_0 = arith.constant 0 : i32
    %c0_i32_1 = arith.constant 0 : i32
    return %c0_i32, %c0_i32_0 : i32, i32
  }
  func.func @transform_7(%arg0: i32) -> (i32, i32, i32) {
    %c0_i32 = arith.constant 0 : i32
    %c0_i32_0 = arith.constant 0 : i32
    %c0_i32_1 = arith.constant 0 : i32
    return %arg0, %c0_i32, %c0_i32_0 : i32, i32, i32
  }
  func.func @transform_8(%arg0: i32) -> (i32, i32) {
    %c0_i32 = arith.constant 0 : i32
    %c0_i32_0 = arith.constant 0 : i32
    %c0_i32_1 = arith.constant 0 : i32
    return %c0_i32, %c0_i32_0 : i32, i32
  }
  func.func @transform_9(%arg0: i32) -> (i32, i32) {
    %c0_i32 = arith.constant 0 : i32
    %c0_i32_0 = arith.constant 0 : i32
    %c0_i32_1 = arith.constant 0 : i32
    return %c0_i32, %c0_i32_0 : i32, i32
  }
}

module attributes {stable_mosaic.version = 14 : i64} {
  func.func @_head_body(%arg0: memref<256x128xf32, #tpu.memory_space<vmem>>, %arg1: memref<256x128xf32, #tpu.memory_space<vmem>>, %arg2: memref<256x128xf32, #tpu.memory_space<vmem>>, %arg3: memref<1x128xf32, #tpu.memory_space<vmem>>, %arg4: memref<128x64xf32, #tpu.memory_space<vmem>>, %arg5: memref<1x64xf32, #tpu.memory_space<vmem>>, %arg6: memref<64x1xf32, #tpu.memory_space<vmem>>, %arg7: memref<1x1xf32, #tpu.memory_space<vmem>>, %arg8: memref<128x1xf32, #tpu.memory_space<vmem>>) attributes {dimension_semantics = [], scalar_prefetch = 0 : i64, scratch_operands = 0 : i64, tpu.core_type = #tpu.core_type<tc>} {
    %get3A = arith.constant 0 : index
    %get3A_0 = arith.constant 0 : index
    %get3A_1 = vector.load %arg0[%get3A, %get3A_0] : memref<256x128xf32, #tpu.memory_space<vmem>>, vector<256x128xf32>
    %get3A_2 = arith.constant 0 : index
    %get3A_3 = arith.constant 0 : index
    %get3A_4 = vector.load %arg1[%get3A_2, %get3A_3] : memref<256x128xf32, #tpu.memory_space<vmem>>, vector<256x128xf32>
    %max3A = arith.constant 1.000000e+00 : f32
    %max3A_5 = vector.broadcast %max3A : f32 to vector<256x128xf32>
    %max3A_6 = arith.maximumf %get3A_4, %max3A_5 : vector<256x128xf32>
    %div3A = arith.divf %get3A_1, %max3A_6 : vector<256x128xf32>
    %slice3A = vector.extract_strided_slice %div3A {offsets = [0, 0], sizes = [128, 128], strides = [1, 1]} : vector<256x128xf32> to vector<128x128xf32>
    %slice3A_7 = vector.extract_strided_slice %div3A {offsets = [128, 0], sizes = [128, 128], strides = [1, 1]} : vector<256x128xf32> to vector<128x128xf32>
    %concatenate3A = tpu.concatenate %slice3A, %slice3A_7 in 1 : vector<128x128xf32>, vector<128x128xf32> -> vector<128x256xf32>
    %get3A_8 = arith.constant 0 : index
    %get3A_9 = arith.constant 0 : index
    %get3A_10 = vector.load %arg2[%get3A_8, %get3A_9] : memref<256x128xf32, #tpu.memory_space<vmem>>, vector<256x128xf32>
    %dot_general3A = arith.constant dense<0.000000e+00> : vector<128x128xf32>
    %dot_general3A_11 = tpu.matmul %concatenate3A, %get3A_10, %dot_general3A {dimension_numbers = #tpu.dot_dimension_numbers<[1], [0], [0], [1], [0, 0, 1, 1], [], []>, precision = #tpu.contract_precision<fp32>, transpose_lhs_hint = false} : vector<128x256xf32>, vector<256x128xf32>, vector<128x128xf32> -> vector<128x128xf32>
    %get3A_12 = arith.constant 0 : index
    %get3A_13 = arith.constant 0 : index
    %get3A_14 = vector.load %arg3[%get3A_12, %get3A_13] : memref<1x128xf32, #tpu.memory_space<vmem>>, vector<1x128xf32>
    %add3A = vector.broadcast %get3A_14 : vector<1x128xf32> to vector<128x128xf32>
    %add3A_15 = arith.addf %dot_general3A_11, %add3A : vector<128x128xf32>
    %max3A_16 = arith.constant 0.000000e+00 : f32
    %max3A_17 = vector.broadcast %max3A_16 : f32 to vector<128x128xf32>
    %max3A_18 = arith.maximumf %add3A_15, %max3A_17 : vector<128x128xf32>
    %get3A_19 = arith.constant 0 : index
    %get3A_20 = arith.constant 0 : index
    %get3A_21 = vector.load %arg4[%get3A_19, %get3A_20] : memref<128x64xf32, #tpu.memory_space<vmem>>, vector<128x64xf32>
    %dot_general3A_22 = arith.constant dense<0.000000e+00> : vector<128x64xf32>
    %dot_general3A_23 = tpu.matmul %max3A_18, %get3A_21, %dot_general3A_22 {dimension_numbers = #tpu.dot_dimension_numbers<[1], [0], [0], [1], [0, 0, 1, 1], [], []>, precision = #tpu.contract_precision<fp32>, transpose_lhs_hint = false} : vector<128x128xf32>, vector<128x64xf32>, vector<128x64xf32> -> vector<128x64xf32>
    %get3A_24 = arith.constant 0 : index
    %get3A_25 = arith.constant 0 : index
    %get3A_26 = vector.load %arg5[%get3A_24, %get3A_25] : memref<1x64xf32, #tpu.memory_space<vmem>>, vector<1x64xf32>
    %add3A_27 = vector.broadcast %get3A_26 : vector<1x64xf32> to vector<128x64xf32>
    %add3A_28 = arith.addf %dot_general3A_23, %add3A_27 : vector<128x64xf32>
    %max3A_29 = arith.constant 0.000000e+00 : f32
    %max3A_30 = vector.broadcast %max3A_29 : f32 to vector<128x64xf32>
    %max3A_31 = arith.maximumf %add3A_28, %max3A_30 : vector<128x64xf32>
    %get3A_32 = arith.constant 0 : index
    %get3A_33 = arith.constant 0 : index
    %get3A_34 = vector.load %arg6[%get3A_32, %get3A_33] : memref<64x1xf32, #tpu.memory_space<vmem>>, vector<64x1xf32>
    %dot_general3A_35 = arith.constant dense<0.000000e+00> : vector<128x1xf32>
    %dot_general3A_36 = tpu.matmul %max3A_31, %get3A_34, %dot_general3A_35 {dimension_numbers = #tpu.dot_dimension_numbers<[1], [0], [0], [1], [0, 0, 1, 1], [], []>, precision = #tpu.contract_precision<fp32>, transpose_lhs_hint = false} : vector<128x64xf32>, vector<64x1xf32>, vector<128x1xf32> -> vector<128x1xf32>
    %get3A_37 = arith.constant 0 : index
    %get3A_38 = arith.constant 0 : index
    %get3A_39 = vector.load %arg7[%get3A_37, %get3A_38] : memref<1x1xf32, #tpu.memory_space<vmem>>, vector<1x1xf32>
    %add3A_40 = vector.broadcast %get3A_39 : vector<1x1xf32> to vector<128x1xf32>
    %add3A_41 = arith.addf %dot_general3A_36, %add3A_40 : vector<128x1xf32>
    %swap3A = arith.constant 0 : index
    %swap3A_42 = arith.constant 0 : index
    %swap3A_43 = vector.load %arg8[%swap3A, %swap3A_42] : memref<128x1xf32, #tpu.memory_space<vmem>>, vector<128x1xf32>
    tpu.vector_store %arg8[%swap3A, %swap3A_42], %add3A_41 {strides = array<i32>} : memref<128x1xf32, #tpu.memory_space<vmem>>, vector<128x1xf32>,
    return
  }
}

</mosaic_0001>

<sc_bundles>
// kernel: kernel.13.cloned.1.call-start
scs
__scs_entry_jumppad:
0x0: {  	(pc) =	sbr.rel $0x88, $3  }
0x1: {  	(tag) =	ssettag $0x0;
	lr =	simm.s32 $0x1  }
0x2: {  	[smem:$0x3F90] =	sst lr;
	_ =	strace $0xD0000000  }
0x3: {  	_ = 	snop  }
0x4: {  	_ = 	snop  }
0x5: {  	_ = 	snop  }
0x6: {  	_ = 	snop  }
0x7: {  	_ = 	snop  }
__scs_overlays_trampoline_lowered:
0x8: {  	[smem:$0x3F9F] =	sst s0  }
0x9: {  	[smem:$0x3FA0] =	sst s1  }
0xa: {  	[smem:$0x3FA1] =	sst s2  }
0xb: {  	[smem:$0x3FA2] =	sst s3  }
0xc: {  	[smem:$0x3FA3] =	sst s4  }
0xd: {  	[smem:$0x3FA4] =	sst s5  }
0xe: {  	[smem:$0x3FA5] =	sst s6  }
0xf: {  	[smem:$0x3FA6] =	sst s7  }
0x10: {  	[smem:$0x3FA7] =	sst s8  }
0x11: {  	[smem:$0x3FA8] =	sst s9;
	s0 =	simm.s32 @!p0 $0x0  }
0x12: {  	s1 =	sld [smem:$0x3F8E];
	s0 =	simm.s32 @p0 $0x1  }
0x13: {  	[smem:$0x3FA9] =	sst s0;
	s0 =	simm.s32 @!p1 $0x0  }
0x14: {  	s2 =	sld [smem:$0x3F8D];
	s0 =	simm.s32 @p1 $0x1  }
0x15: {  	[smem:$0x3FAA] =	sst s0;
	s0 =	simm.s32 @!p2 $0x0  }
0x16: {  	s3 =	sld [smem:$0x3FDB];
	s0 =	simm.s32 @p2 $0x1  }
0x17: {  	s4 =	simm.s32 $0x1BF5;
	[smem:$0x3FAC] =	sst s0  }
0x18: {  	s0 =	sld [smem:$0x3F8F];
	_ =	swait.ge [sflag:s4], $0x0  }
0x19: {  	s7 =	sld [smem:$0x3F90]  }
0x1a: {  	s8 =	sadd.s32 $0xFFFFE003, lr  }
0x1b: {  	s9 =	sadd.s32 $0xFFFFFEF7, lr;
	s5 =	simm.s32 $0xFFFFFFFF;
	p2 =	slt.u32 s8, $0xFFFFF086  }
0x1c: {  	p1 =	slt.u32 s9, $0xF7A;
	s5 =	simm.s32 @!p2 $0x0  }
0x1d: {  	s5 =	simm.s32 @p1 $0x1;
	p0 =	seq.s32 s7, s2  }
0x1e: {  	s7 =	smul.u32 @!p0 $0xF7A, s2;
	p2 =	seq.s32 @!p0 s5, $0x0  }
0x1f: {  	s9 =	smul.u32 $0xF7A, s1;
	s8 =	simm.s32 @!p0 $0x1BF5;
	p2 =	por !p2, p0  }
0x20: {  	[sflag:s8] =	ssyncset.s32 @!p0 $0xFFFFF086;
	s6 =	sadd.s32 @!p0 s3, s7;
	s7 =	simm.s32 @!p0 $0x108  }
0x21: {  	s3 =	sadd.s32 s3, s9;
	s6 =	sadd.s32 @!p0 $0x88, s6;
	s7 =	simm.s32 @p2 $0x1082  }
0x22: {  	[simem:s7], [sflag:s8] =	dma.local @!p0 [hbm:s6], $0xF7A  }
0x23: {  	s9 =	sor.u32 $0xD0000000, s2;
	s6 =	simm.s32 $0x108;
	_ =	swait.ge @!p0 [sflag:s8], $0x0  }
0x24: {  	s3 =	sadd.s32 $0x88, s3;
	s6 =	simm.s32 @!p1 $0x1082;
	[sflag:s4] =	ssyncset.s32 $0xFFFFF086  }
0x25: {  	[simem:s6], [sflag:s4] =	dma.local [hbm:s3], $0xF7A  }
0x26: {  	[smem:$0x3F90] =	sst s1;
	(tag) =	ssettag s2;
	_ =	strace s9  }
0x27: {  	s1 =	sld [smem:$0x3FA0]  }
0x28: {  	s2 =	sld [smem:$0x3FA1]  }
0x29: {  	s4 =	sld [smem:$0x3FA3]  }
0x2a: {  	p0 =	seq.s32 s5, $0x0;
	s5 =	sld [smem:$0x3FA4]  }
0x2b: {  	s6 =	sld [smem:$0x3FA5]  }
0x2c: {  	s7 =	sld [smem:$0x3FA6]  }
0x2d: {  	s3 =	simm.s32 $0x108;
	s8 =	sld [smem:$0x3FA7]  }
0x2e: {  	s3 =	simm.s32 @!p0 $0x1082;
	s9 =	sld [smem:$0x3FA8]  }
0x2f: {  	lr =	sadd.s32 s0, s3;
	s0 =	sld [smem:$0x3F9F]  }
0x30: {  	s3 =	sld [smem:$0x3FA2]  }
0x31: {  	[smem:$0x3FAB] =	sst s10  }
0x32: {  	s10 =	sld [smem:$0x3FA9];
	_ =	sdelay $0x3  }
0x33: {  	p0 =	seq.s32 s10, $0x1;
	s10 =	sld [smem:$0x3FAB];
	_ =	sdelay $0x3  }
0x34: {  	[smem:$0x3FAB] =	sst s10  }
0x35: {  	s10 =	sld [smem:$0x3FAA];
	_ =	sdelay $0x3  }
0x36: {  	p1 =	seq.s32 s10, $0x1;
	s10 =	sld [smem:$0x3FAB];
	_ =	sdelay $0x3  }
0x37: {  	[smem:$0x3FAB] =	sst s10  }
0x38: {  	s10 =	sld [smem:$0x3FAC]  }
0x39: {  	_ = 	snop;
	(pc) =	sbr.ind lr, $3  }
0x3a: {  	_ = 	snop  }
0x3b: {  	_ = 	snop  }
0x3c: {  	p2 =	seq.s32 s10, $0x1;
	s10 =	sld [smem:$0x3FAB]  }
0x3d: {  	_ =	shalt  }
0x3e: {  	_ =	shalt  }
0x3f: {  	_ =	shalt  }
0x40: {  	_ =	shalt  }
0x41: {  	_ =	shalt  }
0x42: {  	_ =	shalt  }
0x43: {  	_ =	shalt  }
0x44: {  	_ =	shalt  }
0x45: {  	_ =	shalt  }
0x46: {  	_ =	shalt  }
0x47: {  	_ =	shalt  }
0x48: {  	_ =	shalt  }
0x49: {  	_ =	shalt  }
0x4a: {  	_ =	shalt  }
0x4b: {  	_ =	shalt  }
0x4c: {  	_ =	shalt  }
0x4d: {  	_ =	shalt  }
0x4e: {  	_ =	shalt  }
0x4f: {  	_ =	shalt  }
0x50: {  	_ =	shalt  }
0x51: {  	_ =	shalt  }
0x52: {  	_ =	shalt  }
0x53: {  	_ =	shalt  }
0x54: {  	_ =	shalt  }
0x55: {  	_ =	shalt  }
0x56: {  	_ =	shalt  }
0x57: {  	_ =	shalt  }
0x58: {  	_ =	shalt  }
0x59: {  	_ =	shalt  }
0x5a: {  	_ =	shalt  }
0x5b: {  	_ =	shalt  }
0x5c: {  	_ =	shalt  }
0x5d: {  	_ =	shalt  }
0x5e: {  	_ =	shalt  }
0x5f: {  	_ =	shalt  }
0x60: {  	_ =	shalt  }
0x61: {  	_ =	shalt  }
0x62: {  	_ =	shalt  }
0x63: {  	_ =	shalt  }
0x64: {  	_ =	shalt  }
0x65: {  	_ =	shalt  }
0x66: {  	_ =	shalt  }
0x67: {  	_ =	shalt  }
0x68: {  	_ =	shalt  }
0x69: {  	_ =	shalt  }
0x6a: {  	_ =	shalt  }
0x6b: {  	_ =	shalt  }
0x6c: {  	_ =	shalt  }
0x6d: {  	_ =	shalt  }
0x6e: {  	_ =	shalt  }
0x6f: {  	_ =	shalt  }
0x70: {  	_ =	shalt  }
0x71: {  	_ =	shalt  }
0x72: {  	_ =	shalt  }
0x73: {  	_ =	shalt  }
0x74: {  	_ =	shalt  }
0x75: {  	_ =	shalt  }
0x76: {  	_ =	shalt  }
0x77: {  	_ =	shalt  }
0x78: {  	_ =	shalt  }
0x79: {  	_ =	shalt  }
0x7a: {  	_ =	shalt  }
0x7b: {  	_ =	shalt  }
0x7c: {  	_ =	shalt  }
0x7d: {  	_ =	shalt  }
0x7e: {  	_ =	shalt  }
0x7f: {  	_ =	shalt  }
0x80: {  	_ =	shalt  }
0x81: {  	_ =	shalt  }
0x82: {  	_ =	shalt  }
0x83: {  	_ =	shalt  }
0x84: {  	_ =	shalt  }
0x85: {  	_ =	shalt  }
0x86: {  	_ =	shalt  }
0x87: {  	_ =	shalt  }
.Lfunc_end0:
.L_simem_size_0:
called_computation_lowered:
.L_overlay_start_0:
0x88: {  	s2 =	sld [smem:$0x3FD9]  }
0x89: {  	s3 =	sld [smem:$0x3FFE];
	_ =	sdelay $0x1  }
0x8a: {  	s1 =	srdreg.scid  }
0x8b: {  	s0 =	sand.u32 $0x1, s1  }
0x8c: {  	s16 =	sshll.u32 s0, $0xA;
	s2 =	sadd.s32 s3, s2  }
0x8d: {  	s2 =	sadd.s32 s2, s16  }
0x8e: {  	[smem:$0x3FB7] =	sst s2  }
0x8f: {  	_ = 	snop  }
0x90: {  	(tm) =	ssettm $0x1  }
0x91: {  	s17 =	sld [smem:$0x3FFB];
	_ =	sdelay $0x3  }
0x92: {  	_ =	strace s17  }
0x93: {  	s2 =	sld [smem:$0x3FFC];
	_ =	sdelay $0x3  }
0x94: {  	_ =	strace s2  }
0x95: {  	s2 =	sld [smem:$0x3FFD];
	_ =	sdelay $0x3  }
0x96: {  	_ =	strace s2  }
0x97: {  	_ =	strace $0x8FFFFFFF  }
0x98: {  	s18 =	sld [smem:$0x3FDB];
	_ =	sdelay $0x1  }
0x99: {  	s19 =	simm.s32 $_scs_section_size  }
0x9a: {  	s4 =	simm.s32 $_size__tile_overlayer_lowered;
	s5 =	simm.s32 $_tile_overlayer_lowered  }
0x9b: {  	s22 =	simm.s32 $0x1BFF;
	s21 =	sshll.u32 s5, $0x1;
	s2 =	sadd.s32 s19, s18  }
0x9c: {  	s6 =	simm.s32 $0x0;
	s20 =	sshll.u32 s4, $0x1;
	s4 =	sadd.s32 s21, s2  }
0x9d: {  	[timem:s6], [sflag:s22] =	dma.local [hbm:s4], s20  }
0x9e: {  	_ =	swait.ge [sflag:s22], s20  }
0x9f: {  	s3 =	ssub.s32 $0x0, s20;
	[sflag:s22] =	ssyncset.done $0x0  }
0xa0: {  	[sflag:s22] =	ssyncadd.s32 s3;
	_ =	sdelay $0x1  }
0xa1: {  	s23 =	simm.s32 $0x1B8B  }
0xa2: {  	_ =	swait.ge [sflag:s23], $0x1  }
0xa3: {  	[sflag:s23] =	ssyncset.done $0x0  }
0xa4: {  	s25 =	simm.s32 $0x1B8E;
	s24 =	sld [smem:$0x3FFE];
	[sflag:s23] =	ssyncadd.s32 $0xFFFFFFFF  }
0xa5: {  	s26 =	simm.s32 $execute0_lowered;
	[smem:$0x3FD2] =	sst s25  }
0xa6: {  	s4 =	sshll.u32 s26, $0x1;
	_ =	strace $0x80000046;
	[dreg:$0x1] =	wrdreg $0xFFFFFFFF  }
0xa7: {  	s28 =	simm.s32 $_size_execute0_lowered;
	s2 =	sadd.s32 s2, s4;
	[dreg:$0x0] =	wrdreg $0x0  }
0xa8: {  	s4 =	sshll.u32 s28, $0x1;
	[dreg:$0x2] =	wrdreg s2  }
0xa9: {  	[dreg:$0x3] =	wrdreg s4  }
0xaa: {  	[dreg:$0x4] =	wrdreg $0xC0  }
0xab: {  	_ =	task [dreg:s6], $0x5FFFF  }
0xac: {  	[dreg:$0x1] =	wrdreg $0xFFFFFFFF  }
0xad: {  	[dreg:$0x0] =	wrdreg $0x60  }
0xae: {  	[dreg:$0x2] =	wrdreg s24  }
0xaf: {  	[dreg:$0x3] =	wrdreg $0x51000  }
0xb0: {  	[dreg:$0x4] =	wrdreg $0x9  }
0xb1: {  	_ =	task.clear_ibuf [dreg:s6], $0x5FFFF;
	_ =	strace $0x90000046  }
0xb2: {  	s29 =	simm.s32 $0x9;
	_ =	strace $0x80000048  }
0xb3: {  	_ =	swait.ge [sflag:s29], $0x1  }
0xb4: {  	[sflag:s29] =	ssyncadd.s32 $0xFFFFFFFF  }
0xb5: {  	_ =	strace $0x90000048  }
0xb6: {  	_ =	sfence  }
0xb7: {  	s30 =	sld [smem:$0x0];
	_ =	sdelay $0x2  }
0xb8: {  	s31 =	sshll.u32 s1, $0xD;
	s1 =	sshrl.u32 s1, $0x2  }
0xb9: {  	s3 =	sand.u32 $0x4000, s31;
	s1 =	sadd.s32 s1, s30  }
0xba: {  	s0 =	sor.u32 s3, s0;
	s1 =	sshll.u32 s1, $0x11  }
0xbb: {  	s0 =	sor.u32 s1, s0  }
0xbc: {  	s0 =	sadd.s32 $0x8F2B, s0  }
0xbd: {  	[sflag:s0] =	ssyncadd.remote.s32 $0x1  }
0xbe: {  	_ =	sfence.sel $0xFFFF  }
0xbf: {  	[dreg:$0x0] =	wrdreg $0xFFFFFFFF;
	(pc) =	sbr.abs _section_cstart, $3  }
0xc0: {  	[dreg:$0x1] =	wrdreg $0xFFFFFFFF  }
0xc1: {  	_ =	task.clear_ibuf [dreg:s6], $0x2FFFF;
	_ =	strace $0x9FFFFFFF  }
0xc2: {  	(tm) =	ssettm $0x7FFFFFFF  }
0xc3: {  	_ =	shalt  }
tec
execute0_lowered:
.L_overlay_start_1:
0x0: {  	(tag) =	ssettag $0x1  }
0x1: {  	s5 =	rddreg [dreg:$0x0]  }
0x2: {  	s0 =	srdreg.scid;
	s2 =	rddreg [dreg:$0x1]  }
0x3: {  	s1 =	stileid.u32;
	s3 =	simm.s32 $0x0;
	s18 =	simm.s32 $0x2900  }
0x4: {  	s19 =	simm.s32 $0x2;
	s20 =	simm.s32 $0x80;
	s21 =	simm.s32 $0x50  }
0x5: {  	s22 =	simm.s32 $0x100;
	s23 =	simm.s32 $0x1;
	s6 =	smul.u32 $0x4E20, s1  }
0x6: {  	s8 =	sand.u32 $0x1, s0;
	s0 =	rddreg [dreg:$0x2];
	s7 =	smul.u32 $0x50000, s1  }
0x7: {  	s24 =	simm.s32 $0x0;
	[smem:$0x7FF] =	sst s3;
	s12 =	smul.u32 $0x2800, s1  }
0x8: {  	s14 =	sadd.s32 $0x7AA00, s5;
	p0 =	seq.s32 s1, $0xF;
	s4 =	smul.u32 $0x4E200, s8  }
0x9: {  	_ =	strace $0x80000047;
	s30 =	ssub.s32 $0x2, s8;
	s13 =	smul.u32 $0x27100, s8  }
0xa: {  	s16 =	smul.u32 $0x138800, s8;
	s31 =	sshrl.u32 s30, $0x1;
	s7 =	sshrl.u32 s7, $0x2  }
0xb: {  	s6 =	sadd.s32 s6, s4;
	s4 =	sadd.s32 $0x5400, s5;
	s15 =	ssub.s32 s30, s31  }
0xc: {  	s13 =	sadd.s32 s12, s13;
	s16 =	sshrl.u32 s16, $0x3;
	s6 =	sshrl.u32 s6, $0x3  }
0xd: {  	s13 =	sadd.s32 s14, s13;
	s14 =	sadd.s32 s14, s16;
	s15 =	smax.u32 s15, $0x1  }
0xe: {  	s17 =	sadd.s32 s6, s5;
	s5 =	sadd.s32 s7, s2;
	s14 =	sadd.s32 $0x25800, s14  }
0xf: {  	s6 =	sadd.s32 $0x2800, s5;
	s7 =	sadd.s32 $0x5000, s5;
	s8 =	sadd.s32 $0x7800, s5  }
0x10: {  	s9 =	sadd.s32 $0xA000, s5;
	s10 =	sadd.s32 $0xC800, s5;
	s11 =	sadd.s32 $0xF000, s5  }
0x11: {  	v0 =	vimm.f32 $0.0e+00;
	s12 =	sadd.s32 $0x11800, s5;
	s16 =	sadd.s32 $0x67000, s17;
	s17 =	sadd.s32 $0x53600, s17  }
.LBB2_1:
0x12: {  	s25 =	simm.s32 $0x0;
	s26 =	simm.s32 $0x200  }
.LBB2_2:
0x13: {  	p1 =	sne.s32 s26, $0x9E00;
	[tilespmem:s25+$0x2970] =	vst v0  }
0x14: {  	[tilespmem:s25+$0x2900] =	vst v0  }
0x15: {  	[tilespmem:s25+$0x2910] =	vst v0  }
.Ltmp0:
0x16: {  	[tilespmem:s25+$0x2920] =	vst v0;
	(pc) =	sbr.rel @p1 .LBB2_2-.Ltmp0, $4  }
0x17: {  	[tilespmem:s25+$0x2930] =	vst v0  }
0x18: {  	[tilespmem:s25+$0x2940] =	vst v0  }
0x19: {  	[tilespmem:s25+$0x2950] =	vst v0  }
0x1a: {  	[tilespmem:s25+$0x2960] =	vst v0;
	s25 =	sshra.s32 s26, $0x2;
	s26 =	sadd.s32 $0x200, s26  }
0x1b: {  	[tilespmem:s25+$0x2970] =	vst v0  }
0x1c: {  	[tilespmem:s25+$0x2900] =	vst v0  }
0x1d: {  	[tilespmem:s25+$0x2910] =	vst v0  }
0x1e: {  	[tilespmem:s25+$0x2920] =	vst v0  }
0x1f: {  	[tilespmem:s25+$0x2930] =	vst v0  }
0x20: {  	[tilespmem:s25+$0x2940] =	vst v0  }
0x21: {  	[tilespmem:s25+$0x2950] =	vst v0  }
0x22: {  	[tilespmem:s25+$0x2960] =	vst v0  }
0x23: {  	[spmem:s5] =	stream.linear.scatter [tilespmem:s18], [sflag:$0x2], $0x2800, $0x38;
	[tilespmem:$0x19100] =	vst v63  }
0x24: {  	_ =	swait.ge [sflag:s19], $0x2800  }
0x25: {  	[sflag:s19] =	ssyncset.done $0x0  }
0x26: {  	[sflag:s19] =	ssyncadd.s32 $0xFFFFD800  }
0x27: {  	[spmem:s6] =	stream.linear.scatter [tilespmem:s18], [sflag:$0x2], $0x2800, $0x38;
	[tilespmem:$0x19100] =	vst v63  }
0x28: {  	_ =	swait.ge [sflag:s19], $0x2800  }
0x29: {  	[sflag:s19] =	ssyncset.done $0x0  }
0x2a: {  	[sflag:s19] =	ssyncadd.s32 $0xFFFFD800  }
0x2b: {  	[spmem:s7] =	stream.linear.scatter [tilespmem:s18], [sflag:$0x2], $0x2800, $0x38;
	[tilespmem:$0x19100] =	vst v63  }
0x2c: {  	_ =	swait.ge [sflag:s19], $0x2800  }
0x2d: {  	[sflag:s19] =	ssyncset.done $0x0  }
0x2e: {  	[sflag:s19] =	ssyncadd.s32 $0xFFFFD800  }
0x2f: {  	[spmem:s8] =	stream.linear.scatter [tilespmem:s18], [sflag:$0x2], $0x2800, $0x38;
	[tilespmem:$0x19100] =	vst v63  }
0x30: {  	_ =	swait.ge [sflag:s19], $0x2800  }
0x31: {  	[sflag:s19] =	ssyncset.done $0x0  }
0x32: {  	[sflag:s19] =	ssyncadd.s32 $0xFFFFD800  }
0x33: {  	[spmem:s9] =	stream.linear.scatter [tilespmem:s18], [sflag:$0x2], $0x2800, $0x38;
	[tilespmem:$0x19100] =	vst v63  }
0x34: {  	_ =	swait.ge [sflag:s19], $0x2800  }
0x35: {  	[sflag:s19] =	ssyncset.done $0x0  }
0x36: {  	[sflag:s19] =	ssyncadd.s32 $0xFFFFD800  }
0x37: {  	[spmem:s10] =	stream.linear.scatter [tilespmem:s18], [sflag:$0x2], $0x2800, $0x38;
	[tilespmem:$0x19100] =	vst v63  }
0x38: {  	_ =	swait.ge [sflag:s19], $0x2800  }
0x39: {  	[sflag:s19] =	ssyncset.done $0x0  }
0x3a: {  	[sflag:s19] =	ssyncadd.s32 $0xFFFFD800  }
0x3b: {  	[spmem:s11] =	stream.linear.scatter [tilespmem:s18], [sflag:$0x2], $0x2800, $0x38;
	[tilespmem:$0x19100] =	vst v63  }
0x3c: {  	_ =	swait.ge [sflag:s19], $0x2800  }
0x3d: {  	[sflag:s19] =	ssyncset.done $0x0  }
0x3e: {  	[sflag:s19] =	ssyncadd.s32 $0xFFFFD800  }
0x3f: {  	[spmem:s12] =	stream.linear.scatter [tilespmem:s18], [sflag:$0x2], $0x2800, $0x38;
	[tilespmem:$0x19100] =	vst v63  }
0x40: {  	_ =	swait.ge [sflag:s19], $0x2800  }
0x41: {  	[sflag:s19] =	ssyncset.done $0x0  }
0x42: {  	[sflag:s19] =	ssyncadd.s32 $0xFFFFD800  }
0x43: {  	s30 =	sadd.s32 $0x0, s17;
	[bflag:$0x0] =	sbarrier.arrive $0xFFFF  }
0x44: {  	[tilespmem:s3], [sflag:$0x2] =	stream.linear.gather [hbm4b:s30+s3], $0x50, $0x38;
	[tilespmem:$0x19100] =	vst v63  }
0x45: {  	_ =	swait.ge [sflag:s19], $0x50  }
0x46: {  	[sflag:s19] =	ssyncset.done $0x0  }
0x47: {  	s31 =	sadd.s32 $0x0, s16;
	[sflag:s19] =	ssyncadd.s32 $0xFFFFFFB0  }
0x48: {  	[tilespmem:s20], [sflag:$0x2] =	stream.linear.gather [hbm4b:s31+s3], $0x50, $0x38;
	[tilespmem:$0x19100] =	vst v63  }
0x49: {  	_ =	swait.ge [sflag:s19], $0x50  }
0x4a: {  	[sflag:s19] =	ssyncset.done $0x0  }
0x4b: {  	[sflag:s19] =	ssyncadd.s32 $0xFFFFFFB0  }
0x4c: {  	[tilespmem:s22], [sflag:$0x1] =	stream.indirect.gather [hbm4b:s4+s21], $0x80, s3, s21, $0xb8;
	[tilespmem:$0x19100] =	vst v63  }
0x4d: {  	_ =	swait.ge [sflag:s23], $0x2800  }
0x4e: {  	[sflag:s23] =	ssyncset.done $0x0  }
0x4f: {  	[sflag:s23] =	ssyncadd.s32 $0xFFFFD800  }
0x50: {  	[spmem:s2] =	stream.indirect.scatter.add.f32 [tilespmem:s22], [sflag:$0x2], $0x80, s20, s21, $0xb8;
	[tilespmem:$0x19100] =	vst v63  }
0x51: {  	_ =	swait.ge [sflag:s19], $0x2800  }
0x52: {  	s25 =	simm.s32 $0xA;
	s26 =	simm.s32 $0x14;
	[sflag:s19] =	ssyncset.done $0x0  }
.LBB2_4:
0x53: {  	s28 =	sadd.s32 s25, s17  }
0x54: {  	[sflag:s19] =	ssyncadd.s32 $0xFFFFD800;
	s29 =	smov.u32 s26;
	s30 =	sadd.s32 $0xA, s26  }
0x55: {  	[tilespmem:s3], [sflag:$0x2] =	stream.linear.gather [hbm4b:s28+s3], $0x50, $0x38;
	[tilespmem:$0x19100] =	vst v63  }
0x56: {  	p1 =	sne.s32 s26, $0x9BA;
	_ =	swait.ge [sflag:s19], $0x50  }
0x57: {  	[sflag:s19] =	ssyncset.done $0x0  }
0x58: {  	s26 =	sadd.s32 s25, s16;
	s25 =	smov.u32 s29;
	[sflag:s19] =	ssyncadd.s32 $0xFFFFFFB0  }
0x59: {  	[tilespmem:s20], [sflag:$0x2] =	stream.linear.gather [hbm4b:s26+s3], $0x50, $0x38;
	[tilespmem:$0x19100] =	vst v63  }
0x5a: {  	_ =	swait.ge [sflag:s19], $0x50  }
0x5b: {  	[sflag:s19] =	ssyncset.done $0x0  }
0x5c: {  	[sflag:s19] =	ssyncadd.s32 $0xFFFFFFB0  }
0x5d: {  	[tilespmem:s22], [sflag:$0x1] =	stream.indirect.gather [hbm4b:s4+s21], $0x80, s3, s21, $0xb8;
	[tilespmem:$0x19100] =	vst v63  }
0x5e: {  	_ =	swait.ge [sflag:s23], $0x2800  }
.Ltmp1:
0x5f: {  	[sflag:s23] =	ssyncset.done $0x0;
	(pc) =	sbr.rel @p1 .LBB2_4-.Ltmp1, $4  }
0x60: {  	[sflag:s23] =	ssyncadd.s32 $0xFFFFD800  }
0x61: {  	[spmem:s2] =	stream.indirect.scatter.add.f32 [tilespmem:s22], [sflag:$0x2], $0x80, s20, s21, $0xb8;
	[tilespmem:$0x19100] =	vst v63  }
0x62: {  	_ =	swait.ge [sflag:s19], $0x2800  }
0x63: {  	s26 =	smov.u32 s30;
	[sflag:s19] =	ssyncset.done $0x0  }
0x64: {  	s26 =	sadd.s32 s25, s17;
	[sflag:s19] =	ssyncadd.s32 $0xFFFFD800  }
0x65: {  	[tilespmem:s3], [sflag:$0x2] =	stream.linear.gather [hbm4b:s26+s3], $0x50, $0x38;
	[tilespmem:$0x19100] =	vst v63  }
0x66: {  	_ =	swait.ge [sflag:s19], $0x50  }
0x67: {  	[sflag:s19] =	ssyncset.done $0x0  }
0x68: {  	s31 =	sadd.s32 s25, s16;
	[sflag:s19] =	ssyncadd.s32 $0xFFFFFFB0  }
0x69: {  	[tilespmem:s20], [sflag:$0x2] =	stream.linear.gather [hbm4b:s31+s3], $0x50, $0x38;
	[tilespmem:$0x19100] =	vst v63  }
0x6a: {  	_ =	swait.ge [sflag:s19], $0x50  }
0x6b: {  	[sflag:s19] =	ssyncset.done $0x0  }
0x6c: {  	[sflag:s19] =	ssyncadd.s32 $0xFFFFFFB0  }
0x6d: {  	[tilespmem:s22], [sflag:$0x1] =	stream.indirect.gather [hbm4b:s4+s21], $0x80, s3, s21, $0xb8;
	[tilespmem:$0x19100] =	vst v63  }
0x6e: {  	_ =	swait.ge [sflag:s23], $0x2800  }
0x6f: {  	[sflag:s23] =	ssyncset.done $0x0  }
0x70: {  	[sflag:s23] =	ssyncadd.s32 $0xFFFFD800  }
0x71: {  	[spmem:s2] =	stream.indirect.scatter.add.f32 [tilespmem:s22], [sflag:$0x2], $0x80, s20, s21, $0xb8;
	[tilespmem:$0x19100] =	vst v63  }
0x72: {  	_ =	swait.ge [sflag:s19], $0x2800  }
0x73: {  	[sflag:s19] =	ssyncset.done $0x0  }
0x74: {  	[sflag:s19] =	ssyncadd.s32 $0xFFFFD800  }
0x75: {  	s25 =	sshrl.u32 @p0 s5, $0x3;
	s26 =	simm.s32 @p0 $0x1FC2;
	[bflag:$0x0] =	sbarrier.arrive $0xFFFF  }
0x76: {  	[hbm:s14], [sflag:s26] =	dma.local @p0 [spmem:s25], $0x1900  }
0x77: {  	s25 =	simm.s32 @p0 $0x2  }
0x78: {  	s24 =	sadd.s32 $0x1, s24;
	_ =	swait.ge @p0 [sflag:s25], $0x1900  }
0x79: {  	p1 =	sne.s32 s24, s15;
	s26 =	sshll.u32 @!p0 s1, $0x6;
	[sflag:s25] =	ssyncset.done @p0 $0x0  }
0x7a: {  	[sflag:s25] =	ssyncadd.s32 @p0 $0xFFFFE700;
	s25 =	sor.u32 @!p0 $0x1C02, s26;
	s26 =	sshrl.u32 @!p0 s5, $0x3  }
0x7b: {  	[hbm:s13], [sflag:s25] =	dma.local @!p0 [spmem:s26], $0x2800  }
.Ltmp2:
0x7c: {  	_ = 	snop;
	(pc) =	sbr.rel @p1 .LBB2_1-.Ltmp2, $4  }
0x7d: {  	s25 =	simm.s32 @!p0 $0x2  }
0x7e: {  	_ =	swait.ge @!p0 [sflag:s25], $0x2800  }
0x7f: {  	[sflag:s25] =	ssyncset.done @!p0 $0x0  }
0x80: {  	[sflag:s25] =	ssyncadd.s32 @!p0 $0xFFFFD800  }
0x81: {  	_ =	sfence.sel $0x180000  }
0x82: {  	[bflag:$0x0] =	sbarrier.arrive $0xFFFF  }
0x83: {  	p0 =	sne.s32 s1, $0x0;
	_ =	strace $0x90000047  }
0x84: {  	s0 =	sadd.s32 @!p0 $0x100000, s0;
	[bflag:$0x2] =	sbarrier.arrive $0xFFFF  }
0x85: {  	[sflag:s0] =	ssyncadd.tile.s32 @!p0 $0x1;
	_ =	shalt  }
.Lfunc_end2:
_tile_overlayer_lowered:
.L_overlay_start_2:
0x86: {  	(tag) =	ssettag $0x2  }
0x87: {  	s0 =	rddreg [dreg:$0x0];
	s2 =	stileid.u32  }
0x88: {  	s1 =	rddreg [dreg:$0x1];
	p0 =	sne.s32 s2, $0x0  }
0x89: {  	s3 =	rddreg [dreg:$0x2];
	[bflag:$0x3] =	sbarrier.arrive $0xFFFF;
	s2 =	simm.s32 @!p0 $0x1C02  }
0x8a: {  	[timem:s3], [sflag:s2] =	dma.local @!p0 [hbm:s0], s1  }
0x8b: {  	s0 =	simm.s32 @!p0 $0x2  }
0x8c: {  	_ =	swait.ge @!p0 [sflag:s0], s1  }
0x8d: {  	s1 =	ssub.s32 @!p0 $0x0, s1;
	[sflag:s0] =	ssyncset.done @!p0 $0x0  }
0x8e: {  	[sflag:s0] =	ssyncadd.s32 @!p0 s1  }
0x8f: {  	[bflag:$0x3] =	sbarrier.arrive $0xFFFF  }
0x90: {  	_ =	shalt  }

// kernel: kernel.16.cloned.1.call-start
scs
__scs_entry_jumppad:
0x0: {  	(pc) =	sbr.rel $0x88, $3  }
0x1: {  	(tag) =	ssettag $0x0;
	lr =	simm.s32 $0x1  }
0x2: {  	[smem:$0x3F90] =	sst lr;
	_ =	strace $0xD0000000  }
0x3: {  	_ = 	snop  }
0x4: {  	_ = 	snop  }
0x5: {  	_ = 	snop  }
0x6: {  	_ = 	snop  }
0x7: {  	_ = 	snop  }
__scs_overlays_trampoline_lowered:
0x8: {  	[smem:$0x3F9F] =	sst s0  }
0x9: {  	[smem:$0x3FA0] =	sst s1  }
0xa: {  	[smem:$0x3FA1] =	sst s2  }
0xb: {  	[smem:$0x3FA2] =	sst s3  }
0xc: {  	[smem:$0x3FA3] =	sst s4  }
0xd: {  	[smem:$0x3FA4] =	sst s5  }
0xe: {  	[smem:$0x3FA5] =	sst s6  }
0xf: {  	[smem:$0x3FA6] =	sst s7  }
0x10: {  	[smem:$0x3FA7] =	sst s8  }
0x11: {  	[smem:$0x3FA8] =	sst s9;
	s0 =	simm.s32 @!p0 $0x0  }
0x12: {  	s1 =	sld [smem:$0x3F8E];
	s0 =	simm.s32 @p0 $0x1  }
0x13: {  	[smem:$0x3FA9] =	sst s0;
	s0 =	simm.s32 @!p1 $0x0  }
0x14: {  	s2 =	sld [smem:$0x3F8D];
	s0 =	simm.s32 @p1 $0x1  }
0x15: {  	[smem:$0x3FAA] =	sst s0;
	s0 =	simm.s32 @!p2 $0x0  }
0x16: {  	s3 =	sld [smem:$0x3FDB];
	s0 =	simm.s32 @p2 $0x1  }
0x17: {  	s4 =	simm.s32 $0x1BF5;
	[smem:$0x3FAC] =	sst s0  }
0x18: {  	s0 =	sld [smem:$0x3F8F];
	_ =	swait.ge [sflag:s4], $0x0  }
0x19: {  	s7 =	sld [smem:$0x3F90]  }
0x1a: {  	s8 =	sadd.s32 $0xFFFFE003, lr  }
0x1b: {  	s9 =	sadd.s32 $0xFFFFFEF7, lr;
	s5 =	simm.s32 $0xFFFFFFFF;
	p2 =	slt.u32 s8, $0xFFFFF086  }
0x1c: {  	p1 =	slt.u32 s9, $0xF7A;
	s5 =	simm.s32 @!p2 $0x0  }
0x1d: {  	s5 =	simm.s32 @p1 $0x1;
	p0 =	seq.s32 s7, s2  }
0x1e: {  	s7 =	smul.u32 @!p0 $0xF7A, s2;
	p2 =	seq.s32 @!p0 s5, $0x0  }
0x1f: {  	s9 =	smul.u32 $0xF7A, s1;
	s8 =	simm.s32 @!p0 $0x1BF5;
	p2 =	por !p2, p0  }
0x20: {  	[sflag:s8] =	ssyncset.s32 @!p0 $0xFFFFF086;
	s6 =	sadd.s32 @!p0 s3, s7;
	s7 =	simm.s32 @!p0 $0x108  }
0x21: {  	s3 =	sadd.s32 s3, s9;
	s6 =	sadd.s32 @!p0 $0x88, s6;
	s7 =	simm.s32 @p2 $0x1082  }
0x22: {  	[simem:s7], [sflag:s8] =	dma.local @!p0 [hbm:s6], $0xF7A  }
0x23: {  	s9 =	sor.u32 $0xD0000000, s2;
	s6 =	simm.s32 $0x108;
	_ =	swait.ge @!p0 [sflag:s8], $0x0  }
0x24: {  	s3 =	sadd.s32 $0x88, s3;
	s6 =	simm.s32 @!p1 $0x1082;
	[sflag:s4] =	ssyncset.s32 $0xFFFFF086  }
0x25: {  	[simem:s6], [sflag:s4] =	dma.local [hbm:s3], $0xF7A  }
0x26: {  	[smem:$0x3F90] =	sst s1;
	(tag) =	ssettag s2;
	_ =	strace s9  }
0x27: {  	s1 =	sld [smem:$0x3FA0]  }
0x28: {  	s2 =	sld [smem:$0x3FA1]  }
0x29: {  	s4 =	sld [smem:$0x3FA3]  }
0x2a: {  	p0 =	seq.s32 s5, $0x0;
	s5 =	sld [smem:$0x3FA4]  }
0x2b: {  	s6 =	sld [smem:$0x3FA5]  }
0x2c: {  	s7 =	sld [smem:$0x3FA6]  }
0x2d: {  	s3 =	simm.s32 $0x108;
	s8 =	sld [smem:$0x3FA7]  }
0x2e: {  	s3 =	simm.s32 @!p0 $0x1082;
	s9 =	sld [smem:$0x3FA8]  }
0x2f: {  	lr =	sadd.s32 s0, s3;
	s0 =	sld [smem:$0x3F9F]  }
0x30: {  	s3 =	sld [smem:$0x3FA2]  }
0x31: {  	[smem:$0x3FAB] =	sst s10  }
0x32: {  	s10 =	sld [smem:$0x3FA9];
	_ =	sdelay $0x3  }
0x33: {  	p0 =	seq.s32 s10, $0x1;
	s10 =	sld [smem:$0x3FAB];
	_ =	sdelay $0x3  }
0x34: {  	[smem:$0x3FAB] =	sst s10  }
0x35: {  	s10 =	sld [smem:$0x3FAA];
	_ =	sdelay $0x3  }
0x36: {  	p1 =	seq.s32 s10, $0x1;
	s10 =	sld [smem:$0x3FAB];
	_ =	sdelay $0x3  }
0x37: {  	[smem:$0x3FAB] =	sst s10  }
0x38: {  	s10 =	sld [smem:$0x3FAC]  }
0x39: {  	_ = 	snop;
	(pc) =	sbr.ind lr, $3  }
0x3a: {  	_ = 	snop  }
0x3b: {  	_ = 	snop  }
0x3c: {  	p2 =	seq.s32 s10, $0x1;
	s10 =	sld [smem:$0x3FAB]  }
0x3d: {  	_ =	shalt  }
0x3e: {  	_ =	shalt  }
0x3f: {  	_ =	shalt  }
0x40: {  	_ =	shalt  }
0x41: {  	_ =	shalt  }
0x42: {  	_ =	shalt  }
0x43: {  	_ =	shalt  }
0x44: {  	_ =	shalt  }
0x45: {  	_ =	shalt  }
0x46: {  	_ =	shalt  }
0x47: {  	_ =	shalt  }
0x48: {  	_ =	shalt  }
0x49: {  	_ =	shalt  }
0x4a: {  	_ =	shalt  }
0x4b: {  	_ =	shalt  }
0x4c: {  	_ =	shalt  }
0x4d: {  	_ =	shalt  }
0x4e: {  	_ =	shalt  }
0x4f: {  	_ =	shalt  }
0x50: {  	_ =	shalt  }
0x51: {  	_ =	shalt  }
0x52: {  	_ =	shalt  }
0x53: {  	_ =	shalt  }
0x54: {  	_ =	shalt  }
0x55: {  	_ =	shalt  }
0x56: {  	_ =	shalt  }
0x57: {  	_ =	shalt  }
0x58: {  	_ =	shalt  }
0x59: {  	_ =	shalt  }
0x5a: {  	_ =	shalt  }
0x5b: {  	_ =	shalt  }
0x5c: {  	_ =	shalt  }
0x5d: {  	_ =	shalt  }
0x5e: {  	_ =	shalt  }
0x5f: {  	_ =	shalt  }
0x60: {  	_ =	shalt  }
0x61: {  	_ =	shalt  }
0x62: {  	_ =	shalt  }
0x63: {  	_ =	shalt  }
0x64: {  	_ =	shalt  }
0x65: {  	_ =	shalt  }
0x66: {  	_ =	shalt  }
0x67: {  	_ =	shalt  }
0x68: {  	_ =	shalt  }
0x69: {  	_ =	shalt  }
0x6a: {  	_ =	shalt  }
0x6b: {  	_ =	shalt  }
0x6c: {  	_ =	shalt  }
0x6d: {  	_ =	shalt  }
0x6e: {  	_ =	shalt  }
0x6f: {  	_ =	shalt  }
0x70: {  	_ =	shalt  }
0x71: {  	_ =	shalt  }
0x72: {  	_ =	shalt  }
0x73: {  	_ =	shalt  }
0x74: {  	_ =	shalt  }
0x75: {  	_ =	shalt  }
0x76: {  	_ =	shalt  }
0x77: {  	_ =	shalt  }
0x78: {  	_ =	shalt  }
0x79: {  	_ =	shalt  }
0x7a: {  	_ =	shalt  }
0x7b: {  	_ =	shalt  }
0x7c: {  	_ =	shalt  }
0x7d: {  	_ =	shalt  }
0x7e: {  	_ =	shalt  }
0x7f: {  	_ =	shalt  }
0x80: {  	_ =	shalt  }
0x81: {  	_ =	shalt  }
0x82: {  	_ =	shalt  }
0x83: {  	_ =	shalt  }
0x84: {  	_ =	shalt  }
0x85: {  	_ =	shalt  }
0x86: {  	_ =	shalt  }
0x87: {  	_ =	shalt  }
.Lfunc_end0:
.L_simem_size_0:
called_computation.1_lowered:
.L_overlay_start_0:
0x88: {  	s2 =	sld [smem:$0x3FD9]  }
0x89: {  	s3 =	sld [smem:$0x3FFE];
	_ =	sdelay $0x1  }
0x8a: {  	s1 =	srdreg.scid  }
0x8b: {  	s0 =	sand.u32 $0x1, s1  }
0x8c: {  	s16 =	sshll.u32 s0, $0xA;
	s2 =	sadd.s32 s3, s2  }
0x8d: {  	s2 =	sadd.s32 s2, s16  }
0x8e: {  	[smem:$0x3FB7] =	sst s2  }
0x8f: {  	_ = 	snop  }
0x90: {  	(tm) =	ssettm $0x1  }
0x91: {  	s17 =	sld [smem:$0x3FFB];
	_ =	sdelay $0x3  }
0x92: {  	_ =	strace s17  }
0x93: {  	s2 =	sld [smem:$0x3FFC];
	_ =	sdelay $0x3  }
0x94: {  	_ =	strace s2  }
0x95: {  	s2 =	sld [smem:$0x3FFD];
	_ =	sdelay $0x3  }
0x96: {  	_ =	strace s2  }
0x97: {  	_ =	strace $0x8FFFFFFF  }
0x98: {  	s18 =	sld [smem:$0x3FDB];
	_ =	sdelay $0x1  }
0x99: {  	s19 =	simm.s32 $_scs_section_size  }
0x9a: {  	s4 =	simm.s32 $_size__tile_overlayer_lowered;
	s5 =	simm.s32 $_tile_overlayer_lowered  }
0x9b: {  	s22 =	simm.s32 $0x1BFF;
	s21 =	sshll.u32 s5, $0x1;
	s2 =	sadd.s32 s19, s18  }
0x9c: {  	s6 =	simm.s32 $0x0;
	s20 =	sshll.u32 s4, $0x1;
	s4 =	sadd.s32 s21, s2  }
0x9d: {  	[timem:s6], [sflag:s22] =	dma.local [hbm:s4], s20  }
0x9e: {  	_ =	swait.ge [sflag:s22], s20  }
0x9f: {  	s3 =	ssub.s32 $0x0, s20;
	[sflag:s22] =	ssyncset.done $0x0  }
0xa0: {  	[sflag:s22] =	ssyncadd.s32 s3;
	_ =	sdelay $0x1  }
0xa1: {  	s23 =	simm.s32 $0x1B8B  }
0xa2: {  	_ =	swait.ge [sflag:s23], $0x1  }
0xa3: {  	[sflag:s23] =	ssyncset.done $0x0  }
0xa4: {  	s25 =	simm.s32 $0x1B8E;
	s24 =	sld [smem:$0x3FFE];
	[sflag:s23] =	ssyncadd.s32 $0xFFFFFFFF  }
0xa5: {  	s26 =	simm.s32 $execute0_lowered;
	[smem:$0x3FD2] =	sst s25  }
0xa6: {  	s4 =	sshll.u32 s26, $0x1;
	_ =	strace $0x80000049;
	[dreg:$0x1] =	wrdreg $0xFFFFFFFF  }
0xa7: {  	s28 =	simm.s32 $_size_execute0_lowered;
	s2 =	sadd.s32 s2, s4;
	[dreg:$0x0] =	wrdreg $0x0  }
0xa8: {  	s4 =	sshll.u32 s28, $0x1;
	[dreg:$0x2] =	wrdreg s2  }
0xa9: {  	[dreg:$0x3] =	wrdreg s4  }
0xaa: {  	[dreg:$0x4] =	wrdreg $0xC0  }
0xab: {  	_ =	task [dreg:s6], $0x5FFFF  }
0xac: {  	[dreg:$0x1] =	wrdreg $0xFFFFFFFF  }
0xad: {  	[dreg:$0x0] =	wrdreg $0x60  }
0xae: {  	[dreg:$0x2] =	wrdreg s24  }
0xaf: {  	[dreg:$0x3] =	wrdreg $0x51000  }
0xb0: {  	[dreg:$0x4] =	wrdreg $0x9  }
0xb1: {  	_ =	task.clear_ibuf [dreg:s6], $0x5FFFF;
	_ =	strace $0x90000049  }
0xb2: {  	s29 =	simm.s32 $0x9;
	_ =	strace $0x8000004B  }
0xb3: {  	_ =	swait.ge [sflag:s29], $0x1  }
0xb4: {  	[sflag:s29] =	ssyncadd.s32 $0xFFFFFFFF  }
0xb5: {  	_ =	strace $0x9000004B  }
0xb6: {  	_ =	sfence  }
0xb7: {  	s30 =	sld [smem:$0x0];
	_ =	sdelay $0x2  }
0xb8: {  	s31 =	sshll.u32 s1, $0xD;
	s1 =	sshrl.u32 s1, $0x2  }
0xb9: {  	s3 =	sand.u32 $0x4000, s31;
	s1 =	sadd.s32 s1, s30  }
0xba: {  	s0 =	sor.u32 s3, s0;
	s1 =	sshll.u32 s1, $0x11  }
0xbb: {  	s0 =	sor.u32 s1, s0  }
0xbc: {  	s0 =	sadd.s32 $0x8F2B, s0  }
0xbd: {  	[sflag:s0] =	ssyncadd.remote.s32 $0x1  }
0xbe: {  	_ =	sfence.sel $0xFFFF  }
0xbf: {  	[dreg:$0x0] =	wrdreg $0xFFFFFFFF;
	(pc) =	sbr.abs _section_cstart, $3  }
0xc0: {  	[dreg:$0x1] =	wrdreg $0xFFFFFFFF  }
0xc1: {  	_ =	task.clear_ibuf [dreg:s6], $0x2FFFF;
	_ =	strace $0x9FFFFFFF  }
0xc2: {  	(tm) =	ssettm $0x7FFFFFFF  }
0xc3: {  	_ =	shalt  }
tec
execute0_lowered:
.L_overlay_start_1:
0x0: {  	(tag) =	ssettag $0x1  }
0x1: {  	s5 =	rddreg [dreg:$0x0]  }
0x2: {  	s0 =	srdreg.scid;
	s2 =	rddreg [dreg:$0x1]  }
0x3: {  	s1 =	stileid.u32;
	s3 =	simm.s32 $0x0;
	s18 =	simm.s32 $0x2900  }
0x4: {  	s19 =	simm.s32 $0x2;
	s20 =	simm.s32 $0x80;
	s21 =	simm.s32 $0x50  }
0x5: {  	s22 =	simm.s32 $0x100;
	s23 =	simm.s32 $0x1;
	s6 =	smul.u32 $0x4E20, s1  }
0x6: {  	s8 =	sand.u32 $0x1, s0;
	s0 =	rddreg [dreg:$0x2];
	s7 =	smul.u32 $0x50000, s1  }
0x7: {  	s24 =	simm.s32 $0x0;
	[smem:$0x7FF] =	sst s3;
	s12 =	smul.u32 $0x2800, s1  }
0x8: {  	s14 =	sadd.s32 $0x7AA00, s5;
	p0 =	seq.s32 s1, $0xF;
	s4 =	smul.u32 $0x4E200, s8  }
0x9: {  	_ =	strace $0x8000004A;
	s30 =	ssub.s32 $0x2, s8;
	s13 =	smul.u32 $0x27100, s8  }
0xa: {  	s16 =	smul.u32 $0x138800, s8;
	s31 =	sshrl.u32 s30, $0x1;
	s7 =	sshrl.u32 s7, $0x2  }
0xb: {  	s6 =	sadd.s32 s6, s4;
	s4 =	sadd.s32 $0x5400, s5;
	s15 =	ssub.s32 s30, s31  }
0xc: {  	s13 =	sadd.s32 s12, s13;
	s16 =	sshrl.u32 s16, $0x3;
	s6 =	sshrl.u32 s6, $0x3  }
0xd: {  	s13 =	sadd.s32 s14, s13;
	s14 =	sadd.s32 s14, s16;
	s15 =	smax.u32 s15, $0x1  }
0xe: {  	s17 =	sadd.s32 s6, s5;
	s5 =	sadd.s32 s7, s2;
	s14 =	sadd.s32 $0x25800, s14  }
0xf: {  	s6 =	sadd.s32 $0x2800, s5;
	s7 =	sadd.s32 $0x5000, s5;
	s8 =	sadd.s32 $0x7800, s5  }
0x10: {  	s9 =	sadd.s32 $0xA000, s5;
	s10 =	sadd.s32 $0xC800, s5;
	s11 =	sadd.s32 $0xF000, s5  }
0x11: {  	v0 =	vimm.f32 $0.0e+00;
	s12 =	sadd.s32 $0x11800, s5;
	s16 =	sadd.s32 $0x67000, s17;
	s17 =	sadd.s32 $0x53600, s17  }
.LBB2_1:
0x12: {  	s25 =	simm.s32 $0x0;
	s26 =	simm.s32 $0x200  }
.LBB2_2:
0x13: {  	p1 =	sne.s32 s26, $0x9E00;
	[tilespmem:s25+$0x2970] =	vst v0  }
0x14: {  	[tilespmem:s25+$0x2900] =	vst v0  }
0x15: {  	[tilespmem:s25+$0x2910] =	vst v0  }
.Ltmp0:
0x16: {  	[tilespmem:s25+$0x2920] =	vst v0;
	(pc) =	sbr.rel @p1 .LBB2_2-.Ltmp0, $4  }
0x17: {  	[tilespmem:s25+$0x2930] =	vst v0  }
0x18: {  	[tilespmem:s25+$0x2940] =	vst v0  }
0x19: {  	[tilespmem:s25+$0x2950] =	vst v0  }
0x1a: {  	[tilespmem:s25+$0x2960] =	vst v0;
	s25 =	sshra.s32 s26, $0x2;
	s26 =	sadd.s32 $0x200, s26  }
0x1b: {  	[tilespmem:s25+$0x2970] =	vst v0  }
0x1c: {  	[tilespmem:s25+$0x2900] =	vst v0  }
0x1d: {  	[tilespmem:s25+$0x2910] =	vst v0  }
0x1e: {  	[tilespmem:s25+$0x2920] =	vst v0  }
0x1f: {  	[tilespmem:s25+$0x2930] =	vst v0  }
0x20: {  	[tilespmem:s25+$0x2940] =	vst v0  }
0x21: {  	[tilespmem:s25+$0x2950] =	vst v0  }
0x22: {  	[tilespmem:s25+$0x2960] =	vst v0  }
0x23: {  	[spmem:s5] =	stream.linear.scatter [tilespmem:s18], [sflag:$0x2], $0x2800, $0x38;
	[tilespmem:$0x19100] =	vst v63  }
0x24: {  	_ =	swait.ge [sflag:s19], $0x2800  }
0x25: {  	[sflag:s19] =	ssyncset.done $0x0  }
0x26: {  	[sflag:s19] =	ssyncadd.s32 $0xFFFFD800  }
0x27: {  	[spmem:s6] =	stream.linear.scatter [tilespmem:s18], [sflag:$0x2], $0x2800, $0x38;
	[tilespmem:$0x19100] =	vst v63  }
0x28: {  	_ =	swait.ge [sflag:s19], $0x2800  }
0x29: {  	[sflag:s19] =	ssyncset.done $0x0  }
0x2a: {  	[sflag:s19] =	ssyncadd.s32 $0xFFFFD800  }
0x2b: {  	[spmem:s7] =	stream.linear.scatter [tilespmem:s18], [sflag:$0x2], $0x2800, $0x38;
	[tilespmem:$0x19100] =	vst v63  }
0x2c: {  	_ =	swait.ge [sflag:s19], $0x2800  }
0x2d: {  	[sflag:s19] =	ssyncset.done $0x0  }
0x2e: {  	[sflag:s19] =	ssyncadd.s32 $0xFFFFD800  }
0x2f: {  	[spmem:s8] =	stream.linear.scatter [tilespmem:s18], [sflag:$0x2], $0x2800, $0x38;
	[tilespmem:$0x19100] =	vst v63  }
0x30: {  	_ =	swait.ge [sflag:s19], $0x2800  }
0x31: {  	[sflag:s19] =	ssyncset.done $0x0  }
0x32: {  	[sflag:s19] =	ssyncadd.s32 $0xFFFFD800  }
0x33: {  	[spmem:s9] =	stream.linear.scatter [tilespmem:s18], [sflag:$0x2], $0x2800, $0x38;
	[tilespmem:$0x19100] =	vst v63  }
0x34: {  	_ =	swait.ge [sflag:s19], $0x2800  }
0x35: {  	[sflag:s19] =	ssyncset.done $0x0  }
0x36: {  	[sflag:s19] =	ssyncadd.s32 $0xFFFFD800  }
0x37: {  	[spmem:s10] =	stream.linear.scatter [tilespmem:s18], [sflag:$0x2], $0x2800, $0x38;
	[tilespmem:$0x19100] =	vst v63  }
0x38: {  	_ =	swait.ge [sflag:s19], $0x2800  }
0x39: {  	[sflag:s19] =	ssyncset.done $0x0  }
0x3a: {  	[sflag:s19] =	ssyncadd.s32 $0xFFFFD800  }
0x3b: {  	[spmem:s11] =	stream.linear.scatter [tilespmem:s18], [sflag:$0x2], $0x2800, $0x38;
	[tilespmem:$0x19100] =	vst v63  }
0x3c: {  	_ =	swait.ge [sflag:s19], $0x2800  }
0x3d: {  	[sflag:s19] =	ssyncset.done $0x0  }
0x3e: {  	[sflag:s19] =	ssyncadd.s32 $0xFFFFD800  }
0x3f: {  	[spmem:s12] =	stream.linear.scatter [tilespmem:s18], [sflag:$0x2], $0x2800, $0x38;
	[tilespmem:$0x19100] =	vst v63  }
0x40: {  	_ =	swait.ge [sflag:s19], $0x2800  }
0x41: {  	[sflag:s19] =	ssyncset.done $0x0  }
0x42: {  	[sflag:s19] =	ssyncadd.s32 $0xFFFFD800  }
0x43: {  	s30 =	sadd.s32 $0x0, s17;
	[bflag:$0x0] =	sbarrier.arrive $0xFFFF  }
0x44: {  	[tilespmem:s3], [sflag:$0x2] =	stream.linear.gather [hbm4b:s30+s3], $0x50, $0x38;
	[tilespmem:$0x19100] =	vst v63  }
0x45: {  	_ =	swait.ge [sflag:s19], $0x50  }
0x46: {  	[sflag:s19] =	ssyncset.done $0x0  }
0x47: {  	s31 =	sadd.s32 $0x0, s16;
	[sflag:s19] =	ssyncadd.s32 $0xFFFFFFB0  }
0x48: {  	[tilespmem:s20], [sflag:$0x2] =	stream.linear.gather [hbm4b:s31+s3], $0x50, $0x38;
	[tilespmem:$0x19100] =	vst v63  }
0x49: {  	_ =	swait.ge [sflag:s19], $0x50  }
0x4a: {  	[sflag:s19] =	ssyncset.done $0x0  }
0x4b: {  	[sflag:s19] =	ssyncadd.s32 $0xFFFFFFB0  }
0x4c: {  	[tilespmem:s22], [sflag:$0x1] =	stream.indirect.gather [hbm4b:s4+s21], $0x80, s3, s21, $0xb8;
	[tilespmem:$0x19100] =	vst v63  }
0x4d: {  	_ =	swait.ge [sflag:s23], $0x2800  }
0x4e: {  	[sflag:s23] =	ssyncset.done $0x0  }
0x4f: {  	[sflag:s23] =	ssyncadd.s32 $0xFFFFD800  }
0x50: {  	[spmem:s2] =	stream.indirect.scatter.add.f32 [tilespmem:s22], [sflag:$0x2], $0x80, s20, s21, $0xb8;
	[tilespmem:$0x19100] =	vst v63  }
0x51: {  	_ =	swait.ge [sflag:s19], $0x2800  }
0x52: {  	s25 =	simm.s32 $0xA;
	s26 =	simm.s32 $0x14;
	[sflag:s19] =	ssyncset.done $0x0  }
.LBB2_4:
0x53: {  	s28 =	sadd.s32 s25, s17  }
0x54: {  	[sflag:s19] =	ssyncadd.s32 $0xFFFFD800;
	s29 =	smov.u32 s26;
	s30 =	sadd.s32 $0xA, s26  }
0x55: {  	[tilespmem:s3], [sflag:$0x2] =	stream.linear.gather [hbm4b:s28+s3], $0x50, $0x38;
	[tilespmem:$0x19100] =	vst v63  }
0x56: {  	p1 =	sne.s32 s26, $0x9BA;
	_ =	swait.ge [sflag:s19], $0x50  }
0x57: {  	[sflag:s19] =	ssyncset.done $0x0  }
0x58: {  	s26 =	sadd.s32 s25, s16;
	s25 =	smov.u32 s29;
	[sflag:s19] =	ssyncadd.s32 $0xFFFFFFB0  }
0x59: {  	[tilespmem:s20], [sflag:$0x2] =	stream.linear.gather [hbm4b:s26+s3], $0x50, $0x38;
	[tilespmem:$0x19100] =	vst v63  }
0x5a: {  	_ =	swait.ge [sflag:s19], $0x50  }
0x5b: {  	[sflag:s19] =	ssyncset.done $0x0  }
0x5c: {  	[sflag:s19] =	ssyncadd.s32 $0xFFFFFFB0  }
0x5d: {  	[tilespmem:s22], [sflag:$0x1] =	stream.indirect.gather [hbm4b:s4+s21], $0x80, s3, s21, $0xb8;
	[tilespmem:$0x19100] =	vst v63  }
0x5e: {  	_ =	swait.ge [sflag:s23], $0x2800  }
.Ltmp1:
0x5f: {  	[sflag:s23] =	ssyncset.done $0x0;
	(pc) =	sbr.rel @p1 .LBB2_4-.Ltmp1, $4  }
0x60: {  	[sflag:s23] =	ssyncadd.s32 $0xFFFFD800  }
0x61: {  	[spmem:s2] =	stream.indirect.scatter.add.f32 [tilespmem:s22], [sflag:$0x2], $0x80, s20, s21, $0xb8;
	[tilespmem:$0x19100] =	vst v63  }
0x62: {  	_ =	swait.ge [sflag:s19], $0x2800  }
0x63: {  	s26 =	smov.u32 s30;
	[sflag:s19] =	ssyncset.done $0x0  }
0x64: {  	s26 =	sadd.s32 s25, s17;
	[sflag:s19] =	ssyncadd.s32 $0xFFFFD800  }
0x65: {  	[tilespmem:s3], [sflag:$0x2] =	stream.linear.gather [hbm4b:s26+s3], $0x50, $0x38;
	[tilespmem:$0x19100] =	vst v63  }
0x66: {  	_ =	swait.ge [sflag:s19], $0x50  }
0x67: {  	[sflag:s19] =	ssyncset.done $0x0  }
0x68: {  	s31 =	sadd.s32 s25, s16;
	[sflag:s19] =	ssyncadd.s32 $0xFFFFFFB0  }
0x69: {  	[tilespmem:s20], [sflag:$0x2] =	stream.linear.gather [hbm4b:s31+s3], $0x50, $0x38;
	[tilespmem:$0x19100] =	vst v63  }
0x6a: {  	_ =	swait.ge [sflag:s19], $0x50  }
0x6b: {  	[sflag:s19] =	ssyncset.done $0x0  }
0x6c: {  	[sflag:s19] =	ssyncadd.s32 $0xFFFFFFB0  }
0x6d: {  	[tilespmem:s22], [sflag:$0x1] =	stream.indirect.gather [hbm4b:s4+s21], $0x80, s3, s21, $0xb8;
	[tilespmem:$0x19100] =	vst v63  }
0x6e: {  	_ =	swait.ge [sflag:s23], $0x2800  }
0x6f: {  	[sflag:s23] =	ssyncset.done $0x0  }
0x70: {  	[sflag:s23] =	ssyncadd.s32 $0xFFFFD800  }
0x71: {  	[spmem:s2] =	stream.indirect.scatter.add.f32 [tilespmem:s22], [sflag:$0x2], $0x80, s20, s21, $0xb8;
	[tilespmem:$0x19100] =	vst v63  }
0x72: {  	_ =	swait.ge [sflag:s19], $0x2800  }
0x73: {  	[sflag:s19] =	ssyncset.done $0x0  }
0x74: {  	[sflag:s19] =	ssyncadd.s32 $0xFFFFD800  }
0x75: {  	s25 =	sshrl.u32 @p0 s5, $0x3;
	s26 =	simm.s32 @p0 $0x1FC2;
	[bflag:$0x0] =	sbarrier.arrive $0xFFFF  }
0x76: {  	[hbm:s14], [sflag:s26] =	dma.local @p0 [spmem:s25], $0x1900  }
0x77: {  	s25 =	simm.s32 @p0 $0x2  }
0x78: {  	s24 =	sadd.s32 $0x1, s24;
	_ =	swait.ge @p0 [sflag:s25], $0x1900  }
0x79: {  	p1 =	sne.s32 s24, s15;
	s26 =	sshll.u32 @!p0 s1, $0x6;
	[sflag:s25] =	ssyncset.done @p0 $0x0  }
0x7a: {  	[sflag:s25] =	ssyncadd.s32 @p0 $0xFFFFE700;
	s25 =	sor.u32 @!p0 $0x1C02, s26;
	s26 =	sshrl.u32 @!p0 s5, $0x3  }
0x7b: {  	[hbm:s13], [sflag:s25] =	dma.local @!p0 [spmem:s26], $0x2800  }
.Ltmp2:
0x7c: {  	_ = 	snop;
	(pc) =	sbr.rel @p1 .LBB2_1-.Ltmp2, $4  }
0x7d: {  	s25 =	simm.s32 @!p0 $0x2  }
0x7e: {  	_ =	swait.ge @!p0 [sflag:s25], $0x2800  }
0x7f: {  	[sflag:s25] =	ssyncset.done @!p0 $0x0  }
0x80: {  	[sflag:s25] =	ssyncadd.s32 @!p0 $0xFFFFD800  }
0x81: {  	_ =	sfence.sel $0x180000  }
0x82: {  	[bflag:$0x0] =	sbarrier.arrive $0xFFFF  }
0x83: {  	p0 =	sne.s32 s1, $0x0;
	_ =	strace $0x9000004A  }
0x84: {  	s0 =	sadd.s32 @!p0 $0x100000, s0;
	[bflag:$0x2] =	sbarrier.arrive $0xFFFF  }
0x85: {  	[sflag:s0] =	ssyncadd.tile.s32 @!p0 $0x1;
	_ =	shalt  }
.Lfunc_end2:
_tile_overlayer_lowered:
.L_overlay_start_2:
0x86: {  	(tag) =	ssettag $0x2  }
0x87: {  	s0 =	rddreg [dreg:$0x0];
	s2 =	stileid.u32  }
0x88: {  	s1 =	rddreg [dreg:$0x1];
	p0 =	sne.s32 s2, $0x0  }
0x89: {  	s3 =	rddreg [dreg:$0x2];
	[bflag:$0x3] =	sbarrier.arrive $0xFFFF;
	s2 =	simm.s32 @!p0 $0x1C02  }
0x8a: {  	[timem:s3], [sflag:s2] =	dma.local @!p0 [hbm:s0], s1  }
0x8b: {  	s0 =	simm.s32 @!p0 $0x2  }
0x8c: {  	_ =	swait.ge @!p0 [sflag:s0], s1  }
0x8d: {  	s1 =	ssub.s32 @!p0 $0x0, s1;
	[sflag:s0] =	ssyncset.done @!p0 $0x0  }
0x8e: {  	[sflag:s0] =	ssyncadd.s32 @!p0 s1  }
0x8f: {  	[bflag:$0x3] =	sbarrier.arrive $0xFFFF  }
0x90: {  	_ =	shalt  }

// kernel: kernel.19.cloned.1.call-start
scs
__scs_entry_jumppad:
0x0: {  	(pc) =	sbr.rel $0x88, $3  }
0x1: {  	(tag) =	ssettag $0x0;
	lr =	simm.s32 $0x1  }
0x2: {  	[smem:$0x3F90] =	sst lr;
	_ =	strace $0xD0000000  }
0x3: {  	_ = 	snop  }
0x4: {  	_ = 	snop  }
0x5: {  	_ = 	snop  }
0x6: {  	_ = 	snop  }
0x7: {  	_ = 	snop  }
__scs_overlays_trampoline_lowered:
0x8: {  	[smem:$0x3F9F] =	sst s0  }
0x9: {  	[smem:$0x3FA0] =	sst s1  }
0xa: {  	[smem:$0x3FA1] =	sst s2  }
0xb: {  	[smem:$0x3FA2] =	sst s3  }
0xc: {  	[smem:$0x3FA3] =	sst s4  }
0xd: {  	[smem:$0x3FA4] =	sst s5  }
0xe: {  	[smem:$0x3FA5] =	sst s6  }
0xf: {  	[smem:$0x3FA6] =	sst s7  }
0x10: {  	[smem:$0x3FA7] =	sst s8  }
0x11: {  	[smem:$0x3FA8] =	sst s9;
	s0 =	simm.s32 @!p0 $0x0  }
0x12: {  	s1 =	sld [smem:$0x3F8E];
	s0 =	simm.s32 @p0 $0x1  }
0x13: {  	[smem:$0x3FA9] =	sst s0;
	s0 =	simm.s32 @!p1 $0x0  }
0x14: {  	s2 =	sld [smem:$0x3F8D];
	s0 =	simm.s32 @p1 $0x1  }
0x15: {  	[smem:$0x3FAA] =	sst s0;
	s0 =	simm.s32 @!p2 $0x0  }
0x16: {  	s3 =	sld [smem:$0x3FDB];
	s0 =	simm.s32 @p2 $0x1  }
0x17: {  	s4 =	simm.s32 $0x1BF5;
	[smem:$0x3FAC] =	sst s0  }
0x18: {  	s0 =	sld [smem:$0x3F8F];
	_ =	swait.ge [sflag:s4], $0x0  }
0x19: {  	s7 =	sld [smem:$0x3F90]  }
0x1a: {  	s8 =	sadd.s32 $0xFFFFE003, lr  }
0x1b: {  	s9 =	sadd.s32 $0xFFFFFEF7, lr;
	s5 =	simm.s32 $0xFFFFFFFF;
	p2 =	slt.u32 s8, $0xFFFFF086  }
0x1c: {  	p1 =	slt.u32 s9, $0xF7A;
	s5 =	simm.s32 @!p2 $0x0  }
0x1d: {  	s5 =	simm.s32 @p1 $0x1;
	p0 =	seq.s32 s7, s2  }
0x1e: {  	s7 =	smul.u32 @!p0 $0xF7A, s2;
	p2 =	seq.s32 @!p0 s5, $0x0  }
0x1f: {  	s9 =	smul.u32 $0xF7A, s1;
	s8 =	simm.s32 @!p0 $0x1BF5;
	p2 =	por !p2, p0  }
0x20: {  	[sflag:s8] =	ssyncset.s32 @!p0 $0xFFFFF086;
	s6 =	sadd.s32 @!p0 s3, s7;
	s7 =	simm.s32 @!p0 $0x108  }
0x21: {  	s3 =	sadd.s32 s3, s9;
	s6 =	sadd.s32 @!p0 $0x88, s6;
	s7 =	simm.s32 @p2 $0x1082  }
0x22: {  	[simem:s7], [sflag:s8] =	dma.local @!p0 [hbm:s6], $0xF7A  }
0x23: {  	s9 =	sor.u32 $0xD0000000, s2;
	s6 =	simm.s32 $0x108;
	_ =	swait.ge @!p0 [sflag:s8], $0x0  }
0x24: {  	s3 =	sadd.s32 $0x88, s3;
	s6 =	simm.s32 @!p1 $0x1082;
	[sflag:s4] =	ssyncset.s32 $0xFFFFF086  }
0x25: {  	[simem:s6], [sflag:s4] =	dma.local [hbm:s3], $0xF7A  }
0x26: {  	[smem:$0x3F90] =	sst s1;
	(tag) =	ssettag s2;
	_ =	strace s9  }
0x27: {  	s1 =	sld [smem:$0x3FA0]  }
0x28: {  	s2 =	sld [smem:$0x3FA1]  }
0x29: {  	s4 =	sld [smem:$0x3FA3]  }
0x2a: {  	p0 =	seq.s32 s5, $0x0;
	s5 =	sld [smem:$0x3FA4]  }
0x2b: {  	s6 =	sld [smem:$0x3FA5]  }
0x2c: {  	s7 =	sld [smem:$0x3FA6]  }
0x2d: {  	s3 =	simm.s32 $0x108;
	s8 =	sld [smem:$0x3FA7]  }
0x2e: {  	s3 =	simm.s32 @!p0 $0x1082;
	s9 =	sld [smem:$0x3FA8]  }
0x2f: {  	lr =	sadd.s32 s0, s3;
	s0 =	sld [smem:$0x3F9F]  }
0x30: {  	s3 =	sld [smem:$0x3FA2]  }
0x31: {  	[smem:$0x3FAB] =	sst s10  }
0x32: {  	s10 =	sld [smem:$0x3FA9];
	_ =	sdelay $0x3  }
0x33: {  	p0 =	seq.s32 s10, $0x1;
	s10 =	sld [smem:$0x3FAB];
	_ =	sdelay $0x3  }
0x34: {  	[smem:$0x3FAB] =	sst s10  }
0x35: {  	s10 =	sld [smem:$0x3FAA];
	_ =	sdelay $0x3  }
0x36: {  	p1 =	seq.s32 s10, $0x1;
	s10 =	sld [smem:$0x3FAB];
	_ =	sdelay $0x3  }
0x37: {  	[smem:$0x3FAB] =	sst s10  }
0x38: {  	s10 =	sld [smem:$0x3FAC]  }
0x39: {  	_ = 	snop;
	(pc) =	sbr.ind lr, $3  }
0x3a: {  	_ = 	snop  }
0x3b: {  	_ = 	snop  }
0x3c: {  	p2 =	seq.s32 s10, $0x1;
	s10 =	sld [smem:$0x3FAB]  }
0x3d: {  	_ =	shalt  }
0x3e: {  	_ =	shalt  }
0x3f: {  	_ =	shalt  }
0x40: {  	_ =	shalt  }
0x41: {  	_ =	shalt  }
0x42: {  	_ =	shalt  }
0x43: {  	_ =	shalt  }
0x44: {  	_ =	shalt  }
0x45: {  	_ =	shalt  }
0x46: {  	_ =	shalt  }
0x47: {  	_ =	shalt  }
0x48: {  	_ =	shalt  }
0x49: {  	_ =	shalt  }
0x4a: {  	_ =	shalt  }
0x4b: {  	_ =	shalt  }
0x4c: {  	_ =	shalt  }
0x4d: {  	_ =	shalt  }
0x4e: {  	_ =	shalt  }
0x4f: {  	_ =	shalt  }
0x50: {  	_ =	shalt  }
0x51: {  	_ =	shalt  }
0x52: {  	_ =	shalt  }
0x53: {  	_ =	shalt  }
0x54: {  	_ =	shalt  }
0x55: {  	_ =	shalt  }
0x56: {  	_ =	shalt  }
0x57: {  	_ =	shalt  }
0x58: {  	_ =	shalt  }
0x59: {  	_ =	shalt  }
0x5a: {  	_ =	shalt  }
0x5b: {  	_ =	shalt  }
0x5c: {  	_ =	shalt  }
0x5d: {  	_ =	shalt  }
0x5e: {  	_ =	shalt  }
0x5f: {  	_ =	shalt  }
0x60: {  	_ =	shalt  }
0x61: {  	_ =	shalt  }
0x62: {  	_ =	shalt  }
0x63: {  	_ =	shalt  }
0x64: {  	_ =	shalt  }
0x65: {  	_ =	shalt  }
0x66: {  	_ =	shalt  }
0x67: {  	_ =	shalt  }
0x68: {  	_ =	shalt  }
0x69: {  	_ =	shalt  }
0x6a: {  	_ =	shalt  }
0x6b: {  	_ =	shalt  }
0x6c: {  	_ =	shalt  }
0x6d: {  	_ =	shalt  }
0x6e: {  	_ =	shalt  }
0x6f: {  	_ =	shalt  }
0x70: {  	_ =	shalt  }
0x71: {  	_ =	shalt  }
0x72: {  	_ =	shalt  }
0x73: {  	_ =	shalt  }
0x74: {  	_ =	shalt  }
0x75: {  	_ =	shalt  }
0x76: {  	_ =	shalt  }
0x77: {  	_ =	shalt  }
0x78: {  	_ =	shalt  }
0x79: {  	_ =	shalt  }
0x7a: {  	_ =	shalt  }
0x7b: {  	_ =	shalt  }
0x7c: {  	_ =	shalt  }
0x7d: {  	_ =	shalt  }
0x7e: {  	_ =	shalt  }
0x7f: {  	_ =	shalt  }
0x80: {  	_ =	shalt  }
0x81: {  	_ =	shalt  }
0x82: {  	_ =	shalt  }
0x83: {  	_ =	shalt  }
0x84: {  	_ =	shalt  }
0x85: {  	_ =	shalt  }
0x86: {  	_ =	shalt  }
0x87: {  	_ =	shalt  }
.Lfunc_end0:
.L_simem_size_0:
called_computation.2_lowered:
.L_overlay_start_0:
0x88: {  	s2 =	sld [smem:$0x3FD9]  }
0x89: {  	s3 =	sld [smem:$0x3FFE];
	_ =	sdelay $0x1  }
0x8a: {  	s1 =	srdreg.scid  }
0x8b: {  	s0 =	sand.u32 $0x1, s1  }
0x8c: {  	s16 =	sshll.u32 s0, $0xA;
	s2 =	sadd.s32 s3, s2  }
0x8d: {  	s2 =	sadd.s32 s2, s16  }
0x8e: {  	[smem:$0x3FB7] =	sst s2  }
0x8f: {  	_ = 	snop  }
0x90: {  	(tm) =	ssettm $0x1  }
0x91: {  	s17 =	sld [smem:$0x3FFB];
	_ =	sdelay $0x3  }
0x92: {  	_ =	strace s17  }
0x93: {  	s2 =	sld [smem:$0x3FFC];
	_ =	sdelay $0x3  }
0x94: {  	_ =	strace s2  }
0x95: {  	s2 =	sld [smem:$0x3FFD];
	_ =	sdelay $0x3  }
0x96: {  	_ =	strace s2  }
0x97: {  	_ =	strace $0x8FFFFFFF  }
0x98: {  	s18 =	sld [smem:$0x3FDB];
	_ =	sdelay $0x1  }
0x99: {  	s19 =	simm.s32 $_scs_section_size  }
0x9a: {  	s4 =	simm.s32 $_size__tile_overlayer_lowered;
	s5 =	simm.s32 $_tile_overlayer_lowered  }
0x9b: {  	s22 =	simm.s32 $0x1BFF;
	s21 =	sshll.u32 s5, $0x1;
	s2 =	sadd.s32 s19, s18  }
0x9c: {  	s6 =	simm.s32 $0x0;
	s20 =	sshll.u32 s4, $0x1;
	s4 =	sadd.s32 s21, s2  }
0x9d: {  	[timem:s6], [sflag:s22] =	dma.local [hbm:s4], s20  }
0x9e: {  	_ =	swait.ge [sflag:s22], s20  }
0x9f: {  	s3 =	ssub.s32 $0x0, s20;
	[sflag:s22] =	ssyncset.done $0x0  }
0xa0: {  	[sflag:s22] =	ssyncadd.s32 s3;
	_ =	sdelay $0x1  }
0xa1: {  	s23 =	simm.s32 $0x1B8B  }
0xa2: {  	_ =	swait.ge [sflag:s23], $0x1  }
0xa3: {  	[sflag:s23] =	ssyncset.done $0x0  }
0xa4: {  	s25 =	simm.s32 $0x1B8E;
	s24 =	sld [smem:$0x3FFE];
	[sflag:s23] =	ssyncadd.s32 $0xFFFFFFFF  }
0xa5: {  	s26 =	simm.s32 $execute0_lowered;
	[smem:$0x3FD2] =	sst s25  }
0xa6: {  	s4 =	sshll.u32 s26, $0x1;
	_ =	strace $0x8000004C;
	[dreg:$0x1] =	wrdreg $0xFFFFFFFF  }
0xa7: {  	s28 =	simm.s32 $_size_execute0_lowered;
	s2 =	sadd.s32 s2, s4;
	[dreg:$0x0] =	wrdreg $0x0  }
0xa8: {  	s4 =	sshll.u32 s28, $0x1;
	[dreg:$0x2] =	wrdreg s2  }
0xa9: {  	[dreg:$0x3] =	wrdreg s4  }
0xaa: {  	[dreg:$0x4] =	wrdreg $0xC0  }
0xab: {  	_ =	task [dreg:s6], $0x5FFFF  }
0xac: {  	[dreg:$0x1] =	wrdreg $0xFFFFFFFF  }
0xad: {  	[dreg:$0x0] =	wrdreg $0x60  }
0xae: {  	[dreg:$0x2] =	wrdreg s24  }
0xaf: {  	[dreg:$0x3] =	wrdreg $0x51000  }
0xb0: {  	[dreg:$0x4] =	wrdreg $0x9  }
0xb1: {  	_ =	task.clear_ibuf [dreg:s6], $0x5FFFF;
	_ =	strace $0x9000004C  }
0xb2: {  	s29 =	simm.s32 $0x9;
	_ =	strace $0x8000004E  }
0xb3: {  	_ =	swait.ge [sflag:s29], $0x1  }
0xb4: {  	[sflag:s29] =	ssyncadd.s32 $0xFFFFFFFF  }
0xb5: {  	_ =	strace $0x9000004E  }
0xb6: {  	_ =	sfence  }
0xb7: {  	s30 =	sld [smem:$0x0];
	_ =	sdelay $0x2  }
0xb8: {  	s31 =	sshll.u32 s1, $0xD;
	s1 =	sshrl.u32 s1, $0x2  }
0xb9: {  	s3 =	sand.u32 $0x4000, s31;
	s1 =	sadd.s32 s1, s30  }
0xba: {  	s0 =	sor.u32 s3, s0;
	s1 =	sshll.u32 s1, $0x11  }
0xbb: {  	s0 =	sor.u32 s1, s0  }
0xbc: {  	s0 =	sadd.s32 $0x8F2B, s0  }
0xbd: {  	[sflag:s0] =	ssyncadd.remote.s32 $0x1  }
0xbe: {  	_ =	sfence.sel $0xFFFF  }
0xbf: {  	[dreg:$0x0] =	wrdreg $0xFFFFFFFF;
	(pc) =	sbr.abs _section_cstart, $3  }
0xc0: {  	[dreg:$0x1] =	wrdreg $0xFFFFFFFF  }
0xc1: {  	_ =	task.clear_ibuf [dreg:s6], $0x2FFFF;
	_ =	strace $0x9FFFFFFF  }
0xc2: {  	(tm) =	ssettm $0x7FFFFFFF  }
0xc3: {  	_ =	shalt  }
tec
execute0_lowered:
.L_overlay_start_1:
0x0: {  	(tag) =	ssettag $0x1  }
0x1: {  	s5 =	rddreg [dreg:$0x0]  }
0x2: {  	s0 =	srdreg.scid;
	s2 =	rddreg [dreg:$0x1]  }
0x3: {  	s1 =	stileid.u32;
	s3 =	simm.s32 $0x0;
	s18 =	simm.s32 $0x2900  }
0x4: {  	s19 =	simm.s32 $0x2;
	s20 =	simm.s32 $0x80;
	s21 =	simm.s32 $0x50  }
0x5: {  	s22 =	simm.s32 $0x100;
	s23 =	simm.s32 $0x1;
	s6 =	smul.u32 $0x4E20, s1  }
0x6: {  	s8 =	sand.u32 $0x1, s0;
	s0 =	rddreg [dreg:$0x2];
	s7 =	smul.u32 $0x50000, s1  }
0x7: {  	s24 =	simm.s32 $0x0;
	[smem:$0x7FF] =	sst s3;
	s12 =	smul.u32 $0x2800, s1  }
0x8: {  	s14 =	sadd.s32 $0x7AA00, s5;
	p0 =	seq.s32 s1, $0xF;
	s4 =	smul.u32 $0x4E200, s8  }
0x9: {  	_ =	strace $0x8000004D;
	s30 =	ssub.s32 $0x2, s8;
	s13 =	smul.u32 $0x27100, s8  }
0xa: {  	s16 =	smul.u32 $0x138800, s8;
	s31 =	sshrl.u32 s30, $0x1;
	s7 =	sshrl.u32 s7, $0x2  }
0xb: {  	s6 =	sadd.s32 s6, s4;
	s4 =	sadd.s32 $0x5400, s5;
	s15 =	ssub.s32 s30, s31  }
0xc: {  	s13 =	sadd.s32 s12, s13;
	s16 =	sshrl.u32 s16, $0x3;
	s6 =	sshrl.u32 s6, $0x3  }
0xd: {  	s13 =	sadd.s32 s14, s13;
	s14 =	sadd.s32 s14, s16;
	s15 =	smax.u32 s15, $0x1  }
0xe: {  	s17 =	sadd.s32 s6, s5;
	s5 =	sadd.s32 s7, s2;
	s14 =	sadd.s32 $0x25800, s14  }
0xf: {  	s6 =	sadd.s32 $0x2800, s5;
	s7 =	sadd.s32 $0x5000, s5;
	s8 =	sadd.s32 $0x7800, s5  }
0x10: {  	s9 =	sadd.s32 $0xA000, s5;
	s10 =	sadd.s32 $0xC800, s5;
	s11 =	sadd.s32 $0xF000, s5  }
0x11: {  	v0 =	vimm.f32 $0.0e+00;
	s12 =	sadd.s32 $0x11800, s5;
	s16 =	sadd.s32 $0x67000, s17;
	s17 =	sadd.s32 $0x53600, s17  }
.LBB2_1:
0x12: {  	s25 =	simm.s32 $0x0;
	s26 =	simm.s32 $0x200  }
.LBB2_2:
0x13: {  	p1 =	sne.s32 s26, $0x9E00;
	[tilespmem:s25+$0x2970] =	vst v0  }
0x14: {  	[tilespmem:s25+$0x2900] =	vst v0  }
0x15: {  	[tilespmem:s25+$0x2910] =	vst v0  }
.Ltmp0:
0x16: {  	[tilespmem:s25+$0x2920] =	vst v0;
	(pc) =	sbr.rel @p1 .LBB2_2-.Ltmp0, $4  }
0x17: {  	[tilespmem:s25+$0x2930] =	vst v0  }
0x18: {  	[tilespmem:s25+$0x2940] =	vst v0  }
0x19: {  	[tilespmem:s25+$0x2950] =	vst v0  }
0x1a: {  	[tilespmem:s25+$0x2960] =	vst v0;
	s25 =	sshra.s32 s26, $0x2;
	s26 =	sadd.s32 $0x200, s26  }
0x1b: {  	[tilespmem:s25+$0x2970] =	vst v0  }
0x1c: {  	[tilespmem:s25+$0x2900] =	vst v0  }
0x1d: {  	[tilespmem:s25+$0x2910] =	vst v0  }
0x1e: {  	[tilespmem:s25+$0x2920] =	vst v0  }
0x1f: {  	[tilespmem:s25+$0x2930] =	vst v0  }
0x20: {  	[tilespmem:s25+$0x2940] =	vst v0  }
0x21: {  	[tilespmem:s25+$0x2950] =	vst v0  }
0x22: {  	[tilespmem:s25+$0x2960] =	vst v0  }
0x23: {  	[spmem:s5] =	stream.linear.scatter [tilespmem:s18], [sflag:$0x2], $0x2800, $0x38;
	[tilespmem:$0x19100] =	vst v63  }
0x24: {  	_ =	swait.ge [sflag:s19], $0x2800  }
0x25: {  	[sflag:s19] =	ssyncset.done $0x0  }
0x26: {  	[sflag:s19] =	ssyncadd.s32 $0xFFFFD800  }
0x27: {  	[spmem:s6] =	stream.linear.scatter [tilespmem:s18], [sflag:$0x2], $0x2800, $0x38;
	[tilespmem:$0x19100] =	vst v63  }
0x28: {  	_ =	swait.ge [sflag:s19], $0x2800  }
0x29: {  	[sflag:s19] =	ssyncset.done $0x0  }
0x2a: {  	[sflag:s19] =	ssyncadd.s32 $0xFFFFD800  }
0x2b: {  	[spmem:s7] =	stream.linear.scatter [tilespmem:s18], [sflag:$0x2], $0x2800, $0x38;
	[tilespmem:$0x19100] =	vst v63  }
0x2c: {  	_ =	swait.ge [sflag:s19], $0x2800  }
0x2d: {  	[sflag:s19] =	ssyncset.done $0x0  }
0x2e: {  	[sflag:s19] =	ssyncadd.s32 $0xFFFFD800  }
0x2f: {  	[spmem:s8] =	stream.linear.scatter [tilespmem:s18], [sflag:$0x2], $0x2800, $0x38;
	[tilespmem:$0x19100] =	vst v63  }
0x30: {  	_ =	swait.ge [sflag:s19], $0x2800  }
0x31: {  	[sflag:s19] =	ssyncset.done $0x0  }
0x32: {  	[sflag:s19] =	ssyncadd.s32 $0xFFFFD800  }
0x33: {  	[spmem:s9] =	stream.linear.scatter [tilespmem:s18], [sflag:$0x2], $0x2800, $0x38;
	[tilespmem:$0x19100] =	vst v63  }
0x34: {  	_ =	swait.ge [sflag:s19], $0x2800  }
0x35: {  	[sflag:s19] =	ssyncset.done $0x0  }
0x36: {  	[sflag:s19] =	ssyncadd.s32 $0xFFFFD800  }
0x37: {  	[spmem:s10] =	stream.linear.scatter [tilespmem:s18], [sflag:$0x2], $0x2800, $0x38;
	[tilespmem:$0x19100] =	vst v63  }
0x38: {  	_ =	swait.ge [sflag:s19], $0x2800  }
0x39: {  	[sflag:s19] =	ssyncset.done $0x0  }
0x3a: {  	[sflag:s19] =	ssyncadd.s32 $0xFFFFD800  }
0x3b: {  	[spmem:s11] =	stream.linear.scatter [tilespmem:s18], [sflag:$0x2], $0x2800, $0x38;
	[tilespmem:$0x19100] =	vst v63  }
0x3c: {  	_ =	swait.ge [sflag:s19], $0x2800  }
0x3d: {  	[sflag:s19] =	ssyncset.done $0x0  }
0x3e: {  	[sflag:s19] =	ssyncadd.s32 $0xFFFFD800  }
0x3f: {  	[spmem:s12] =	stream.linear.scatter [tilespmem:s18], [sflag:$0x2], $0x2800, $0x38;
	[tilespmem:$0x19100] =	vst v63  }
0x40: {  	_ =	swait.ge [sflag:s19], $0x2800  }
0x41: {  	[sflag:s19] =	ssyncset.done $0x0  }
0x42: {  	[sflag:s19] =	ssyncadd.s32 $0xFFFFD800  }
0x43: {  	s30 =	sadd.s32 $0x0, s17;
	[bflag:$0x0] =	sbarrier.arrive $0xFFFF  }
0x44: {  	[tilespmem:s3], [sflag:$0x2] =	stream.linear.gather [hbm4b:s30+s3], $0x50, $0x38;
	[tilespmem:$0x19100] =	vst v63  }
0x45: {  	_ =	swait.ge [sflag:s19], $0x50  }
0x46: {  	[sflag:s19] =	ssyncset.done $0x0  }
0x47: {  	s31 =	sadd.s32 $0x0, s16;
	[sflag:s19] =	ssyncadd.s32 $0xFFFFFFB0  }
0x48: {  	[tilespmem:s20], [sflag:$0x2] =	stream.linear.gather [hbm4b:s31+s3], $0x50, $0x38;
	[tilespmem:$0x19100] =	vst v63  }
0x49: {  	_ =	swait.ge [sflag:s19], $0x50  }
0x4a: {  	[sflag:s19] =	ssyncset.done $0x0  }
0x4b: {  	[sflag:s19] =	ssyncadd.s32 $0xFFFFFFB0  }
0x4c: {  	[tilespmem:s22], [sflag:$0x1] =	stream.indirect.gather [hbm4b:s4+s21], $0x80, s3, s21, $0xb8;
	[tilespmem:$0x19100] =	vst v63  }
0x4d: {  	_ =	swait.ge [sflag:s23], $0x2800  }
0x4e: {  	[sflag:s23] =	ssyncset.done $0x0  }
0x4f: {  	[sflag:s23] =	ssyncadd.s32 $0xFFFFD800  }
0x50: {  	[spmem:s2] =	stream.indirect.scatter.add.f32 [tilespmem:s22], [sflag:$0x2], $0x80, s20, s21, $0xb8;
	[tilespmem:$0x19100] =	vst v63  }
0x51: {  	_ =	swait.ge [sflag:s19], $0x2800  }
0x52: {  	s25 =	simm.s32 $0xA;
	s26 =	simm.s32 $0x14;
	[sflag:s19] =	ssyncset.done $0x0  }
.LBB2_4:
0x53: {  	s28 =	sadd.s32 s25, s17  }
0x54: {  	[sflag:s19] =	ssyncadd.s32 $0xFFFFD800;
	s29 =	smov.u32 s26;
	s30 =	sadd.s32 $0xA, s26  }
0x55: {  	[tilespmem:s3], [sflag:$0x2] =	stream.linear.gather [hbm4b:s28+s3], $0x50, $0x38;
	[tilespmem:$0x19100] =	vst v63  }
0x56: {  	p1 =	sne.s32 s26, $0x9BA;
	_ =	swait.ge [sflag:s19], $0x50  }
0x57: {  	[sflag:s19] =	ssyncset.done $0x0  }
0x58: {  	s26 =	sadd.s32 s25, s16;
	s25 =	smov.u32 s29;
	[sflag:s19] =	ssyncadd.s32 $0xFFFFFFB0  }
0x59: {  	[tilespmem:s20], [sflag:$0x2] =	stream.linear.gather [hbm4b:s26+s3], $0x50, $0x38;
	[tilespmem:$0x19100] =	vst v63  }
0x5a: {  	_ =	swait.ge [sflag:s19], $0x50  }
0x5b: {  	[sflag:s19] =	ssyncset.done $0x0  }
0x5c: {  	[sflag:s19] =	ssyncadd.s32 $0xFFFFFFB0  }
0x5d: {  	[tilespmem:s22], [sflag:$0x1] =	stream.indirect.gather [hbm4b:s4+s21], $0x80, s3, s21, $0xb8;
	[tilespmem:$0x19100] =	vst v63  }
0x5e: {  	_ =	swait.ge [sflag:s23], $0x2800  }
.Ltmp1:
0x5f: {  	[sflag:s23] =	ssyncset.done $0x0;
	(pc) =	sbr.rel @p1 .LBB2_4-.Ltmp1, $4  }
0x60: {  	[sflag:s23] =	ssyncadd.s32 $0xFFFFD800  }
0x61: {  	[spmem:s2] =	stream.indirect.scatter.add.f32 [tilespmem:s22], [sflag:$0x2], $0x80, s20, s21, $0xb8;
	[tilespmem:$0x19100] =	vst v63  }
0x62: {  	_ =	swait.ge [sflag:s19], $0x2800  }
0x63: {  	s26 =	smov.u32 s30;
	[sflag:s19] =	ssyncset.done $0x0  }
0x64: {  	s26 =	sadd.s32 s25, s17;
	[sflag:s19] =	ssyncadd.s32 $0xFFFFD800  }
0x65: {  	[tilespmem:s3], [sflag:$0x2] =	stream.linear.gather [hbm4b:s26+s3], $0x50, $0x38;
	[tilespmem:$0x19100] =	vst v63  }
0x66: {  	_ =	swait.ge [sflag:s19], $0x50  }
0x67: {  	[sflag:s19] =	ssyncset.done $0x0  }
0x68: {  	s31 =	sadd.s32 s25, s16;
	[sflag:s19] =	ssyncadd.s32 $0xFFFFFFB0  }
0x69: {  	[tilespmem:s20], [sflag:$0x2] =	stream.linear.gather [hbm4b:s31+s3], $0x50, $0x38;
	[tilespmem:$0x19100] =	vst v63  }
0x6a: {  	_ =	swait.ge [sflag:s19], $0x50  }
0x6b: {  	[sflag:s19] =	ssyncset.done $0x0  }
0x6c: {  	[sflag:s19] =	ssyncadd.s32 $0xFFFFFFB0  }
0x6d: {  	[tilespmem:s22], [sflag:$0x1] =	stream.indirect.gather [hbm4b:s4+s21], $0x80, s3, s21, $0xb8;
	[tilespmem:$0x19100] =	vst v63  }
0x6e: {  	_ =	swait.ge [sflag:s23], $0x2800  }
0x6f: {  	[sflag:s23] =	ssyncset.done $0x0  }
0x70: {  	[sflag:s23] =	ssyncadd.s32 $0xFFFFD800  }
0x71: {  	[spmem:s2] =	stream.indirect.scatter.add.f32 [tilespmem:s22], [sflag:$0x2], $0x80, s20, s21, $0xb8;
	[tilespmem:$0x19100] =	vst v63  }
0x72: {  	_ =	swait.ge [sflag:s19], $0x2800  }
0x73: {  	[sflag:s19] =	ssyncset.done $0x0  }
0x74: {  	[sflag:s19] =	ssyncadd.s32 $0xFFFFD800  }
0x75: {  	s25 =	sshrl.u32 @p0 s5, $0x3;
	s26 =	simm.s32 @p0 $0x1FC2;
	[bflag:$0x0] =	sbarrier.arrive $0xFFFF  }
0x76: {  	[hbm:s14], [sflag:s26] =	dma.local @p0 [spmem:s25], $0x1900  }
0x77: {  	s25 =	simm.s32 @p0 $0x2  }
0x78: {  	s24 =	sadd.s32 $0x1, s24;
	_ =	swait.ge @p0 [sflag:s25], $0x1900  }
0x79: {  	p1 =	sne.s32 s24, s15;
	s26 =	sshll.u32 @!p0 s1, $0x6;
	[sflag:s25] =	ssyncset.done @p0 $0x0  }
0x7a: {  	[sflag:s25] =	ssyncadd.s32 @p0 $0xFFFFE700;
	s25 =	sor.u32 @!p0 $0x1C02, s26;
	s26 =	sshrl.u32 @!p0 s5, $0x3  }
0x7b: {  	[hbm:s13], [sflag:s25] =	dma.local @!p0 [spmem:s26], $0x2800  }
.Ltmp2:
0x7c: {  	_ = 	snop;
	(pc) =	sbr.rel @p1 .LBB2_1-.Ltmp2, $4  }
0x7d: {  	s25 =	simm.s32 @!p0 $0x2  }
0x7e: {  	_ =	swait.ge @!p0 [sflag:s25], $0x2800  }
0x7f: {  	[sflag:s25] =	ssyncset.done @!p0 $0x0  }
0x80: {  	[sflag:s25] =	ssyncadd.s32 @!p0 $0xFFFFD800  }
0x81: {  	_ =	sfence.sel $0x180000  }
0x82: {  	[bflag:$0x0] =	sbarrier.arrive $0xFFFF  }
0x83: {  	p0 =	sne.s32 s1, $0x0;
	_ =	strace $0x9000004D  }
0x84: {  	s0 =	sadd.s32 @!p0 $0x100000, s0;
	[bflag:$0x2] =	sbarrier.arrive $0xFFFF  }
0x85: {  	[sflag:s0] =	ssyncadd.tile.s32 @!p0 $0x1;
	_ =	shalt  }
.Lfunc_end2:
_tile_overlayer_lowered:
.L_overlay_start_2:
0x86: {  	(tag) =	ssettag $0x2  }
0x87: {  	s0 =	rddreg [dreg:$0x0];
	s2 =	stileid.u32  }
0x88: {  	s1 =	rddreg [dreg:$0x1];
	p0 =	sne.s32 s2, $0x0  }
0x89: {  	s3 =	rddreg [dreg:$0x2];
	[bflag:$0x3] =	sbarrier.arrive $0xFFFF;
	s2 =	simm.s32 @!p0 $0x1C02  }
0x8a: {  	[timem:s3], [sflag:s2] =	dma.local @!p0 [hbm:s0], s1  }
0x8b: {  	s0 =	simm.s32 @!p0 $0x2  }
0x8c: {  	_ =	swait.ge @!p0 [sflag:s0], s1  }
0x8d: {  	s1 =	ssub.s32 @!p0 $0x0, s1;
	[sflag:s0] =	ssyncset.done @!p0 $0x0  }
0x8e: {  	[sflag:s0] =	ssyncadd.s32 @!p0 s1  }
0x8f: {  	[bflag:$0x3] =	sbarrier.arrive $0xFFFF  }
0x90: {  	_ =	shalt  }

// kernel: kernel.22.cloned.1.call-start
scs
__scs_entry_jumppad:
0x0: {  	(pc) =	sbr.rel $0x88, $3  }
0x1: {  	(tag) =	ssettag $0x0;
	lr =	simm.s32 $0x1  }
0x2: {  	[smem:$0x3F90] =	sst lr;
	_ =	strace $0xD0000000  }
0x3: {  	_ = 	snop  }
0x4: {  	_ = 	snop  }
0x5: {  	_ = 	snop  }
0x6: {  	_ = 	snop  }
0x7: {  	_ = 	snop  }
__scs_overlays_trampoline_lowered:
0x8: {  	[smem:$0x3F9F] =	sst s0  }
0x9: {  	[smem:$0x3FA0] =	sst s1  }
0xa: {  	[smem:$0x3FA1] =	sst s2  }
0xb: {  	[smem:$0x3FA2] =	sst s3  }
0xc: {  	[smem:$0x3FA3] =	sst s4  }
0xd: {  	[smem:$0x3FA4] =	sst s5  }
0xe: {  	[smem:$0x3FA5] =	sst s6  }
0xf: {  	[smem:$0x3FA6] =	sst s7  }
0x10: {  	[smem:$0x3FA7] =	sst s8  }
0x11: {  	[smem:$0x3FA8] =	sst s9;
	s0 =	simm.s32 @!p0 $0x0  }
0x12: {  	s1 =	sld [smem:$0x3F8E];
	s0 =	simm.s32 @p0 $0x1  }
0x13: {  	[smem:$0x3FA9] =	sst s0;
	s0 =	simm.s32 @!p1 $0x0  }
0x14: {  	s2 =	sld [smem:$0x3F8D];
	s0 =	simm.s32 @p1 $0x1  }
0x15: {  	[smem:$0x3FAA] =	sst s0;
	s0 =	simm.s32 @!p2 $0x0  }
0x16: {  	s3 =	sld [smem:$0x3FDB];
	s0 =	simm.s32 @p2 $0x1  }
0x17: {  	s4 =	simm.s32 $0x1BF5;
	[smem:$0x3FAC] =	sst s0  }
0x18: {  	s0 =	sld [smem:$0x3F8F];
	_ =	swait.ge [sflag:s4], $0x0  }
0x19: {  	s7 =	sld [smem:$0x3F90]  }
0x1a: {  	s8 =	sadd.s32 $0xFFFFE003, lr  }
0x1b: {  	s9 =	sadd.s32 $0xFFFFFEF7, lr;
	s5 =	simm.s32 $0xFFFFFFFF;
	p2 =	slt.u32 s8, $0xFFFFF086  }
0x1c: {  	p1 =	slt.u32 s9, $0xF7A;
	s5 =	simm.s32 @!p2 $0x0  }
0x1d: {  	s5 =	simm.s32 @p1 $0x1;
	p0 =	seq.s32 s7, s2  }
0x1e: {  	s7 =	smul.u32 @!p0 $0xF7A, s2;
	p2 =	seq.s32 @!p0 s5, $0x0  }
0x1f: {  	s9 =	smul.u32 $0xF7A, s1;
	s8 =	simm.s32 @!p0 $0x1BF5;
	p2 =	por !p2, p0  }
0x20: {  	[sflag:s8] =	ssyncset.s32 @!p0 $0xFFFFF086;
	s6 =	sadd.s32 @!p0 s3, s7;
	s7 =	simm.s32 @!p0 $0x108  }
0x21: {  	s3 =	sadd.s32 s3, s9;
	s6 =	sadd.s32 @!p0 $0x88, s6;
	s7 =	simm.s32 @p2 $0x1082  }
0x22: {  	[simem:s7], [sflag:s8] =	dma.local @!p0 [hbm:s6], $0xF7A  }
0x23: {  	s9 =	sor.u32 $0xD0000000, s2;
	s6 =	simm.s32 $0x108;
	_ =	swait.ge @!p0 [sflag:s8], $0x0  }
0x24: {  	s3 =	sadd.s32 $0x88, s3;
	s6 =	simm.s32 @!p1 $0x1082;
	[sflag:s4] =	ssyncset.s32 $0xFFFFF086  }
0x25: {  	[simem:s6], [sflag:s4] =	dma.local [hbm:s3], $0xF7A  }
0x26: {  	[smem:$0x3F90] =	sst s1;
	(tag) =	ssettag s2;
	_ =	strace s9  }
0x27: {  	s1 =	sld [smem:$0x3FA0]  }
0x28: {  	s2 =	sld [smem:$0x3FA1]  }
0x29: {  	s4 =	sld [smem:$0x3FA3]  }
0x2a: {  	p0 =	seq.s32 s5, $0x0;
	s5 =	sld [smem:$0x3FA4]  }
0x2b: {  	s6 =	sld [smem:$0x3FA5]  }
0x2c: {  	s7 =	sld [smem:$0x3FA6]  }
0x2d: {  	s3 =	simm.s32 $0x108;
	s8 =	sld [smem:$0x3FA7]  }
0x2e: {  	s3 =	simm.s32 @!p0 $0x1082;
	s9 =	sld [smem:$0x3FA8]  }
0x2f: {  	lr =	sadd.s32 s0, s3;
	s0 =	sld [smem:$0x3F9F]  }
0x30: {  	s3 =	sld [smem:$0x3FA2]  }
0x31: {  	[smem:$0x3FAB] =	sst s10  }
0x32: {  	s10 =	sld [smem:$0x3FA9];
	_ =	sdelay $0x3  }
0x33: {  	p0 =	seq.s32 s10, $0x1;
	s10 =	sld [smem:$0x3FAB];
	_ =	sdelay $0x3  }
0x34: {  	[smem:$0x3FAB] =	sst s10  }
0x35: {  	s10 =	sld [smem:$0x3FAA];
	_ =	sdelay $0x3  }
0x36: {  	p1 =	seq.s32 s10, $0x1;
	s10 =	sld [smem:$0x3FAB];
	_ =	sdelay $0x3  }
0x37: {  	[smem:$0x3FAB] =	sst s10  }
0x38: {  	s10 =	sld [smem:$0x3FAC]  }
0x39: {  	_ = 	snop;
	(pc) =	sbr.ind lr, $3  }
0x3a: {  	_ = 	snop  }
0x3b: {  	_ = 	snop  }
0x3c: {  	p2 =	seq.s32 s10, $0x1;
	s10 =	sld [smem:$0x3FAB]  }
0x3d: {  	_ =	shalt  }
0x3e: {  	_ =	shalt  }
0x3f: {  	_ =	shalt  }
0x40: {  	_ =	shalt  }
0x41: {  	_ =	shalt  }
0x42: {  	_ =	shalt  }
0x43: {  	_ =	shalt  }
0x44: {  	_ =	shalt  }
0x45: {  	_ =	shalt  }
0x46: {  	_ =	shalt  }
0x47: {  	_ =	shalt  }
0x48: {  	_ =	shalt  }
0x49: {  	_ =	shalt  }
0x4a: {  	_ =	shalt  }
0x4b: {  	_ =	shalt  }
0x4c: {  	_ =	shalt  }
0x4d: {  	_ =	shalt  }
0x4e: {  	_ =	shalt  }
0x4f: {  	_ =	shalt  }
0x50: {  	_ =	shalt  }
0x51: {  	_ =	shalt  }
0x52: {  	_ =	shalt  }
0x53: {  	_ =	shalt  }
0x54: {  	_ =	shalt  }
0x55: {  	_ =	shalt  }
0x56: {  	_ =	shalt  }
0x57: {  	_ =	shalt  }
0x58: {  	_ =	shalt  }
0x59: {  	_ =	shalt  }
0x5a: {  	_ =	shalt  }
0x5b: {  	_ =	shalt  }
0x5c: {  	_ =	shalt  }
0x5d: {  	_ =	shalt  }
0x5e: {  	_ =	shalt  }
0x5f: {  	_ =	shalt  }
0x60: {  	_ =	shalt  }
0x61: {  	_ =	shalt  }
0x62: {  	_ =	shalt  }
0x63: {  	_ =	shalt  }
0x64: {  	_ =	shalt  }
0x65: {  	_ =	shalt  }
0x66: {  	_ =	shalt  }
0x67: {  	_ =	shalt  }
0x68: {  	_ =	shalt  }
0x69: {  	_ =	shalt  }
0x6a: {  	_ =	shalt  }
0x6b: {  	_ =	shalt  }
0x6c: {  	_ =	shalt  }
0x6d: {  	_ =	shalt  }
0x6e: {  	_ =	shalt  }
0x6f: {  	_ =	shalt  }
0x70: {  	_ =	shalt  }
0x71: {  	_ =	shalt  }
0x72: {  	_ =	shalt  }
0x73: {  	_ =	shalt  }
0x74: {  	_ =	shalt  }
0x75: {  	_ =	shalt  }
0x76: {  	_ =	shalt  }
0x77: {  	_ =	shalt  }
0x78: {  	_ =	shalt  }
0x79: {  	_ =	shalt  }
0x7a: {  	_ =	shalt  }
0x7b: {  	_ =	shalt  }
0x7c: {  	_ =	shalt  }
0x7d: {  	_ =	shalt  }
0x7e: {  	_ =	shalt  }
0x7f: {  	_ =	shalt  }
0x80: {  	_ =	shalt  }
0x81: {  	_ =	shalt  }
0x82: {  	_ =	shalt  }
0x83: {  	_ =	shalt  }
0x84: {  	_ =	shalt  }
0x85: {  	_ =	shalt  }
0x86: {  	_ =	shalt  }
0x87: {  	_ =	shalt  }
.Lfunc_end0:
.L_simem_size_0:
called_computation.3_lowered:
.L_overlay_start_0:
0x88: {  	s2 =	sld [smem:$0x3FD9]  }
0x89: {  	s3 =	sld [smem:$0x3FFE];
	_ =	sdelay $0x1  }
0x8a: {  	s1 =	srdreg.scid  }
0x8b: {  	s0 =	sand.u32 $0x1, s1  }
0x8c: {  	s16 =	sshll.u32 s0, $0xA;
	s2 =	sadd.s32 s3, s2  }
0x8d: {  	s2 =	sadd.s32 s2, s16  }
0x8e: {  	[smem:$0x3FB7] =	sst s2  }
0x8f: {  	_ = 	snop  }
0x90: {  	(tm) =	ssettm $0x1  }
0x91: {  	s17 =	sld [smem:$0x3FFB];
	_ =	sdelay $0x3  }
0x92: {  	_ =	strace s17  }
0x93: {  	s2 =	sld [smem:$0x3FFC];
	_ =	sdelay $0x3  }
0x94: {  	_ =	strace s2  }
0x95: {  	s2 =	sld [smem:$0x3FFD];
	_ =	sdelay $0x3  }
0x96: {  	_ =	strace s2  }
0x97: {  	_ =	strace $0x8FFFFFFF  }
0x98: {  	s18 =	sld [smem:$0x3FDB];
	_ =	sdelay $0x1  }
0x99: {  	s19 =	simm.s32 $_scs_section_size  }
0x9a: {  	s4 =	simm.s32 $_size__tile_overlayer_lowered;
	s5 =	simm.s32 $_tile_overlayer_lowered  }
0x9b: {  	s22 =	simm.s32 $0x1BFF;
	s21 =	sshll.u32 s5, $0x1;
	s2 =	sadd.s32 s19, s18  }
0x9c: {  	s6 =	simm.s32 $0x0;
	s20 =	sshll.u32 s4, $0x1;
	s4 =	sadd.s32 s21, s2  }
0x9d: {  	[timem:s6], [sflag:s22] =	dma.local [hbm:s4], s20  }
0x9e: {  	_ =	swait.ge [sflag:s22], s20  }
0x9f: {  	s3 =	ssub.s32 $0x0, s20;
	[sflag:s22] =	ssyncset.done $0x0  }
0xa0: {  	[sflag:s22] =	ssyncadd.s32 s3;
	_ =	sdelay $0x1  }
0xa1: {  	s23 =	simm.s32 $0x1B8B  }
0xa2: {  	_ =	swait.ge [sflag:s23], $0x1  }
0xa3: {  	[sflag:s23] =	ssyncset.done $0x0  }
0xa4: {  	s25 =	simm.s32 $0x1B8E;
	s24 =	sld [smem:$0x3FFE];
	[sflag:s23] =	ssyncadd.s32 $0xFFFFFFFF  }
0xa5: {  	s26 =	simm.s32 $execute0_lowered;
	[smem:$0x3FD2] =	sst s25  }
0xa6: {  	s4 =	sshll.u32 s26, $0x1;
	_ =	strace $0x8000004F;
	[dreg:$0x1] =	wrdreg $0xFFFFFFFF  }
0xa7: {  	s28 =	simm.s32 $_size_execute0_lowered;
	s2 =	sadd.s32 s2, s4;
	[dreg:$0x0] =	wrdreg $0x0  }
0xa8: {  	s4 =	sshll.u32 s28, $0x1;
	[dreg:$0x2] =	wrdreg s2  }
0xa9: {  	[dreg:$0x3] =	wrdreg s4  }
0xaa: {  	[dreg:$0x4] =	wrdreg $0xC0  }
0xab: {  	_ =	task [dreg:s6], $0x5FFFF  }
0xac: {  	[dreg:$0x1] =	wrdreg $0xFFFFFFFF  }
0xad: {  	[dreg:$0x0] =	wrdreg $0x60  }
0xae: {  	[dreg:$0x2] =	wrdreg s24  }
0xaf: {  	[dreg:$0x3] =	wrdreg $0x51000  }
0xb0: {  	[dreg:$0x4] =	wrdreg $0x9  }
0xb1: {  	_ =	task.clear_ibuf [dreg:s6], $0x5FFFF;
	_ =	strace $0x9000004F  }
0xb2: {  	s29 =	simm.s32 $0x9;
	_ =	strace $0x80000051  }
0xb3: {  	_ =	swait.ge [sflag:s29], $0x1  }
0xb4: {  	[sflag:s29] =	ssyncadd.s32 $0xFFFFFFFF  }
0xb5: {  	_ =	strace $0x90000051  }
0xb6: {  	_ =	sfence  }
0xb7: {  	s30 =	sld [smem:$0x0];
	_ =	sdelay $0x2  }
0xb8: {  	s31 =	sshll.u32 s1, $0xD;
	s1 =	sshrl.u32 s1, $0x2  }
0xb9: {  	s3 =	sand.u32 $0x4000, s31;
	s1 =	sadd.s32 s1, s30  }
0xba: {  	s0 =	sor.u32 s3, s0;
	s1 =	sshll.u32 s1, $0x11  }
0xbb: {  	s0 =	sor.u32 s1, s0  }
0xbc: {  	s0 =	sadd.s32 $0x8F2B, s0  }
0xbd: {  	[sflag:s0] =	ssyncadd.remote.s32 $0x1  }
0xbe: {  	_ =	sfence.sel $0xFFFF  }
0xbf: {  	[dreg:$0x0] =	wrdreg $0xFFFFFFFF;
	(pc) =	sbr.abs _section_cstart, $3  }
0xc0: {  	[dreg:$0x1] =	wrdreg $0xFFFFFFFF  }
0xc1: {  	_ =	task.clear_ibuf [dreg:s6], $0x2FFFF;
	_ =	strace $0x9FFFFFFF  }
0xc2: {  	(tm) =	ssettm $0x7FFFFFFF  }
0xc3: {  	_ =	shalt  }
tec
execute0_lowered:
.L_overlay_start_1:
0x0: {  	(tag) =	ssettag $0x1  }
0x1: {  	s5 =	rddreg [dreg:$0x0]  }
0x2: {  	s0 =	srdreg.scid;
	s2 =	rddreg [dreg:$0x1]  }
0x3: {  	s1 =	stileid.u32;
	s3 =	simm.s32 $0x0;
	s18 =	simm.s32 $0x2900  }
0x4: {  	s19 =	simm.s32 $0x2;
	s20 =	simm.s32 $0x80;
	s21 =	simm.s32 $0x50  }
0x5: {  	s22 =	simm.s32 $0x100;
	s23 =	simm.s32 $0x1;
	s6 =	smul.u32 $0x4E20, s1  }
0x6: {  	s8 =	sand.u32 $0x1, s0;
	s0 =	rddreg [dreg:$0x2];
	s7 =	smul.u32 $0x50000, s1  }
0x7: {  	s24 =	simm.s32 $0x0;
	[smem:$0x7FF] =	sst s3;
	s12 =	smul.u32 $0x2800, s1  }
0x8: {  	s14 =	sadd.s32 $0x7AA00, s5;
	p0 =	seq.s32 s1, $0xF;
	s4 =	smul.u32 $0x4E200, s8  }
0x9: {  	_ =	strace $0x80000050;
	s30 =	ssub.s32 $0x2, s8;
	s13 =	smul.u32 $0x27100, s8  }
0xa: {  	s16 =	smul.u32 $0x138800, s8;
	s31 =	sshrl.u32 s30, $0x1;
	s7 =	sshrl.u32 s7, $0x2  }
0xb: {  	s6 =	sadd.s32 s6, s4;
	s4 =	sadd.s32 $0x5400, s5;
	s15 =	ssub.s32 s30, s31  }
0xc: {  	s13 =	sadd.s32 s12, s13;
	s16 =	sshrl.u32 s16, $0x3;
	s6 =	sshrl.u32 s6, $0x3  }
0xd: {  	s13 =	sadd.s32 s14, s13;
	s14 =	sadd.s32 s14, s16;
	s15 =	smax.u32 s15, $0x1  }
0xe: {  	s17 =	sadd.s32 s6, s5;
	s5 =	sadd.s32 s7, s2;
	s14 =	sadd.s32 $0x25800, s14  }
0xf: {  	s6 =	sadd.s32 $0x2800, s5;
	s7 =	sadd.s32 $0x5000, s5;
	s8 =	sadd.s32 $0x7800, s5  }
0x10: {  	s9 =	sadd.s32 $0xA000, s5;
	s10 =	sadd.s32 $0xC800, s5;
	s11 =	sadd.s32 $0xF000, s5  }
0x11: {  	v0 =	vimm.f32 $0.0e+00;
	s12 =	sadd.s32 $0x11800, s5;
	s16 =	sadd.s32 $0x67000, s17;
	s17 =	sadd.s32 $0x53600, s17  }
.LBB2_1:
0x12: {  	s25 =	simm.s32 $0x0;
	s26 =	simm.s32 $0x200  }
.LBB2_2:
0x13: {  	p1 =	sne.s32 s26, $0x9E00;
	[tilespmem:s25+$0x2970] =	vst v0  }
0x14: {  	[tilespmem:s25+$0x2900] =	vst v0  }
0x15: {  	[tilespmem:s25+$0x2910] =	vst v0  }
.Ltmp0:
0x16: {  	[tilespmem:s25+$0x2920] =	vst v0;
	(pc) =	sbr.rel @p1 .LBB2_2-.Ltmp0, $4  }
0x17: {  	[tilespmem:s25+$0x2930] =	vst v0  }
0x18: {  	[tilespmem:s25+$0x2940] =	vst v0  }
0x19: {  	[tilespmem:s25+$0x2950] =	vst v0  }
0x1a: {  	[tilespmem:s25+$0x2960] =	vst v0;
	s25 =	sshra.s32 s26, $0x2;
	s26 =	sadd.s32 $0x200, s26  }
0x1b: {  	[tilespmem:s25+$0x2970] =	vst v0  }
0x1c: {  	[tilespmem:s25+$0x2900] =	vst v0  }
0x1d: {  	[tilespmem:s25+$0x2910] =	vst v0  }
0x1e: {  	[tilespmem:s25+$0x2920] =	vst v0  }
0x1f: {  	[tilespmem:s25+$0x2930] =	vst v0  }
0x20: {  	[tilespmem:s25+$0x2940] =	vst v0  }
0x21: {  	[tilespmem:s25+$0x2950] =	vst v0  }
0x22: {  	[tilespmem:s25+$0x2960] =	vst v0  }
0x23: {  	[spmem:s5] =	stream.linear.scatter [tilespmem:s18], [sflag:$0x2], $0x2800, $0x38;
	[tilespmem:$0x19100] =	vst v63  }
0x24: {  	_ =	swait.ge [sflag:s19], $0x2800  }
0x25: {  	[sflag:s19] =	ssyncset.done $0x0  }
0x26: {  	[sflag:s19] =	ssyncadd.s32 $0xFFFFD800  }
0x27: {  	[spmem:s6] =	stream.linear.scatter [tilespmem:s18], [sflag:$0x2], $0x2800, $0x38;
	[tilespmem:$0x19100] =	vst v63  }
0x28: {  	_ =	swait.ge [sflag:s19], $0x2800  }
0x29: {  	[sflag:s19] =	ssyncset.done $0x0  }
0x2a: {  	[sflag:s19] =	ssyncadd.s32 $0xFFFFD800  }
0x2b: {  	[spmem:s7] =	stream.linear.scatter [tilespmem:s18], [sflag:$0x2], $0x2800, $0x38;
	[tilespmem:$0x19100] =	vst v63  }
0x2c: {  	_ =	swait.ge [sflag:s19], $0x2800  }
0x2d: {  	[sflag:s19] =	ssyncset.done $0x0  }
0x2e: {  	[sflag:s19] =	ssyncadd.s32 $0xFFFFD800  }
0x2f: {  	[spmem:s8] =	stream.linear.scatter [tilespmem:s18], [sflag:$0x2], $0x2800, $0x38;
	[tilespmem:$0x19100] =	vst v63  }
0x30: {  	_ =	swait.ge [sflag:s19], $0x2800  }
0x31: {  	[sflag:s19] =	ssyncset.done $0x0  }
0x32: {  	[sflag:s19] =	ssyncadd.s32 $0xFFFFD800  }
0x33: {  	[spmem:s9] =	stream.linear.scatter [tilespmem:s18], [sflag:$0x2], $0x2800, $0x38;
	[tilespmem:$0x19100] =	vst v63  }
0x34: {  	_ =	swait.ge [sflag:s19], $0x2800  }
0x35: {  	[sflag:s19] =	ssyncset.done $0x0  }
0x36: {  	[sflag:s19] =	ssyncadd.s32 $0xFFFFD800  }
0x37: {  	[spmem:s10] =	stream.linear.scatter [tilespmem:s18], [sflag:$0x2], $0x2800, $0x38;
	[tilespmem:$0x19100] =	vst v63  }
0x38: {  	_ =	swait.ge [sflag:s19], $0x2800  }
0x39: {  	[sflag:s19] =	ssyncset.done $0x0  }
0x3a: {  	[sflag:s19] =	ssyncadd.s32 $0xFFFFD800  }
0x3b: {  	[spmem:s11] =	stream.linear.scatter [tilespmem:s18], [sflag:$0x2], $0x2800, $0x38;
	[tilespmem:$0x19100] =	vst v63  }
0x3c: {  	_ =	swait.ge [sflag:s19], $0x2800  }
0x3d: {  	[sflag:s19] =	ssyncset.done $0x0  }
0x3e: {  	[sflag:s19] =	ssyncadd.s32 $0xFFFFD800  }
0x3f: {  	[spmem:s12] =	stream.linear.scatter [tilespmem:s18], [sflag:$0x2], $0x2800, $0x38;
	[tilespmem:$0x19100] =	vst v63  }
0x40: {  	_ =	swait.ge [sflag:s19], $0x2800  }
0x41: {  	[sflag:s19] =	ssyncset.done $0x0  }
0x42: {  	[sflag:s19] =	ssyncadd.s32 $0xFFFFD800  }
0x43: {  	s30 =	sadd.s32 $0x0, s17;
	[bflag:$0x0] =	sbarrier.arrive $0xFFFF  }
0x44: {  	[tilespmem:s3], [sflag:$0x2] =	stream.linear.gather [hbm4b:s30+s3], $0x50, $0x38;
	[tilespmem:$0x19100] =	vst v63  }
0x45: {  	_ =	swait.ge [sflag:s19], $0x50  }
0x46: {  	[sflag:s19] =	ssyncset.done $0x0  }
0x47: {  	s31 =	sadd.s32 $0x0, s16;
	[sflag:s19] =	ssyncadd.s32 $0xFFFFFFB0  }
0x48: {  	[tilespmem:s20], [sflag:$0x2] =	stream.linear.gather [hbm4b:s31+s3], $0x50, $0x38;
	[tilespmem:$0x19100] =	vst v63  }
0x49: {  	_ =	swait.ge [sflag:s19], $0x50  }
0x4a: {  	[sflag:s19] =	ssyncset.done $0x0  }
0x4b: {  	[sflag:s19] =	ssyncadd.s32 $0xFFFFFFB0  }
0x4c: {  	[tilespmem:s22], [sflag:$0x1] =	stream.indirect.gather [hbm4b:s4+s21], $0x80, s3, s21, $0xb8;
	[tilespmem:$0x19100] =	vst v63  }
0x4d: {  	_ =	swait.ge [sflag:s23], $0x2800  }
0x4e: {  	[sflag:s23] =	ssyncset.done $0x0  }
0x4f: {  	[sflag:s23] =	ssyncadd.s32 $0xFFFFD800  }
0x50: {  	[spmem:s2] =	stream.indirect.scatter.add.f32 [tilespmem:s22], [sflag:$0x2], $0x80, s20, s21, $0xb8;
	[tilespmem:$0x19100] =	vst v63  }
0x51: {  	_ =	swait.ge [sflag:s19], $0x2800  }
0x52: {  	s25 =	simm.s32 $0xA;
	s26 =	simm.s32 $0x14;
	[sflag:s19] =	ssyncset.done $0x0  }
.LBB2_4:
0x53: {  	s28 =	sadd.s32 s25, s17  }
0x54: {  	[sflag:s19] =	ssyncadd.s32 $0xFFFFD800;
	s29 =	smov.u32 s26;
	s30 =	sadd.s32 $0xA, s26  }
0x55: {  	[tilespmem:s3], [sflag:$0x2] =	stream.linear.gather [hbm4b:s28+s3], $0x50, $0x38;
	[tilespmem:$0x19100] =	vst v63  }
0x56: {  	p1 =	sne.s32 s26, $0x9BA;
	_ =	swait.ge [sflag:s19], $0x50  }
0x57: {  	[sflag:s19] =	ssyncset.done $0x0  }
0x58: {  	s26 =	sadd.s32 s25, s16;
	s25 =	smov.u32 s29;
	[sflag:s19] =	ssyncadd.s32 $0xFFFFFFB0  }
0x59: {  	[tilespmem:s20], [sflag:$0x2] =	stream.linear.gather [hbm4b:s26+s3], $0x50, $0x38;
	[tilespmem:$0x19100] =	vst v63  }
0x5a: {  	_ =	swait.ge [sflag:s19], $0x50  }
0x5b: {  	[sflag:s19] =	ssyncset.done $0x0  }
0x5c: {  	[sflag:s19] =	ssyncadd.s32 $0xFFFFFFB0  }
0x5d: {  	[tilespmem:s22], [sflag:$0x1] =	stream.indirect.gather [hbm4b:s4+s21], $0x80, s3, s21, $0xb8;
	[tilespmem:$0x19100] =	vst v63  }
0x5e: {  	_ =	swait.ge [sflag:s23], $0x2800  }
.Ltmp1:
0x5f: {  	[sflag:s23] =	ssyncset.done $0x0;
	(pc) =	sbr.rel @p1 .LBB2_4-.Ltmp1, $4  }
0x60: {  	[sflag:s23] =	ssyncadd.s32 $0xFFFFD800  }
0x61: {  	[spmem:s2] =	stream.indirect.scatter.add.f32 [tilespmem:s22], [sflag:$0x2], $0x80, s20, s21, $0xb8;
	[tilespmem:$0x19100] =	vst v63  }
0x62: {  	_ =	swait.ge [sflag:s19], $0x2800  }
0x63: {  	s26 =	smov.u32 s30;
	[sflag:s19] =	ssyncset.done $0x0  }
0x64: {  	s26 =	sadd.s32 s25, s17;
	[sflag:s19] =	ssyncadd.s32 $0xFFFFD800  }
0x65: {  	[tilespmem:s3], [sflag:$0x2] =	stream.linear.gather [hbm4b:s26+s3], $0x50, $0x38;
	[tilespmem:$0x19100] =	vst v63  }
0x66: {  	_ =	swait.ge [sflag:s19], $0x50  }
0x67: {  	[sflag:s19] =	ssyncset.done $0x0  }
0x68: {  	s31 =	sadd.s32 s25, s16;
	[sflag:s19] =	ssyncadd.s32 $0xFFFFFFB0  }
0x69: {  	[tilespmem:s20], [sflag:$0x2] =	stream.linear.gather [hbm4b:s31+s3], $0x50, $0x38;
	[tilespmem:$0x19100] =	vst v63  }
0x6a: {  	_ =	swait.ge [sflag:s19], $0x50  }
0x6b: {  	[sflag:s19] =	ssyncset.done $0x0  }
0x6c: {  	[sflag:s19] =	ssyncadd.s32 $0xFFFFFFB0  }
0x6d: {  	[tilespmem:s22], [sflag:$0x1] =	stream.indirect.gather [hbm4b:s4+s21], $0x80, s3, s21, $0xb8;
	[tilespmem:$0x19100] =	vst v63  }
0x6e: {  	_ =	swait.ge [sflag:s23], $0x2800  }
0x6f: {  	[sflag:s23] =	ssyncset.done $0x0  }
0x70: {  	[sflag:s23] =	ssyncadd.s32 $0xFFFFD800  }
0x71: {  	[spmem:s2] =	stream.indirect.scatter.add.f32 [tilespmem:s22], [sflag:$0x2], $0x80, s20, s21, $0xb8;
	[tilespmem:$0x19100] =	vst v63  }
0x72: {  	_ =	swait.ge [sflag:s19], $0x2800  }
0x73: {  	[sflag:s19] =	ssyncset.done $0x0  }
0x74: {  	[sflag:s19] =	ssyncadd.s32 $0xFFFFD800  }
0x75: {  	s25 =	sshrl.u32 @p0 s5, $0x3;
	s26 =	simm.s32 @p0 $0x1FC2;
	[bflag:$0x0] =	sbarrier.arrive $0xFFFF  }
0x76: {  	[hbm:s14], [sflag:s26] =	dma.local @p0 [spmem:s25], $0x1900  }
0x77: {  	s25 =	simm.s32 @p0 $0x2  }
0x78: {  	s24 =	sadd.s32 $0x1, s24;
	_ =	swait.ge @p0 [sflag:s25], $0x1900  }
0x79: {  	p1 =	sne.s32 s24, s15;
	s26 =	sshll.u32 @!p0 s1, $0x6;
	[sflag:s25] =	ssyncset.done @p0 $0x0  }
0x7a: {  	[sflag:s25] =	ssyncadd.s32 @p0 $0xFFFFE700;
	s25 =	sor.u32 @!p0 $0x1C02, s26;
	s26 =	sshrl.u32 @!p0 s5, $0x3  }
0x7b: {  	[hbm:s13], [sflag:s25] =	dma.local @!p0 [spmem:s26], $0x2800  }
.Ltmp2:
0x7c: {  	_ = 	snop;
	(pc) =	sbr.rel @p1 .LBB2_1-.Ltmp2, $4  }
0x7d: {  	s25 =	simm.s32 @!p0 $0x2  }
0x7e: {  	_ =	swait.ge @!p0 [sflag:s25], $0x2800  }
0x7f: {  	[sflag:s25] =	ssyncset.done @!p0 $0x0  }
0x80: {  	[sflag:s25] =	ssyncadd.s32 @!p0 $0xFFFFD800  }
0x81: {  	_ =	sfence.sel $0x180000  }
0x82: {  	[bflag:$0x0] =	sbarrier.arrive $0xFFFF  }
0x83: {  	p0 =	sne.s32 s1, $0x0;
	_ =	strace $0x90000050  }
0x84: {  	s0 =	sadd.s32 @!p0 $0x100000, s0;
	[bflag:$0x2] =	sbarrier.arrive $0xFFFF  }
0x85: {  	[sflag:s0] =	ssyncadd.tile.s32 @!p0 $0x1;
	_ =	shalt  }
.Lfunc_end2:
_tile_overlayer_lowered:
.L_overlay_start_2:
0x86: {  	(tag) =	ssettag $0x2  }
0x87: {  	s0 =	rddreg [dreg:$0x0];
	s2 =	stileid.u32  }
0x88: {  	s1 =	rddreg [dreg:$0x1];
	p0 =	sne.s32 s2, $0x0  }
0x89: {  	s3 =	rddreg [dreg:$0x2];
	[bflag:$0x3] =	sbarrier.arrive $0xFFFF;
	s2 =	simm.s32 @!p0 $0x1C02  }
0x8a: {  	[timem:s3], [sflag:s2] =	dma.local @!p0 [hbm:s0], s1  }
0x8b: {  	s0 =	simm.s32 @!p0 $0x2  }
0x8c: {  	_ =	swait.ge @!p0 [sflag:s0], s1  }
0x8d: {  	s1 =	ssub.s32 @!p0 $0x0, s1;
	[sflag:s0] =	ssyncset.done @!p0 $0x0  }
0x8e: {  	[sflag:s0] =	ssyncadd.s32 @!p0 s1  }
0x8f: {  	[bflag:$0x3] =	sbarrier.arrive $0xFFFF  }
0x90: {  	_ =	shalt  }

// kernel: kernel.25.cloned.1.call-start
scs
__scs_entry_jumppad:
0x0: {  	(pc) =	sbr.rel $0x88, $3  }
0x1: {  	(tag) =	ssettag $0x0;
	lr =	simm.s32 $0x1  }
0x2: {  	[smem:$0x3F90] =	sst lr;
	_ =	strace $0xD0000000  }
0x3: {  	_ = 	snop  }
0x4: {  	_ = 	snop  }
0x5: {  	_ = 	snop  }
0x6: {  	_ = 	snop  }
0x7: {  	_ = 	snop  }
__scs_overlays_trampoline_lowered:
0x8: {  	[smem:$0x3F9F] =	sst s0  }
0x9: {  	[smem:$0x3FA0] =	sst s1  }
0xa: {  	[smem:$0x3FA1] =	sst s2  }
0xb: {  	[smem:$0x3FA2] =	sst s3  }
0xc: {  	[smem:$0x3FA3] =	sst s4  }
0xd: {  	[smem:$0x3FA4] =	sst s5  }
0xe: {  	[smem:$0x3FA5] =	sst s6  }
0xf: {  	[smem:$0x3FA6] =	sst s7  }
0x10: {  	[smem:$0x3FA7] =	sst s8  }
0x11: {  	[smem:$0x3FA8] =	sst s9;
	s0 =	simm.s32 @!p0 $0x0  }
0x12: {  	s1 =	sld [smem:$0x3F8E];
	s0 =	simm.s32 @p0 $0x1  }
0x13: {  	[smem:$0x3FA9] =	sst s0;
	s0 =	simm.s32 @!p1 $0x0  }
0x14: {  	s2 =	sld [smem:$0x3F8D];
	s0 =	simm.s32 @p1 $0x1  }
0x15: {  	[smem:$0x3FAA] =	sst s0;
	s0 =	simm.s32 @!p2 $0x0  }
0x16: {  	s3 =	sld [smem:$0x3FDB];
	s0 =	simm.s32 @p2 $0x1  }
0x17: {  	s4 =	simm.s32 $0x1BF5;
	[smem:$0x3FAC] =	sst s0  }
0x18: {  	s0 =	sld [smem:$0x3F8F];
	_ =	swait.ge [sflag:s4], $0x0  }
0x19: {  	s7 =	sld [smem:$0x3F90]  }
0x1a: {  	s8 =	sadd.s32 $0xFFFFE003, lr  }
0x1b: {  	s9 =	sadd.s32 $0xFFFFFEF7, lr;
	s5 =	simm.s32 $0xFFFFFFFF;
	p2 =	slt.u32 s8, $0xFFFFF086  }
0x1c: {  	p1 =	slt.u32 s9, $0xF7A;
	s5 =	simm.s32 @!p2 $0x0  }
0x1d: {  	s5 =	simm.s32 @p1 $0x1;
	p0 =	seq.s32 s7, s2  }
0x1e: {  	s7 =	smul.u32 @!p0 $0xF7A, s2;
	p2 =	seq.s32 @!p0 s5, $0x0  }
0x1f: {  	s9 =	smul.u32 $0xF7A, s1;
	s8 =	simm.s32 @!p0 $0x1BF5;
	p2 =	por !p2, p0  }
0x20: {  	[sflag:s8] =	ssyncset.s32 @!p0 $0xFFFFF086;
	s6 =	sadd.s32 @!p0 s3, s7;
	s7 =	simm.s32 @!p0 $0x108  }
0x21: {  	s3 =	sadd.s32 s3, s9;
	s6 =	sadd.s32 @!p0 $0x88, s6;
	s7 =	simm.s32 @p2 $0x1082  }
0x22: {  	[simem:s7], [sflag:s8] =	dma.local @!p0 [hbm:s6], $0xF7A  }
0x23: {  	s9 =	sor.u32 $0xD0000000, s2;
	s6 =	simm.s32 $0x108;
	_ =	swait.ge @!p0 [sflag:s8], $0x0  }
0x24: {  	s3 =	sadd.s32 $0x88, s3;
	s6 =	simm.s32 @!p1 $0x1082;
	[sflag:s4] =	ssyncset.s32 $0xFFFFF086  }
0x25: {  	[simem:s6], [sflag:s4] =	dma.local [hbm:s3], $0xF7A  }
0x26: {  	[smem:$0x3F90] =	sst s1;
	(tag) =	ssettag s2;
	_ =	strace s9  }
0x27: {  	s1 =	sld [smem:$0x3FA0]  }
0x28: {  	s2 =	sld [smem:$0x3FA1]  }
0x29: {  	s4 =	sld [smem:$0x3FA3]  }
0x2a: {  	p0 =	seq.s32 s5, $0x0;
	s5 =	sld [smem:$0x3FA4]  }
0x2b: {  	s6 =	sld [smem:$0x3FA5]  }
0x2c: {  	s7 =	sld [smem:$0x3FA6]  }
0x2d: {  	s3 =	simm.s32 $0x108;
	s8 =	sld [smem:$0x3FA7]  }
0x2e: {  	s3 =	simm.s32 @!p0 $0x1082;
	s9 =	sld [smem:$0x3FA8]  }
0x2f: {  	lr =	sadd.s32 s0, s3;
	s0 =	sld [smem:$0x3F9F]  }
0x30: {  	s3 =	sld [smem:$0x3FA2]  }
0x31: {  	[smem:$0x3FAB] =	sst s10  }
0x32: {  	s10 =	sld [smem:$0x3FA9];
	_ =	sdelay $0x3  }
0x33: {  	p0 =	seq.s32 s10, $0x1;
	s10 =	sld [smem:$0x3FAB];
	_ =	sdelay $0x3  }
0x34: {  	[smem:$0x3FAB] =	sst s10  }
0x35: {  	s10 =	sld [smem:$0x3FAA];
	_ =	sdelay $0x3  }
0x36: {  	p1 =	seq.s32 s10, $0x1;
	s10 =	sld [smem:$0x3FAB];
	_ =	sdelay $0x3  }
0x37: {  	[smem:$0x3FAB] =	sst s10  }
0x38: {  	s10 =	sld [smem:$0x3FAC]  }
0x39: {  	_ = 	snop;
	(pc) =	sbr.ind lr, $3  }
0x3a: {  	_ = 	snop  }
0x3b: {  	_ = 	snop  }
0x3c: {  	p2 =	seq.s32 s10, $0x1;
	s10 =	sld [smem:$0x3FAB]  }
0x3d: {  	_ =	shalt  }
0x3e: {  	_ =	shalt  }
0x3f: {  	_ =	shalt  }
0x40: {  	_ =	shalt  }
0x41: {  	_ =	shalt  }
0x42: {  	_ =	shalt  }
0x43: {  	_ =	shalt  }
0x44: {  	_ =	shalt  }
0x45: {  	_ =	shalt  }
0x46: {  	_ =	shalt  }
0x47: {  	_ =	shalt  }
0x48: {  	_ =	shalt  }
0x49: {  	_ =	shalt  }
0x4a: {  	_ =	shalt  }
0x4b: {  	_ =	shalt  }
0x4c: {  	_ =	shalt  }
0x4d: {  	_ =	shalt  }
0x4e: {  	_ =	shalt  }
0x4f: {  	_ =	shalt  }
0x50: {  	_ =	shalt  }
0x51: {  	_ =	shalt  }
0x52: {  	_ =	shalt  }
0x53: {  	_ =	shalt  }
0x54: {  	_ =	shalt  }
0x55: {  	_ =	shalt  }
0x56: {  	_ =	shalt  }
0x57: {  	_ =	shalt  }
0x58: {  	_ =	shalt  }
0x59: {  	_ =	shalt  }
0x5a: {  	_ =	shalt  }
0x5b: {  	_ =	shalt  }
0x5c: {  	_ =	shalt  }
0x5d: {  	_ =	shalt  }
0x5e: {  	_ =	shalt  }
0x5f: {  	_ =	shalt  }
0x60: {  	_ =	shalt  }
0x61: {  	_ =	shalt  }
0x62: {  	_ =	shalt  }
0x63: {  	_ =	shalt  }
0x64: {  	_ =	shalt  }
0x65: {  	_ =	shalt  }
0x66: {  	_ =	shalt  }
0x67: {  	_ =	shalt  }
0x68: {  	_ =	shalt  }
0x69: {  	_ =	shalt  }
0x6a: {  	_ =	shalt  }
0x6b: {  	_ =	shalt  }
0x6c: {  	_ =	shalt  }
0x6d: {  	_ =	shalt  }
0x6e: {  	_ =	shalt  }
0x6f: {  	_ =	shalt  }
0x70: {  	_ =	shalt  }
0x71: {  	_ =	shalt  }
0x72: {  	_ =	shalt  }
0x73: {  	_ =	shalt  }
0x74: {  	_ =	shalt  }
0x75: {  	_ =	shalt  }
0x76: {  	_ =	shalt  }
0x77: {  	_ =	shalt  }
0x78: {  	_ =	shalt  }
0x79: {  	_ =	shalt  }
0x7a: {  	_ =	shalt  }
0x7b: {  	_ =	shalt  }
0x7c: {  	_ =	shalt  }
0x7d: {  	_ =	shalt  }
0x7e: {  	_ =	shalt  }
0x7f: {  	_ =	shalt  }
0x80: {  	_ =	shalt  }
0x81: {  	_ =	shalt  }
0x82: {  	_ =	shalt  }
0x83: {  	_ =	shalt  }
0x84: {  	_ =	shalt  }
0x85: {  	_ =	shalt  }
0x86: {  	_ =	shalt  }
0x87: {  	_ =	shalt  }
.Lfunc_end0:
.L_simem_size_0:
called_computation.4_lowered:
.L_overlay_start_0:
0x88: {  	s2 =	sld [smem:$0x3FD9]  }
0x89: {  	s3 =	sld [smem:$0x3FFE];
	_ =	sdelay $0x1  }
0x8a: {  	s1 =	srdreg.scid  }
0x8b: {  	s0 =	sand.u32 $0x1, s1  }
0x8c: {  	s16 =	sshll.u32 s0, $0xA;
	s2 =	sadd.s32 s3, s2  }
0x8d: {  	s2 =	sadd.s32 s2, s16  }
0x8e: {  	[smem:$0x3FB7] =	sst s2  }
0x8f: {  	_ = 	snop  }
0x90: {  	(tm) =	ssettm $0x1  }
0x91: {  	s17 =	sld [smem:$0x3FFB];
	_ =	sdelay $0x3  }
0x92: {  	_ =	strace s17  }
0x93: {  	s2 =	sld [smem:$0x3FFC];
	_ =	sdelay $0x3  }
0x94: {  	_ =	strace s2  }
0x95: {  	s2 =	sld [smem:$0x3FFD];
	_ =	sdelay $0x3  }
0x96: {  	_ =	strace s2  }
0x97: {  	_ =	strace $0x8FFFFFFF  }
0x98: {  	s18 =	sld [smem:$0x3FDB];
	_ =	sdelay $0x1  }
0x99: {  	s19 =	simm.s32 $_scs_section_size  }
0x9a: {  	s4 =	simm.s32 $_size__tile_overlayer_lowered;
	s5 =	simm.s32 $_tile_overlayer_lowered  }
0x9b: {  	s22 =	simm.s32 $0x1BFF;
	s21 =	sshll.u32 s5, $0x1;
	s2 =	sadd.s32 s19, s18  }
0x9c: {  	s6 =	simm.s32 $0x0;
	s20 =	sshll.u32 s4, $0x1;
	s4 =	sadd.s32 s21, s2  }
0x9d: {  	[timem:s6], [sflag:s22] =	dma.local [hbm:s4], s20  }
0x9e: {  	_ =	swait.ge [sflag:s22], s20  }
0x9f: {  	s3 =	ssub.s32 $0x0, s20;
	[sflag:s22] =	ssyncset.done $0x0  }
0xa0: {  	[sflag:s22] =	ssyncadd.s32 s3;
	_ =	sdelay $0x1  }
0xa1: {  	s23 =	simm.s32 $0x1B8B  }
0xa2: {  	_ =	swait.ge [sflag:s23], $0x1  }
0xa3: {  	[sflag:s23] =	ssyncset.done $0x0  }
0xa4: {  	s25 =	simm.s32 $0x1B8E;
	s24 =	sld [smem:$0x3FFE];
	[sflag:s23] =	ssyncadd.s32 $0xFFFFFFFF  }
0xa5: {  	s26 =	simm.s32 $execute0_lowered;
	[smem:$0x3FD2] =	sst s25  }
0xa6: {  	s4 =	sshll.u32 s26, $0x1;
	_ =	strace $0x80000052;
	[dreg:$0x1] =	wrdreg $0xFFFFFFFF  }
0xa7: {  	s28 =	simm.s32 $_size_execute0_lowered;
	s2 =	sadd.s32 s2, s4;
	[dreg:$0x0] =	wrdreg $0x0  }
0xa8: {  	s4 =	sshll.u32 s28, $0x1;
	[dreg:$0x2] =	wrdreg s2  }
0xa9: {  	[dreg:$0x3] =	wrdreg s4  }
0xaa: {  	[dreg:$0x4] =	wrdreg $0xC0  }
0xab: {  	_ =	task [dreg:s6], $0x5FFFF  }
0xac: {  	[dreg:$0x1] =	wrdreg $0xFFFFFFFF  }
0xad: {  	[dreg:$0x0] =	wrdreg $0x60  }
0xae: {  	[dreg:$0x2] =	wrdreg s24  }
0xaf: {  	[dreg:$0x3] =	wrdreg $0x51000  }
0xb0: {  	[dreg:$0x4] =	wrdreg $0x9  }
0xb1: {  	_ =	task.clear_ibuf [dreg:s6], $0x5FFFF;
	_ =	strace $0x90000052  }
0xb2: {  	s29 =	simm.s32 $0x9;
	_ =	strace $0x80000054  }
0xb3: {  	_ =	swait.ge [sflag:s29], $0x1  }
0xb4: {  	[sflag:s29] =	ssyncadd.s32 $0xFFFFFFFF  }
0xb5: {  	_ =	strace $0x90000054  }
0xb6: {  	_ =	sfence  }
0xb7: {  	s30 =	sld [smem:$0x0];
	_ =	sdelay $0x2  }
0xb8: {  	s31 =	sshll.u32 s1, $0xD;
	s1 =	sshrl.u32 s1, $0x2  }
0xb9: {  	s3 =	sand.u32 $0x4000, s31;
	s1 =	sadd.s32 s1, s30  }
0xba: {  	s0 =	sor.u32 s3, s0;
	s1 =	sshll.u32 s1, $0x11  }
0xbb: {  	s0 =	sor.u32 s1, s0  }
0xbc: {  	s0 =	sadd.s32 $0x8F2B, s0  }
0xbd: {  	[sflag:s0] =	ssyncadd.remote.s32 $0x1  }
0xbe: {  	_ =	sfence.sel $0xFFFF  }
0xbf: {  	[dreg:$0x0] =	wrdreg $0xFFFFFFFF;
	(pc) =	sbr.abs _section_cstart, $3  }
0xc0: {  	[dreg:$0x1] =	wrdreg $0xFFFFFFFF  }
0xc1: {  	_ =	task.clear_ibuf [dreg:s6], $0x2FFFF;
	_ =	strace $0x9FFFFFFF  }
0xc2: {  	(tm) =	ssettm $0x7FFFFFFF  }
0xc3: {  	_ =	shalt  }
tec
execute0_lowered:
.L_overlay_start_1:
0x0: {  	(tag) =	ssettag $0x1  }
0x1: {  	s5 =	rddreg [dreg:$0x0]  }
0x2: {  	s0 =	srdreg.scid;
	s2 =	rddreg [dreg:$0x1]  }
0x3: {  	s1 =	stileid.u32;
	s3 =	simm.s32 $0x0;
	s18 =	simm.s32 $0x2900  }
0x4: {  	s19 =	simm.s32 $0x2;
	s20 =	simm.s32 $0x80;
	s21 =	simm.s32 $0x50  }
0x5: {  	s22 =	simm.s32 $0x100;
	s23 =	simm.s32 $0x1;
	s6 =	smul.u32 $0x4E20, s1  }
0x6: {  	s8 =	sand.u32 $0x1, s0;
	s0 =	rddreg [dreg:$0x2];
	s7 =	smul.u32 $0x50000, s1  }
0x7: {  	s24 =	simm.s32 $0x0;
	[smem:$0x7FF] =	sst s3;
	s12 =	smul.u32 $0x2800, s1  }
0x8: {  	s14 =	sadd.s32 $0x7AA00, s5;
	p0 =	seq.s32 s1, $0xF;
	s4 =	smul.u32 $0x4E200, s8  }
0x9: {  	_ =	strace $0x80000053;
	s30 =	ssub.s32 $0x2, s8;
	s13 =	smul.u32 $0x27100, s8  }
0xa: {  	s16 =	smul.u32 $0x138800, s8;
	s31 =	sshrl.u32 s30, $0x1;
	s7 =	sshrl.u32 s7, $0x2  }
0xb: {  	s6 =	sadd.s32 s6, s4;
	s4 =	sadd.s32 $0x5400, s5;
	s15 =	ssub.s32 s30, s31  }
0xc: {  	s13 =	sadd.s32 s12, s13;
	s16 =	sshrl.u32 s16, $0x3;
	s6 =	sshrl.u32 s6, $0x3  }
0xd: {  	s13 =	sadd.s32 s14, s13;
	s14 =	sadd.s32 s14, s16;
	s15 =	smax.u32 s15, $0x1  }
0xe: {  	s17 =	sadd.s32 s6, s5;
	s5 =	sadd.s32 s7, s2;
	s14 =	sadd.s32 $0x25800, s14  }
0xf: {  	s6 =	sadd.s32 $0x2800, s5;
	s7 =	sadd.s32 $0x5000, s5;
	s8 =	sadd.s32 $0x7800, s5  }
0x10: {  	s9 =	sadd.s32 $0xA000, s5;
	s10 =	sadd.s32 $0xC800, s5;
	s11 =	sadd.s32 $0xF000, s5  }
0x11: {  	v0 =	vimm.f32 $0.0e+00;
	s12 =	sadd.s32 $0x11800, s5;
	s16 =	sadd.s32 $0x67000, s17;
	s17 =	sadd.s32 $0x53600, s17  }
.LBB2_1:
0x12: {  	s25 =	simm.s32 $0x0;
	s26 =	simm.s32 $0x200  }
.LBB2_2:
0x13: {  	p1 =	sne.s32 s26, $0x9E00;
	[tilespmem:s25+$0x2970] =	vst v0  }
0x14: {  	[tilespmem:s25+$0x2900] =	vst v0  }
0x15: {  	[tilespmem:s25+$0x2910] =	vst v0  }
.Ltmp0:
0x16: {  	[tilespmem:s25+$0x2920] =	vst v0;
	(pc) =	sbr.rel @p1 .LBB2_2-.Ltmp0, $4  }
0x17: {  	[tilespmem:s25+$0x2930] =	vst v0  }
0x18: {  	[tilespmem:s25+$0x2940] =	vst v0  }
0x19: {  	[tilespmem:s25+$0x2950] =	vst v0  }
0x1a: {  	[tilespmem:s25+$0x2960] =	vst v0;
	s25 =	sshra.s32 s26, $0x2;
	s26 =	sadd.s32 $0x200, s26  }
0x1b: {  	[tilespmem:s25+$0x2970] =	vst v0  }
0x1c: {  	[tilespmem:s25+$0x2900] =	vst v0  }
0x1d: {  	[tilespmem:s25+$0x2910] =	vst v0  }
0x1e: {  	[tilespmem:s25+$0x2920] =	vst v0  }
0x1f: {  	[tilespmem:s25+$0x2930] =	vst v0  }
0x20: {  	[tilespmem:s25+$0x2940] =	vst v0  }
0x21: {  	[tilespmem:s25+$0x2950] =	vst v0  }
0x22: {  	[tilespmem:s25+$0x2960] =	vst v0  }
0x23: {  	[spmem:s5] =	stream.linear.scatter [tilespmem:s18], [sflag:$0x2], $0x2800, $0x38;
	[tilespmem:$0x19100] =	vst v63  }
0x24: {  	_ =	swait.ge [sflag:s19], $0x2800  }
0x25: {  	[sflag:s19] =	ssyncset.done $0x0  }
0x26: {  	[sflag:s19] =	ssyncadd.s32 $0xFFFFD800  }
0x27: {  	[spmem:s6] =	stream.linear.scatter [tilespmem:s18], [sflag:$0x2], $0x2800, $0x38;
	[tilespmem:$0x19100] =	vst v63  }
0x28: {  	_ =	swait.ge [sflag:s19], $0x2800  }
0x29: {  	[sflag:s19] =	ssyncset.done $0x0  }
0x2a: {  	[sflag:s19] =	ssyncadd.s32 $0xFFFFD800  }
0x2b: {  	[spmem:s7] =	stream.linear.scatter [tilespmem:s18], [sflag:$0x2], $0x2800, $0x38;
	[tilespmem:$0x19100] =	vst v63  }
0x2c: {  	_ =	swait.ge [sflag:s19], $0x2800  }
0x2d: {  	[sflag:s19] =	ssyncset.done $0x0  }
0x2e: {  	[sflag:s19] =	ssyncadd.s32 $0xFFFFD800  }
0x2f: {  	[spmem:s8] =	stream.linear.scatter [tilespmem:s18], [sflag:$0x2], $0x2800, $0x38;
	[tilespmem:$0x19100] =	vst v63  }
0x30: {  	_ =	swait.ge [sflag:s19], $0x2800  }
0x31: {  	[sflag:s19] =	ssyncset.done $0x0  }
0x32: {  	[sflag:s19] =	ssyncadd.s32 $0xFFFFD800  }
0x33: {  	[spmem:s9] =	stream.linear.scatter [tilespmem:s18], [sflag:$0x2], $0x2800, $0x38;
	[tilespmem:$0x19100] =	vst v63  }
0x34: {  	_ =	swait.ge [sflag:s19], $0x2800  }
0x35: {  	[sflag:s19] =	ssyncset.done $0x0  }
0x36: {  	[sflag:s19] =	ssyncadd.s32 $0xFFFFD800  }
0x37: {  	[spmem:s10] =	stream.linear.scatter [tilespmem:s18], [sflag:$0x2], $0x2800, $0x38;
	[tilespmem:$0x19100] =	vst v63  }
0x38: {  	_ =	swait.ge [sflag:s19], $0x2800  }
0x39: {  	[sflag:s19] =	ssyncset.done $0x0  }
0x3a: {  	[sflag:s19] =	ssyncadd.s32 $0xFFFFD800  }
0x3b: {  	[spmem:s11] =	stream.linear.scatter [tilespmem:s18], [sflag:$0x2], $0x2800, $0x38;
	[tilespmem:$0x19100] =	vst v63  }
0x3c: {  	_ =	swait.ge [sflag:s19], $0x2800  }
0x3d: {  	[sflag:s19] =	ssyncset.done $0x0  }
0x3e: {  	[sflag:s19] =	ssyncadd.s32 $0xFFFFD800  }
0x3f: {  	[spmem:s12] =	stream.linear.scatter [tilespmem:s18], [sflag:$0x2], $0x2800, $0x38;
	[tilespmem:$0x19100] =	vst v63  }
0x40: {  	_ =	swait.ge [sflag:s19], $0x2800  }
0x41: {  	[sflag:s19] =	ssyncset.done $0x0  }
0x42: {  	[sflag:s19] =	ssyncadd.s32 $0xFFFFD800  }
0x43: {  	s30 =	sadd.s32 $0x0, s17;
	[bflag:$0x0] =	sbarrier.arrive $0xFFFF  }
0x44: {  	[tilespmem:s3], [sflag:$0x2] =	stream.linear.gather [hbm4b:s30+s3], $0x50, $0x38;
	[tilespmem:$0x19100] =	vst v63  }
0x45: {  	_ =	swait.ge [sflag:s19], $0x50  }
0x46: {  	[sflag:s19] =	ssyncset.done $0x0  }
0x47: {  	s31 =	sadd.s32 $0x0, s16;
	[sflag:s19] =	ssyncadd.s32 $0xFFFFFFB0  }
0x48: {  	[tilespmem:s20], [sflag:$0x2] =	stream.linear.gather [hbm4b:s31+s3], $0x50, $0x38;
	[tilespmem:$0x19100] =	vst v63  }
0x49: {  	_ =	swait.ge [sflag:s19], $0x50  }
0x4a: {  	[sflag:s19] =	ssyncset.done $0x0  }
0x4b: {  	[sflag:s19] =	ssyncadd.s32 $0xFFFFFFB0  }
0x4c: {  	[tilespmem:s22], [sflag:$0x1] =	stream.indirect.gather [hbm4b:s4+s21], $0x80, s3, s21, $0xb8;
	[tilespmem:$0x19100] =	vst v63  }
0x4d: {  	_ =	swait.ge [sflag:s23], $0x2800  }
0x4e: {  	[sflag:s23] =	ssyncset.done $0x0  }
0x4f: {  	[sflag:s23] =	ssyncadd.s32 $0xFFFFD800  }
0x50: {  	[spmem:s2] =	stream.indirect.scatter.add.f32 [tilespmem:s22], [sflag:$0x2], $0x80, s20, s21, $0xb8;
	[tilespmem:$0x19100] =	vst v63  }
0x51: {  	_ =	swait.ge [sflag:s19], $0x2800  }
0x52: {  	s25 =	simm.s32 $0xA;
	s26 =	simm.s32 $0x14;
	[sflag:s19] =	ssyncset.done $0x0  }
.LBB2_4:
0x53: {  	s28 =	sadd.s32 s25, s17  }
0x54: {  	[sflag:s19] =	ssyncadd.s32 $0xFFFFD800;
	s29 =	smov.u32 s26;
	s30 =	sadd.s32 $0xA, s26  }
0x55: {  	[tilespmem:s3], [sflag:$0x2] =	stream.linear.gather [hbm4b:s28+s3], $0x50, $0x38;
	[tilespmem:$0x19100] =	vst v63  }
0x56: {  	p1 =	sne.s32 s26, $0x9BA;
	_ =	swait.ge [sflag:s19], $0x50  }
0x57: {  	[sflag:s19] =	ssyncset.done $0x0  }
0x58: {  	s26 =	sadd.s32 s25, s16;
	s25 =	smov.u32 s29;
	[sflag:s19] =	ssyncadd.s32 $0xFFFFFFB0  }
0x59: {  	[tilespmem:s20], [sflag:$0x2] =	stream.linear.gather [hbm4b:s26+s3], $0x50, $0x38;
	[tilespmem:$0x19100] =	vst v63  }
0x5a: {  	_ =	swait.ge [sflag:s19], $0x50  }
0x5b: {  	[sflag:s19] =	ssyncset.done $0x0  }
0x5c: {  	[sflag:s19] =	ssyncadd.s32 $0xFFFFFFB0  }
0x5d: {  	[tilespmem:s22], [sflag:$0x1] =	stream.indirect.gather [hbm4b:s4+s21], $0x80, s3, s21, $0xb8;
	[tilespmem:$0x19100] =	vst v63  }
0x5e: {  	_ =	swait.ge [sflag:s23], $0x2800  }
.Ltmp1:
0x5f: {  	[sflag:s23] =	ssyncset.done $0x0;
	(pc) =	sbr.rel @p1 .LBB2_4-.Ltmp1, $4  }
0x60: {  	[sflag:s23] =	ssyncadd.s32 $0xFFFFD800  }
0x61: {  	[spmem:s2] =	stream.indirect.scatter.add.f32 [tilespmem:s22], [sflag:$0x2], $0x80, s20, s21, $0xb8;
	[tilespmem:$0x19100] =	vst v63  }
0x62: {  	_ =	swait.ge [sflag:s19], $0x2800  }
0x63: {  	s26 =	smov.u32 s30;
	[sflag:s19] =	ssyncset.done $0x0  }
0x64: {  	s26 =	sadd.s32 s25, s17;
	[sflag:s19] =	ssyncadd.s32 $0xFFFFD800  }
0x65: {  	[tilespmem:s3], [sflag:$0x2] =	stream.linear.gather [hbm4b:s26+s3], $0x50, $0x38;
	[tilespmem:$0x19100] =	vst v63  }
0x66: {  	_ =	swait.ge [sflag:s19], $0x50  }
0x67: {  	[sflag:s19] =	ssyncset.done $0x0  }
0x68: {  	s31 =	sadd.s32 s25, s16;
	[sflag:s19] =	ssyncadd.s32 $0xFFFFFFB0  }
0x69: {  	[tilespmem:s20], [sflag:$0x2] =	stream.linear.gather [hbm4b:s31+s3], $0x50, $0x38;
	[tilespmem:$0x19100] =	vst v63  }
0x6a: {  	_ =	swait.ge [sflag:s19], $0x50  }
0x6b: {  	[sflag:s19] =	ssyncset.done $0x0  }
0x6c: {  	[sflag:s19] =	ssyncadd.s32 $0xFFFFFFB0  }
0x6d: {  	[tilespmem:s22], [sflag:$0x1] =	stream.indirect.gather [hbm4b:s4+s21], $0x80, s3, s21, $0xb8;
	[tilespmem:$0x19100] =	vst v63  }
0x6e: {  	_ =	swait.ge [sflag:s23], $0x2800  }
0x6f: {  	[sflag:s23] =	ssyncset.done $0x0  }
0x70: {  	[sflag:s23] =	ssyncadd.s32 $0xFFFFD800  }
0x71: {  	[spmem:s2] =	stream.indirect.scatter.add.f32 [tilespmem:s22], [sflag:$0x2], $0x80, s20, s21, $0xb8;
	[tilespmem:$0x19100] =	vst v63  }
0x72: {  	_ =	swait.ge [sflag:s19], $0x2800  }
0x73: {  	[sflag:s19] =	ssyncset.done $0x0  }
0x74: {  	[sflag:s19] =	ssyncadd.s32 $0xFFFFD800  }
0x75: {  	s25 =	sshrl.u32 @p0 s5, $0x3;
	s26 =	simm.s32 @p0 $0x1FC2;
	[bflag:$0x0] =	sbarrier.arrive $0xFFFF  }
0x76: {  	[hbm:s14], [sflag:s26] =	dma.local @p0 [spmem:s25], $0x1900  }
0x77: {  	s25 =	simm.s32 @p0 $0x2  }
0x78: {  	s24 =	sadd.s32 $0x1, s24;
	_ =	swait.ge @p0 [sflag:s25], $0x1900  }
0x79: {  	p1 =	sne.s32 s24, s15;
	s26 =	sshll.u32 @!p0 s1, $0x6;
	[sflag:s25] =	ssyncset.done @p0 $0x0  }
0x7a: {  	[sflag:s25] =	ssyncadd.s32 @p0 $0xFFFFE700;
	s25 =	sor.u32 @!p0 $0x1C02, s26;
	s26 =	sshrl.u32 @!p0 s5, $0x3  }
0x7b: {  	[hbm:s13], [sflag:s25] =	dma.local @!p0 [spmem:s26], $0x2800  }
.Ltmp2:
0x7c: {  	_ = 	snop;
	(pc) =	sbr.rel @p1 .LBB2_1-.Ltmp2, $4  }
0x7d: {  	s25 =	simm.s32 @!p0 $0x2  }
0x7e: {  	_ =	swait.ge @!p0 [sflag:s25], $0x2800  }
0x7f: {  	[sflag:s25] =	ssyncset.done @!p0 $0x0  }
0x80: {  	[sflag:s25] =	ssyncadd.s32 @!p0 $0xFFFFD800  }
0x81: {  	_ =	sfence.sel $0x180000  }
0x82: {  	[bflag:$0x0] =	sbarrier.arrive $0xFFFF  }
0x83: {  	p0 =	sne.s32 s1, $0x0;
	_ =	strace $0x90000053  }
0x84: {  	s0 =	sadd.s32 @!p0 $0x100000, s0;
	[bflag:$0x2] =	sbarrier.arrive $0xFFFF  }
0x85: {  	[sflag:s0] =	ssyncadd.tile.s32 @!p0 $0x1;
	_ =	shalt  }
.Lfunc_end2:
_tile_overlayer_lowered:
.L_overlay_start_2:
0x86: {  	(tag) =	ssettag $0x2  }
0x87: {  	s0 =	rddreg [dreg:$0x0];
	s2 =	stileid.u32  }
0x88: {  	s1 =	rddreg [dreg:$0x1];
	p0 =	sne.s32 s2, $0x0  }
0x89: {  	s3 =	rddreg [dreg:$0x2];
	[bflag:$0x3] =	sbarrier.arrive $0xFFFF;
	s2 =	simm.s32 @!p0 $0x1C02  }
0x8a: {  	[timem:s3], [sflag:s2] =	dma.local @!p0 [hbm:s0], s1  }
0x8b: {  	s0 =	simm.s32 @!p0 $0x2  }
0x8c: {  	_ =	swait.ge @!p0 [sflag:s0], s1  }
0x8d: {  	s1 =	ssub.s32 @!p0 $0x0, s1;
	[sflag:s0] =	ssyncset.done @!p0 $0x0  }
0x8e: {  	[sflag:s0] =	ssyncadd.s32 @!p0 s1  }
0x8f: {  	[bflag:$0x3] =	sbarrier.arrive $0xFFFF  }
0x90: {  	_ =	shalt  }

</sc_bundles>
